<compile_context>
chip_gen: v7x
topology: tpu7x:2x2x1
jax: 0.10.2.dev20260603
libtpu: 0.0.44.dev20260713+nightly
codegen_flags: <defaults>
</compile_context>

<pallas_src>
import functools

import jax
import jax.numpy as jnp
from jax import lax
from jax.experimental import pallas as pl
from jax.experimental.pallas import tpu as pltpu
from jax.experimental.pallas import tpu_sc as plsc

EMBED_DIM = 32
BATCH = 16384
HIST = 200
IW = 128
NW = 32
COLS_PER_W = BATCH // NW
NBLK = COLS_PER_W // IW
NB = COLS_PER_W
N_PAIR = HIST // 2


def _make_gather():
    mesh = plsc.VectorSubcoreMesh(core_axis_name="c", subcore_axis_name="s")

    @functools.partial(
        pl.kernel,
        mesh=mesh,
        compiler_params=pltpu.CompilerParams(
            use_tc_tiling_on_sc=False, needs_layout_passes=False
        ),
        out_type=jax.ShapeDtypeStruct((HIST, 4, BATCH // IW, 8, IW), jnp.float32),
        scratch_types=[
            pltpu.VMEM((NBLK, IW), jnp.int32),
            pltpu.VMEM((NBLK, IW), jnp.int32),
            pltpu.VMEM((NB, EMBED_DIM), jnp.float32),
            pltpu.VMEM((NB, EMBED_DIM), jnp.float32),
            pltpu.VMEM((NBLK, 4, 8, IW + 1), jnp.float32),
            pltpu.VMEM((NBLK, 4, 8, IW + 1), jnp.float32),
            pltpu.SemaphoreType.DMA,
            pltpu.SemaphoreType.DMA,
            pltpu.SemaphoreType.DMA,
            pltpu.SemaphoreType.DMA,
            pltpu.SemaphoreType.DMA,
            pltpu.SemaphoreType.DMA,
        ],
    )
    def gather_kernel(tids_hbm, table_hbm, out_hbm,
                      idx0, idx1, g0, g1, gt0, gt1,
                      sg0, sg1, ss0, ss1, si0, si1):
        idxs = (idx0, idx1)
        gs = (g0, g1)
        gts = (gt0, gt1)
        sgs = (sg0, sg1)
        sss = (ss0, ss1)
        sis = (si0, si1)
        wid = lax.axis_index("s") * 2 + lax.axis_index("c")
        bw = wid * COLS_PER_W
        bw128 = wid * NBLK

        iota = lax.iota(jnp.int32, 16)
        dhi_lo = iota // 8
        dhi_hi = dhi_lo + 2
        dlo_v = iota % 8

        def fire_idx(h, b):
            pltpu.async_copy(
                tids_hbm.at[h, pl.ds(bw128, NBLK)], idxs[b], sis[b]
            )

        def wait_idx(b):
            pltpu.make_async_copy(
                tids_hbm.at[0, pl.ds(bw128, NBLK)], idxs[b], sis[b]
            ).wait()

        def fire_gathers(b):
            for j in range(NBLK):
                pltpu.async_copy(
                    table_hbm.at[idxs[b].at[j]],
                    gs[b].at[pl.ds(j * IW, IW)],
                    sgs[b],
                )

        def drain_gather(b):
            pltpu.make_async_copy(
                table_hbm.at[idxs[b].at[0]], gs[b], sgs[b]
            ).wait()

        def fire_store(h, b):
            for dhi in range(4):
                pltpu.async_copy(
                    gts[b].at[:, dhi, :, pl.ds(0, IW)],
                    out_hbm.at[h, dhi, pl.ds(bw128, NBLK)],
                    sss[b],
                )

        def drain_store(b):
            for dhi in range(4):
                pltpu.make_async_copy(
                    gts[b].at[:, dhi, :, pl.ds(0, IW)],
                    out_hbm.at[0, dhi, pl.ds(bw128, NBLK)],
                    sss[b],
                ).wait()

        def transpose(b):
            g = gs[b]
            gt = gts[b]

            def tbody(tg, cc):
                t0 = tg * 16
                bhi_v = jnp.full((16,), t0 // IW, dtype=jnp.int32)
                blo_base = t0 % IW
                for tt in range(16):
                    blo_v = jnp.full((16,), blo_base + tt, dtype=jnp.int32)
                    t = t0 + tt
                    v_lo = g[t, pl.ds(0, 16)]
                    v_hi = g[t, pl.ds(16, 16)]
                    plsc.store_scatter(gt, [bhi_v, dhi_lo, dlo_v, blo_v], v_lo)
                    plsc.store_scatter(gt, [bhi_v, dhi_hi, dlo_v, blo_v], v_hi)
                return cc

            lax.fori_loop(0, NB // 16, tbody, 0)

        fire_idx(0, 0)
        wait_idx(0)
        fire_gathers(0)
        fire_idx(1, 1)

        def body(ci, carry):
            for b in range(2):
                h = ci * 2 + b

                @pl.when(h + 1 < HIST)
                def _():
                    wait_idx(1 - b)
                    fire_gathers(1 - b)

                drain_gather(b)

                @pl.when(h + 2 < HIST)
                def _():
                    fire_idx(h + 2, b)

                @pl.when(ci > 0)
                def _():
                    drain_store(b)

                transpose(b)
                fire_store(h, b)
            return carry

        lax.fori_loop(0, N_PAIR, body, 0)
        drain_store(0)
        drain_store(1)

    return gather_kernel


_gather = _make_gather()


def kernel(token_ids, embed_weight):
    tids3 = token_ids.astype(jnp.int32).T.reshape(HIST, BATCH // IW, IW)
    out = _gather(tids3, embed_weight)
    return jnp.transpose(out, (2, 4, 0, 1, 3)).reshape(BATCH, HIST, EMBED_DIM)

# --- scband reference (transcript-rebuilt; emitter-appended) ---
"""Pipeline reference for scband-symbolic-embedding-34050500722942 (READ-ONLY COPY).

The authoritative reference and input builder live on the scoring server;
editing this copy changes nothing except your own understanding.
"""

import jax, jax.numpy as jnp
import numpy as np

VOCAB = 1000000
EMBED_DIM = 32
BATCH = 16384
HIST = 200

def setup_inputs(seed: int = 0) -> dict:
    key = jax.random.key(seed)
    k1, k2 = jax.random.split(key)
    token_ids = jax.random.randint(k1, (BATCH, HIST), 0, VOCAB, dtype=jnp.int64 if jax.config.jax_enable_x64 else jnp.int32)
    embed_weight = jax.random.normal(k2, (VOCAB, EMBED_DIM), dtype=jnp.float32)
    return {"token_ids": token_ids, "embed_weight": embed_weight}

def reference(token_ids, embed_weight):
    # nn.Embedding: gather rows of the table by token id
    return jnp.take(embed_weight, token_ids, axis=0)

if __name__ == "__main__":
    import jax
    _d = setup_inputs()
    print(jax.jit(kernel)(*tuple(_d.values())))

</pallas_src>

<mosaic_0001>
#map = affine_map<(d0, d1) -> (0, 0, 0)>
#map1 = affine_map<(d0, d1) -> (0, 0)>
#map2 = affine_map<(d0, d1) -> (0, 0, 0, 0, 0)>
module attributes {stable_mosaic.version = 14 : i64} {
  func.func @gather_kernel(%arg0: i32, %arg1: i32, %arg2: memref<200x128x128xi32, #tpu.memory_space<hbm>>, %arg3: memref<1000000x32xf32, #tpu.memory_space<hbm>>, %arg4: memref<200x4x128x8x128xf32, #tpu.memory_space<hbm>>, %arg5: memref<4x128xi32, #tpu.memory_space<vmem>>, %arg6: memref<4x128xi32, #tpu.memory_space<vmem>>, %arg7: memref<512x32xf32, #tpu.memory_space<vmem>>, %arg8: memref<512x32xf32, #tpu.memory_space<vmem>>, %arg9: memref<4x4x8x129xf32, #tpu.memory_space<vmem>>, %arg10: memref<4x4x8x129xf32, #tpu.memory_space<vmem>>, %arg11: memref<!tpu.dma_semaphore, #tpu.memory_space<semaphore_mem>>, %arg12: memref<!tpu.dma_semaphore, #tpu.memory_space<semaphore_mem>>, %arg13: memref<!tpu.dma_semaphore, #tpu.memory_space<semaphore_mem>>, %arg14: memref<!tpu.dma_semaphore, #tpu.memory_space<semaphore_mem>>, %arg15: memref<!tpu.dma_semaphore, #tpu.memory_space<semaphore_mem>>, %arg16: memref<!tpu.dma_semaphore, #tpu.memory_space<semaphore_mem>>) attributes {dimension_semantics = [#tpu.dimension_semantics<core_parallel>, #tpu.dimension_semantics<subcore_parallel>], iteration_bounds = array<i64: 2, 16>, scalar_prefetch = 0 : i64, scratch_operands = 12 : i64, tpu.core_type = #tpu.core_type<sc_vector_subcore>, window_params = [{transform_indices = #map}, {transform_indices = #map1}, {transform_indices = #map2}]} {
    %mul3A = arith.constant 2 : i32
    %mul3A_0 = arith.muli %arg1, %mul3A : i32
    %add3A = arith.addi %mul3A_0, %arg0 : i32
    %mul3A_1 = arith.constant 512 : i32
    %mul3A_2 = arith.muli %add3A, %mul3A_1 : i32
    %mul3A_3 = arith.constant 4 : i32
    %mul3A_4 = arith.muli %add3A, %mul3A_3 : i32
    %iota3A = tpu.iota {dimensions = array<i32: 0>} : vector<16xi32>
    %jit3A = arith.constant 8 : i32
    %div3A = vector.broadcast %jit3A : i32 to vector<16xi32>
    %div3A_5 = arith.divsi %iota3A, %div3A : vector<16xi32>
    %sign3A = arith.constant 0 : i32
    %sign3A_6 = vector.broadcast %sign3A : i32 to vector<16xi32>
    %sign3A_7 = arith.cmpi sgt, %iota3A, %sign3A_6 : vector<16xi32>
    %sign3A_8 = arith.extui %sign3A_7 : vector<16xi1> to vector<16xi32>
    %sign3A_9 = arith.constant 0 : i32
    %sign3A_10 = vector.broadcast %sign3A_9 : i32 to vector<16xi32>
    %sign3A_11 = arith.cmpi slt, %iota3A, %sign3A_10 : vector<16xi32>
    %sign3A_12 = arith.extui %sign3A_11 : vector<16xi1> to vector<16xi32>
    %sign3A_13 = arith.subi %sign3A_8, %sign3A_12 : vector<16xi32>
    %sign3A_14 = arith.constant 0 : i32
    %sign3A_15 = arith.cmpi sgt, %jit3A, %sign3A_14 : i32
    %sign3A_16 = arith.extui %sign3A_15 : i1 to i32
    %sign3A_17 = arith.constant 0 : i32
    %sign3A_18 = arith.cmpi slt, %jit3A, %sign3A_17 : i32
    %sign3A_19 = arith.extui %sign3A_18 : i1 to i32
    %sign3A_20 = arith.subi %sign3A_16, %sign3A_19 : i32
    %ne3A = vector.broadcast %sign3A_20 : i32 to vector<16xi32>
    %ne3A_21 = arith.cmpi ne, %sign3A_13, %ne3A : vector<16xi32>
    %rem3A = vector.broadcast %jit3A : i32 to vector<16xi32>
    %rem3A_22 = arith.remsi %iota3A, %rem3A : vector<16xi32>
    %ne3A_23 = arith.constant 0 : i32
    %ne3A_24 = vector.broadcast %ne3A_23 : i32 to vector<16xi32>
    %ne3A_25 = arith.cmpi ne, %rem3A_22, %ne3A_24 : vector<16xi32>
    %and3A = arith.andi %ne3A_21, %ne3A_25 : vector<16xi1>
    %sub3A = arith.constant 1 : i32
    %sub3A_26 = vector.broadcast %sub3A : i32 to vector<16xi32>
    %sub3A_27 = arith.subi %div3A_5, %sub3A_26 : vector<16xi32>
    %select_n3A = arith.select %and3A, %sub3A_27, %div3A_5 : vector<16xi1>, vector<16xi32>
    %add3A_28 = arith.constant 2 : i32
    %add3A_29 = vector.broadcast %add3A_28 : i32 to vector<16xi32>
    %add3A_30 = arith.addi %select_n3A, %add3A_29 : vector<16xi32>
    %jit3A_31 = arith.constant 8 : i32
    %eq3A = arith.constant 0 : i32
    %eq3A_32 = arith.cmpi eq, %jit3A_31, %eq3A : i32
    %jit3A_33 = arith.constant 1 : i32
    %select_n3A_34 = arith.select %eq3A_32, %jit3A_33, %jit3A_31 : i32
    %rem3A_35 = vector.broadcast %select_n3A_34 : i32 to vector<16xi32>
    %rem3A_36 = arith.remsi %iota3A, %rem3A_35 : vector<16xi32>
    %ne3A_37 = arith.constant 0 : i32
    %ne3A_38 = vector.broadcast %ne3A_37 : i32 to vector<16xi32>
    %ne3A_39 = arith.cmpi ne, %rem3A_36, %ne3A_38 : vector<16xi32>
    %lt3A = arith.constant 0 : i32
    %lt3A_40 = vector.broadcast %lt3A : i32 to vector<16xi32>
    %lt3A_41 = arith.cmpi slt, %rem3A_36, %lt3A_40 : vector<16xi32>
    %lt3A_42 = arith.constant 0 : i32
    %lt3A_43 = arith.cmpi slt, %select_n3A_34, %lt3A_42 : i32
    %ne3A_44 = vector.broadcast %lt3A_43 : i1 to vector<16xi1>
    %ne3A_45 = vector.broadcast %ne3A_44 : vector<16xi1> to vector<16xi1>
    %ne3A_46 = arith.xori %lt3A_41, %ne3A_45 : vector<16xi1>
    %and3A_47 = arith.andi %ne3A_46, %ne3A_39 : vector<16xi1>
    %add3A_48 = vector.broadcast %select_n3A_34 : i32 to vector<16xi32>
    %add3A_49 = arith.addi %rem3A_36, %add3A_48 : vector<16xi32>
    %select_n3A_50 = arith.select %and3A_47, %add3A_49, %rem3A_36 : vector<16xi1>, vector<16xi32>
    %dma_start3A = arith.constant 0 : i32
    %dma_start3A_51 = arith.constant 0 : i32
    %dma_start3A_52 = tpu.memref_slice %arg2[%dma_start3A, %mul3A_4, %dma_start3A_51] : memref<200x128x128xi32, #tpu.memory_space<hbm>> -> memref<1x4x128xi32, #tpu.memory_space<hbm>>
    %dma_start3A_53 = tpu.memref_squeeze %dma_start3A_52 : memref<1x4x128xi32, #tpu.memory_space<hbm>> -> memref<4x128xi32, #tpu.memory_space<hbm>>
    %dma_start3A_54 = arith.constant 0 : i32
    %dma_start3A_55 = tpu.memref_slice %arg2[%dma_start3A, %mul3A_4, %dma_start3A_54] : memref<200x128x128xi32, #tpu.memory_space<hbm>> -> memref<1x4x128xi32, #tpu.memory_space<hbm>>
    %dma_start3A_56 = tpu.memref_squeeze %dma_start3A_55 : memref<1x4x128xi32, #tpu.memory_space<hbm>> -> memref<4x128xi32, #tpu.memory_space<hbm>>
    tpu.enqueue_dma source(%dma_start3A_56 : memref<4x128xi32, #tpu.memory_space<hbm>>) target(%arg5 : memref<4x128xi32, #tpu.memory_space<vmem>>) target_semaphore(%arg15 : memref<!tpu.dma_semaphore, #tpu.memory_space<semaphore_mem>>)
    %dma_wait3A = arith.constant 0 : i32
    %dma_wait3A_57 = arith.constant 0 : i32
    %dma_wait3A_58 = tpu.memref_slice %arg2[%dma_wait3A, %mul3A_4, %dma_wait3A_57] : memref<200x128x128xi32, #tpu.memory_space<hbm>> -> memref<1x4x128xi32, #tpu.memory_space<hbm>>
    %dma_wait3A_59 = tpu.memref_squeeze %dma_wait3A_58 : memref<1x4x128xi32, #tpu.memory_space<hbm>> -> memref<4x128xi32, #tpu.memory_space<hbm>>
    %dma_wait3A_60 = arith.constant 0 : i32
    %dma_wait3A_61 = tpu.memref_slice %arg2[%dma_wait3A, %mul3A_4, %dma_wait3A_60] : memref<200x128x128xi32, #tpu.memory_space<hbm>> -> memref<1x4x128xi32, #tpu.memory_space<hbm>>
    %dma_wait3A_62 = tpu.memref_squeeze %dma_wait3A_61 : memref<1x4x128xi32, #tpu.memory_space<hbm>> -> memref<4x128xi32, #tpu.memory_space<hbm>>
    tpu.wait_dma2 semaphore(%arg15 : memref<!tpu.dma_semaphore, #tpu.memory_space<semaphore_mem>>) src(%dma_wait3A_62 : memref<4x128xi32, #tpu.memory_space<hbm>>) dst(%arg5 : memref<4x128xi32, #tpu.memory_space<vmem>>)
    %dma_start3A_63 = arith.constant 0 : i32
    %dma_start3A_64 = arith.constant 0 : i32
    %dma_start3A_65 = arith.constant 0 : i32
    %dma_start3A_66 = tpu.memref_slice %arg7[%dma_start3A_64, %dma_start3A_65] : memref<512x32xf32, #tpu.memory_space<vmem>> -> memref<128x32xf32, #tpu.memory_space<vmem>>
    %dma_start3A_67 = arith.constant 0 : i32
    %dma_start3A_68 = tpu.memref_slice %arg5[%dma_start3A_63, %dma_start3A_67] : memref<4x128xi32, #tpu.memory_space<vmem>> -> memref<1x128xi32, #tpu.memory_space<vmem>>
    %dma_start3A_69 = tpu.memref_squeeze %dma_start3A_68 : memref<1x128xi32, #tpu.memory_space<vmem>> -> memref<128xi32, #tpu.memory_space<vmem>>
    %dma_start3A_70 = arith.constant 0 : i32
    %dma_start3A_71 = arith.constant 0 : i32
    %dma_start3A_72 = tpu.memref_slice %arg3[%dma_start3A_70, %dma_start3A_71] : memref<1000000x32xf32, #tpu.memory_space<hbm>> -> memref<1000000x32xf32, #tpu.memory_space<hbm>>
    tpu.enqueue_indirect_dma source(%dma_start3A_72 : memref<1000000x32xf32, #tpu.memory_space<hbm>>) target(%dma_start3A_66 : memref<128x32xf32, #tpu.memory_space<vmem>>) offsets(%dma_start3A_69 : memref<128xi32, #tpu.memory_space<vmem>>) semaphore(%arg11 : memref<!tpu.dma_semaphore, #tpu.memory_space<semaphore_mem>>)
    %dma_start3A_73 = arith.constant 1 : i32
    %dma_start3A_74 = arith.constant 128 : i32
    %dma_start3A_75 = arith.constant 0 : i32
    %dma_start3A_76 = tpu.memref_slice %arg7[%dma_start3A_74, %dma_start3A_75] : memref<512x32xf32, #tpu.memory_space<vmem>> -> memref<128x32xf32, #tpu.memory_space<vmem>>
    %dma_start3A_77 = arith.constant 0 : i32
    %dma_start3A_78 = tpu.memref_slice %arg5[%dma_start3A_73, %dma_start3A_77] : memref<4x128xi32, #tpu.memory_space<vmem>> -> memref<1x128xi32, #tpu.memory_space<vmem>>
    %dma_start3A_79 = tpu.memref_squeeze %dma_start3A_78 : memref<1x128xi32, #tpu.memory_space<vmem>> -> memref<128xi32, #tpu.memory_space<vmem>>
    %dma_start3A_80 = arith.constant 0 : i32
    %dma_start3A_81 = arith.constant 0 : i32
    %dma_start3A_82 = tpu.memref_slice %arg3[%dma_start3A_80, %dma_start3A_81] : memref<1000000x32xf32, #tpu.memory_space<hbm>> -> memref<1000000x32xf32, #tpu.memory_space<hbm>>
    tpu.enqueue_indirect_dma source(%dma_start3A_82 : memref<1000000x32xf32, #tpu.memory_space<hbm>>) target(%dma_start3A_76 : memref<128x32xf32, #tpu.memory_space<vmem>>) offsets(%dma_start3A_79 : memref<128xi32, #tpu.memory_space<vmem>>) semaphore(%arg11 : memref<!tpu.dma_semaphore, #tpu.memory_space<semaphore_mem>>)
    %dma_start3A_83 = arith.constant 2 : i32
    %dma_start3A_84 = arith.constant 256 : i32
    %dma_start3A_85 = arith.constant 0 : i32
    %dma_start3A_86 = tpu.memref_slice %arg7[%dma_start3A_84, %dma_start3A_85] : memref<512x32xf32, #tpu.memory_space<vmem>> -> memref<128x32xf32, #tpu.memory_space<vmem>>
    %dma_start3A_87 = arith.constant 0 : i32
    %dma_start3A_88 = tpu.memref_slice %arg5[%dma_start3A_83, %dma_start3A_87] : memref<4x128xi32, #tpu.memory_space<vmem>> -> memref<1x128xi32, #tpu.memory_space<vmem>>
    %dma_start3A_89 = tpu.memref_squeeze %dma_start3A_88 : memref<1x128xi32, #tpu.memory_space<vmem>> -> memref<128xi32, #tpu.memory_space<vmem>>
    %dma_start3A_90 = arith.constant 0 : i32
    %dma_start3A_91 = arith.constant 0 : i32
    %dma_start3A_92 = tpu.memref_slice %arg3[%dma_start3A_90, %dma_start3A_91] : memref<1000000x32xf32, #tpu.memory_space<hbm>> -> memref<1000000x32xf32, #tpu.memory_space<hbm>>
    tpu.enqueue_indirect_dma source(%dma_start3A_92 : memref<1000000x32xf32, #tpu.memory_space<hbm>>) target(%dma_start3A_86 : memref<128x32xf32, #tpu.memory_space<vmem>>) offsets(%dma_start3A_89 : memref<128xi32, #tpu.memory_space<vmem>>) semaphore(%arg11 : memref<!tpu.dma_semaphore, #tpu.memory_space<semaphore_mem>>)
    %dma_start3A_93 = arith.constant 3 : i32
    %dma_start3A_94 = arith.constant 384 : i32
    %dma_start3A_95 = arith.constant 0 : i32
    %dma_start3A_96 = tpu.memref_slice %arg7[%dma_start3A_94, %dma_start3A_95] : memref<512x32xf32, #tpu.memory_space<vmem>> -> memref<128x32xf32, #tpu.memory_space<vmem>>
    %dma_start3A_97 = arith.constant 0 : i32
    %dma_start3A_98 = tpu.memref_slice %arg5[%dma_start3A_93, %dma_start3A_97] : memref<4x128xi32, #tpu.memory_space<vmem>> -> memref<1x128xi32, #tpu.memory_space<vmem>>
    %dma_start3A_99 = tpu.memref_squeeze %dma_start3A_98 : memref<1x128xi32, #tpu.memory_space<vmem>> -> memref<128xi32, #tpu.memory_space<vmem>>
    %dma_start3A_100 = arith.constant 0 : i32
    %dma_start3A_101 = arith.constant 0 : i32
    %dma_start3A_102 = tpu.memref_slice %arg3[%dma_start3A_100, %dma_start3A_101] : memref<1000000x32xf32, #tpu.memory_space<hbm>> -> memref<1000000x32xf32, #tpu.memory_space<hbm>>
    tpu.enqueue_indirect_dma source(%dma_start3A_102 : memref<1000000x32xf32, #tpu.memory_space<hbm>>) target(%dma_start3A_96 : memref<128x32xf32, #tpu.memory_space<vmem>>) offsets(%dma_start3A_99 : memref<128xi32, #tpu.memory_space<vmem>>) semaphore(%arg11 : memref<!tpu.dma_semaphore, #tpu.memory_space<semaphore_mem>>)
    %dma_start3A_103 = arith.constant 1 : i32
    %dma_start3A_104 = arith.constant 0 : i32
    %dma_start3A_105 = tpu.memref_slice %arg2[%dma_start3A_103, %mul3A_4, %dma_start3A_104] : memref<200x128x128xi32, #tpu.memory_space<hbm>> -> memref<1x4x128xi32, #tpu.memory_space<hbm>>
    %dma_start3A_106 = tpu.memref_squeeze %dma_start3A_105 : memref<1x4x128xi32, #tpu.memory_space<hbm>> -> memref<4x128xi32, #tpu.memory_space<hbm>>
    %dma_start3A_107 = arith.constant 0 : i32
    %dma_start3A_108 = tpu.memref_slice %arg2[%dma_start3A_103, %mul3A_4, %dma_start3A_107] : memref<200x128x128xi32, #tpu.memory_space<hbm>> -> memref<1x4x128xi32, #tpu.memory_space<hbm>>
    %dma_start3A_109 = tpu.memref_squeeze %dma_start3A_108 : memref<1x4x128xi32, #tpu.memory_space<hbm>> -> memref<4x128xi32, #tpu.memory_space<hbm>>
    tpu.enqueue_dma source(%dma_start3A_109 : memref<4x128xi32, #tpu.memory_space<hbm>>) target(%arg6 : memref<4x128xi32, #tpu.memory_space<vmem>>) target_semaphore(%arg16 : memref<!tpu.dma_semaphore, #tpu.memory_space<semaphore_mem>>)
    %scan3A = arith.constant 0 : i32
    %scan3A_110 = arith.constant 0 : i32
    %scan3A_111 = arith.constant 100 : i32
    %scan3A_112 = arith.addi %scan3A_110, %scan3A_111 : i32
    %scan3A_113 = arith.constant 1 : i32
    scf.for %scan3A_283 = %scan3A_110 to %scan3A_112 step %scan3A_113  : i32 {
      %mul3A_284 = arith.constant 2 : i32
      %mul3A_285 = arith.muli %scan3A_283, %mul3A_284 : i32
      %add3A_286 = arith.constant 0 : i32
      %add3A_287 = arith.addi %mul3A_285, %add3A_286 : i32
      %add3A_288 = arith.constant 1 : i32
      %add3A_289 = arith.addi %add3A_287, %add3A_288 : i32
      %lt3A_290 = arith.constant 200 : i32
      %lt3A_291 = arith.cmpi slt, %add3A_289, %lt3A_290 : i32
      %convert_element_type3A = arith.extui %lt3A_291 : i1 to i32
      %cond3A = arith.constant 0 : i32
      %cond3A_292 = arith.cmpi ne, %convert_element_type3A, %cond3A : i32
      scf.if %cond3A_292 {
        %dma_wait3A_513 = arith.constant 0 : i32
        %dma_wait3A_514 = arith.constant 0 : i32
        %dma_wait3A_515 = tpu.memref_slice %arg2[%dma_wait3A_513, %mul3A_4, %dma_wait3A_514] : memref<200x128x128xi32, #tpu.memory_space<hbm>> -> memref<1x4x128xi32, #tpu.memory_space<hbm>>
        %dma_wait3A_516 = tpu.memref_squeeze %dma_wait3A_515 : memref<1x4x128xi32, #tpu.memory_space<hbm>> -> memref<4x128xi32, #tpu.memory_space<hbm>>
        %dma_wait3A_517 = arith.constant 0 : i32
        %dma_wait3A_518 = tpu.memref_slice %arg2[%dma_wait3A_513, %mul3A_4, %dma_wait3A_517] : memref<200x128x128xi32, #tpu.memory_space<hbm>> -> memref<1x4x128xi32, #tpu.memory_space<hbm>>
        %dma_wait3A_519 = tpu.memref_squeeze %dma_wait3A_518 : memref<1x4x128xi32, #tpu.memory_space<hbm>> -> memref<4x128xi32, #tpu.memory_space<hbm>>
        tpu.wait_dma2 semaphore(%arg16 : memref<!tpu.dma_semaphore, #tpu.memory_space<semaphore_mem>>) src(%dma_wait3A_519 : memref<4x128xi32, #tpu.memory_space<hbm>>) dst(%arg6 : memref<4x128xi32, #tpu.memory_space<vmem>>)
        %dma_start3A_520 = arith.constant 0 : i32
        %dma_start3A_521 = arith.constant 0 : i32
        %dma_start3A_522 = arith.constant 0 : i32
        %dma_start3A_523 = tpu.memref_slice %arg8[%dma_start3A_521, %dma_start3A_522] : memref<512x32xf32, #tpu.memory_space<vmem>> -> memref<128x32xf32, #tpu.memory_space<vmem>>
        %dma_start3A_524 = arith.constant 0 : i32
        %dma_start3A_525 = tpu.memref_slice %arg6[%dma_start3A_520, %dma_start3A_524] : memref<4x128xi32, #tpu.memory_space<vmem>> -> memref<1x128xi32, #tpu.memory_space<vmem>>
        %dma_start3A_526 = tpu.memref_squeeze %dma_start3A_525 : memref<1x128xi32, #tpu.memory_space<vmem>> -> memref<128xi32, #tpu.memory_space<vmem>>
        %dma_start3A_527 = arith.constant 0 : i32
        %dma_start3A_528 = arith.constant 0 : i32
        %dma_start3A_529 = tpu.memref_slice %arg3[%dma_start3A_527, %dma_start3A_528] : memref<1000000x32xf32, #tpu.memory_space<hbm>> -> memref<1000000x32xf32, #tpu.memory_space<hbm>>
        tpu.enqueue_indirect_dma source(%dma_start3A_529 : memref<1000000x32xf32, #tpu.memory_space<hbm>>) target(%dma_start3A_523 : memref<128x32xf32, #tpu.memory_space<vmem>>) offsets(%dma_start3A_526 : memref<128xi32, #tpu.memory_space<vmem>>) semaphore(%arg12 : memref<!tpu.dma_semaphore, #tpu.memory_space<semaphore_mem>>)
        %dma_start3A_530 = arith.constant 1 : i32
        %dma_start3A_531 = arith.constant 128 : i32
        %dma_start3A_532 = arith.constant 0 : i32
        %dma_start3A_533 = tpu.memref_slice %arg8[%dma_start3A_531, %dma_start3A_532] : memref<512x32xf32, #tpu.memory_space<vmem>> -> memref<128x32xf32, #tpu.memory_space<vmem>>
        %dma_start3A_534 = arith.constant 0 : i32
        %dma_start3A_535 = tpu.memref_slice %arg6[%dma_start3A_530, %dma_start3A_534] : memref<4x128xi32, #tpu.memory_space<vmem>> -> memref<1x128xi32, #tpu.memory_space<vmem>>
        %dma_start3A_536 = tpu.memref_squeeze %dma_start3A_535 : memref<1x128xi32, #tpu.memory_space<vmem>> -> memref<128xi32, #tpu.memory_space<vmem>>
        %dma_start3A_537 = arith.constant 0 : i32
        %dma_start3A_538 = arith.constant 0 : i32
        %dma_start3A_539 = tpu.memref_slice %arg3[%dma_start3A_537, %dma_start3A_538] : memref<1000000x32xf32, #tpu.memory_space<hbm>> -> memref<1000000x32xf32, #tpu.memory_space<hbm>>
        tpu.enqueue_indirect_dma source(%dma_start3A_539 : memref<1000000x32xf32, #tpu.memory_space<hbm>>) target(%dma_start3A_533 : memref<128x32xf32, #tpu.memory_space<vmem>>) offsets(%dma_start3A_536 : memref<128xi32, #tpu.memory_space<vmem>>) semaphore(%arg12 : memref<!tpu.dma_semaphore, #tpu.memory_space<semaphore_mem>>)
        %dma_start3A_540 = arith.constant 2 : i32
        %dma_start3A_541 = arith.constant 256 : i32
        %dma_start3A_542 = arith.constant 0 : i32
        %dma_start3A_543 = tpu.memref_slice %arg8[%dma_start3A_541, %dma_start3A_542] : memref<512x32xf32, #tpu.memory_space<vmem>> -> memref<128x32xf32, #tpu.memory_space<vmem>>
        %dma_start3A_544 = arith.constant 0 : i32
        %dma_start3A_545 = tpu.memref_slice %arg6[%dma_start3A_540, %dma_start3A_544] : memref<4x128xi32, #tpu.memory_space<vmem>> -> memref<1x128xi32, #tpu.memory_space<vmem>>
        %dma_start3A_546 = tpu.memref_squeeze %dma_start3A_545 : memref<1x128xi32, #tpu.memory_space<vmem>> -> memref<128xi32, #tpu.memory_space<vmem>>
        %dma_start3A_547 = arith.constant 0 : i32
        %dma_start3A_548 = arith.constant 0 : i32
        %dma_start3A_549 = tpu.memref_slice %arg3[%dma_start3A_547, %dma_start3A_548] : memref<1000000x32xf32, #tpu.memory_space<hbm>> -> memref<1000000x32xf32, #tpu.memory_space<hbm>>
        tpu.enqueue_indirect_dma source(%dma_start3A_549 : memref<1000000x32xf32, #tpu.memory_space<hbm>>) target(%dma_start3A_543 : memref<128x32xf32, #tpu.memory_space<vmem>>) offsets(%dma_start3A_546 : memref<128xi32, #tpu.memory_space<vmem>>) semaphore(%arg12 : memref<!tpu.dma_semaphore, #tpu.memory_space<semaphore_mem>>)
        %dma_start3A_550 = arith.constant 3 : i32
        %dma_start3A_551 = arith.constant 384 : i32
        %dma_start3A_552 = arith.constant 0 : i32
        %dma_start3A_553 = tpu.memref_slice %arg8[%dma_start3A_551, %dma_start3A_552] : memref<512x32xf32, #tpu.memory_space<vmem>> -> memref<128x32xf32, #tpu.memory_space<vmem>>
        %dma_start3A_554 = arith.constant 0 : i32
        %dma_start3A_555 = tpu.memref_slice %arg6[%dma_start3A_550, %dma_start3A_554] : memref<4x128xi32, #tpu.memory_space<vmem>> -> memref<1x128xi32, #tpu.memory_space<vmem>>
        %dma_start3A_556 = tpu.memref_squeeze %dma_start3A_555 : memref<1x128xi32, #tpu.memory_space<vmem>> -> memref<128xi32, #tpu.memory_space<vmem>>
        %dma_start3A_557 = arith.constant 0 : i32
        %dma_start3A_558 = arith.constant 0 : i32
        %dma_start3A_559 = tpu.memref_slice %arg3[%dma_start3A_557, %dma_start3A_558] : memref<1000000x32xf32, #tpu.memory_space<hbm>> -> memref<1000000x32xf32, #tpu.memory_space<hbm>>
        tpu.enqueue_indirect_dma source(%dma_start3A_559 : memref<1000000x32xf32, #tpu.memory_space<hbm>>) target(%dma_start3A_553 : memref<128x32xf32, #tpu.memory_space<vmem>>) offsets(%dma_start3A_556 : memref<128xi32, #tpu.memory_space<vmem>>) semaphore(%arg12 : memref<!tpu.dma_semaphore, #tpu.memory_space<semaphore_mem>>)
      } else {
      }
      %dma_wait3A_293 = arith.constant 0 : i32
      %dma_wait3A_294 = arith.constant 0 : i32
      %dma_wait3A_295 = tpu.memref_slice %arg5[%dma_wait3A_293, %dma_wait3A_294] : memref<4x128xi32, #tpu.memory_space<vmem>> -> memref<1x128xi32, #tpu.memory_space<vmem>>
      %dma_wait3A_296 = tpu.memref_squeeze %dma_wait3A_295 : memref<1x128xi32, #tpu.memory_space<vmem>> -> memref<128xi32, #tpu.memory_space<vmem>>
      %dma_wait3A_297 = arith.constant 0 : i32
      %dma_wait3A_298 = arith.constant 0 : i32
      %dma_wait3A_299 = tpu.memref_slice %arg3[%dma_wait3A_297, %dma_wait3A_298] : memref<1000000x32xf32, #tpu.memory_space<hbm>> -> memref<1000000x32xf32, #tpu.memory_space<hbm>>
      tpu.wait_indirect_dma semaphore(%arg11 : memref<!tpu.dma_semaphore, #tpu.memory_space<semaphore_mem>>) src(%dma_wait3A_299 : memref<1000000x32xf32, #tpu.memory_space<hbm>>) dst(%arg7 : memref<512x32xf32, #tpu.memory_space<vmem>>)
      %add3A_300 = arith.constant 2 : i32
      %add3A_301 = arith.addi %add3A_287, %add3A_300 : i32
      %lt3A_302 = arith.constant 200 : i32
      %lt3A_303 = arith.cmpi slt, %add3A_301, %lt3A_302 : i32
      %convert_element_type3A_304 = arith.extui %lt3A_303 : i1 to i32
      %cond3A_305 = arith.constant 0 : i32
      %cond3A_306 = arith.cmpi ne, %convert_element_type3A_304, %cond3A_305 : i32
      scf.if %cond3A_306 {
        %add3A_513 = arith.constant 2 : i32
        %add3A_514 = arith.addi %add3A_287, %add3A_513 : i32
        %dma_start3A_515 = arith.constant 0 : i32
        %dma_start3A_516 = tpu.memref_slice %arg2[%add3A_514, %mul3A_4, %dma_start3A_515] : memref<200x128x128xi32, #tpu.memory_space<hbm>> -> memref<1x4x128xi32, #tpu.memory_space<hbm>>
        %dma_start3A_517 = tpu.memref_squeeze %dma_start3A_516 : memref<1x4x128xi32, #tpu.memory_space<hbm>> -> memref<4x128xi32, #tpu.memory_space<hbm>>
        %dma_start3A_518 = arith.constant 0 : i32
        %dma_start3A_519 = tpu.memref_slice %arg2[%add3A_514, %mul3A_4, %dma_start3A_518] : memref<200x128x128xi32, #tpu.memory_space<hbm>> -> memref<1x4x128xi32, #tpu.memory_space<hbm>>
        %dma_start3A_520 = tpu.memref_squeeze %dma_start3A_519 : memref<1x4x128xi32, #tpu.memory_space<hbm>> -> memref<4x128xi32, #tpu.memory_space<hbm>>
        tpu.enqueue_dma source(%dma_start3A_520 : memref<4x128xi32, #tpu.memory_space<hbm>>) target(%arg5 : memref<4x128xi32, #tpu.memory_space<vmem>>) target_semaphore(%arg15 : memref<!tpu.dma_semaphore, #tpu.memory_space<semaphore_mem>>)
      } else {
      }
      %gt3A = arith.constant 0 : i32
      %gt3A_307 = arith.cmpi sgt, %scan3A_283, %gt3A : i32
      %convert_element_type3A_308 = arith.extui %gt3A_307 : i1 to i32
      %cond3A_309 = arith.constant 0 : i32
      %cond3A_310 = arith.cmpi ne, %convert_element_type3A_308, %cond3A_309 : i32
      scf.if %cond3A_310 {
        %dma_wait3A_513 = arith.constant 0 : i32
        %dma_wait3A_514 = arith.constant 0 : i32
        %dma_wait3A_515 = arith.constant 0 : i32
        %dma_wait3A_516 = arith.constant 0 : i32
        %dma_wait3A_517 = arith.constant 0 : i32
        %dma_wait3A_518 = arith.constant 0 : i32
        %dma_wait3A_519 = tpu.memref_slice %arg9[%dma_wait3A_516, %dma_wait3A_513, %dma_wait3A_517, %dma_wait3A_518] : memref<4x4x8x129xf32, #tpu.memory_space<vmem>> -> memref<4x1x8x128xf32, #tpu.memory_space<vmem>>
        %dma_wait3A_520 = tpu.memref_squeeze %dma_wait3A_519 : memref<4x1x8x128xf32, #tpu.memory_space<vmem>> -> memref<4x8x128xf32, #tpu.memory_space<vmem>>
        %dma_wait3A_521 = arith.constant 0 : i32
        %dma_wait3A_522 = arith.constant 0 : i32
        %dma_wait3A_523 = tpu.memref_slice %arg4[%dma_wait3A_514, %dma_wait3A_515, %mul3A_4, %dma_wait3A_521, %dma_wait3A_522] : memref<200x4x128x8x128xf32, #tpu.memory_space<hbm>> -> memref<1x1x4x8x128xf32, #tpu.memory_space<hbm>>
        %dma_wait3A_524 = tpu.memref_squeeze %dma_wait3A_523 : memref<1x1x4x8x128xf32, #tpu.memory_space<hbm>> -> memref<4x8x128xf32, #tpu.memory_space<hbm>>
        %dma_wait3A_525 = arith.constant 0 : i32
        %dma_wait3A_526 = arith.constant 0 : i32
        %dma_wait3A_527 = tpu.memref_slice %arg4[%dma_wait3A_514, %dma_wait3A_515, %mul3A_4, %dma_wait3A_525, %dma_wait3A_526] : memref<200x4x128x8x128xf32, #tpu.memory_space<hbm>> -> memref<1x1x4x8x128xf32, #tpu.memory_space<hbm>>
        %dma_wait3A_528 = tpu.memref_squeeze %dma_wait3A_527 : memref<1x1x4x8x128xf32, #tpu.memory_space<hbm>> -> memref<4x8x128xf32, #tpu.memory_space<hbm>>
        %dma_wait3A_529 = arith.constant 0 : i32
        %dma_wait3A_530 = arith.constant 0 : i32
        %dma_wait3A_531 = arith.constant 0 : i32
        %dma_wait3A_532 = tpu.memref_slice %arg9[%dma_wait3A_529, %dma_wait3A_513, %dma_wait3A_530, %dma_wait3A_531] : memref<4x4x8x129xf32, #tpu.memory_space<vmem>> -> memref<4x1x8x128xf32, #tpu.memory_space<vmem>>
        %dma_wait3A_533 = tpu.memref_squeeze %dma_wait3A_532 : memref<4x1x8x128xf32, #tpu.memory_space<vmem>> -> memref<4x8x128xf32, #tpu.memory_space<vmem>>
        tpu.wait_dma2 semaphore(%arg13 : memref<!tpu.dma_semaphore, #tpu.memory_space<semaphore_mem>>) src(%dma_wait3A_533 : memref<4x8x128xf32, #tpu.memory_space<vmem>>) dst(%dma_wait3A_528 : memref<4x8x128xf32, #tpu.memory_space<hbm>>)
        %dma_wait3A_534 = arith.constant 1 : i32
        %dma_wait3A_535 = arith.constant 0 : i32
        %dma_wait3A_536 = arith.constant 1 : i32
        %dma_wait3A_537 = arith.constant 0 : i32
        %dma_wait3A_538 = arith.constant 0 : i32
        %dma_wait3A_539 = arith.constant 0 : i32
        %dma_wait3A_540 = tpu.memref_slice %arg9[%dma_wait3A_537, %dma_wait3A_534, %dma_wait3A_538, %dma_wait3A_539] : memref<4x4x8x129xf32, #tpu.memory_space<vmem>> -> memref<4x1x8x128xf32, #tpu.memory_space<vmem>>
        %dma_wait3A_541 = tpu.memref_squeeze %dma_wait3A_540 : memref<4x1x8x128xf32, #tpu.memory_space<vmem>> -> memref<4x8x128xf32, #tpu.memory_space<vmem>>
        %dma_wait3A_542 = arith.constant 0 : i32
        %dma_wait3A_543 = arith.constant 0 : i32
        %dma_wait3A_544 = tpu.memref_slice %arg4[%dma_wait3A_535, %dma_wait3A_536, %mul3A_4, %dma_wait3A_542, %dma_wait3A_543] : memref<200x4x128x8x128xf32, #tpu.memory_space<hbm>> -> memref<1x1x4x8x128xf32, #tpu.memory_space<hbm>>
        %dma_wait3A_545 = tpu.memref_squeeze %dma_wait3A_544 : memref<1x1x4x8x128xf32, #tpu.memory_space<hbm>> -> memref<4x8x128xf32, #tpu.memory_space<hbm>>
        %dma_wait3A_546 = arith.constant 0 : i32
        %dma_wait3A_547 = arith.constant 0 : i32
        %dma_wait3A_548 = tpu.memref_slice %arg4[%dma_wait3A_535, %dma_wait3A_536, %mul3A_4, %dma_wait3A_546, %dma_wait3A_547] : memref<200x4x128x8x128xf32, #tpu.memory_space<hbm>> -> memref<1x1x4x8x128xf32, #tpu.memory_space<hbm>>
        %dma_wait3A_549 = tpu.memref_squeeze %dma_wait3A_548 : memref<1x1x4x8x128xf32, #tpu.memory_space<hbm>> -> memref<4x8x128xf32, #tpu.memory_space<hbm>>
        %dma_wait3A_550 = arith.constant 0 : i32
        %dma_wait3A_551 = arith.constant 0 : i32
        %dma_wait3A_552 = arith.constant 0 : i32
        %dma_wait3A_553 = tpu.memref_slice %arg9[%dma_wait3A_550, %dma_wait3A_534, %dma_wait3A_551, %dma_wait3A_552] : memref<4x4x8x129xf32, #tpu.memory_space<vmem>> -> memref<4x1x8x128xf32, #tpu.memory_space<vmem>>
        %dma_wait3A_554 = tpu.memref_squeeze %dma_wait3A_553 : memref<4x1x8x128xf32, #tpu.memory_space<vmem>> -> memref<4x8x128xf32, #tpu.memory_space<vmem>>
        tpu.wait_dma2 semaphore(%arg13 : memref<!tpu.dma_semaphore, #tpu.memory_space<semaphore_mem>>) src(%dma_wait3A_554 : memref<4x8x128xf32, #tpu.memory_space<vmem>>) dst(%dma_wait3A_549 : memref<4x8x128xf32, #tpu.memory_space<hbm>>)
        %dma_wait3A_555 = arith.constant 2 : i32
        %dma_wait3A_556 = arith.constant 0 : i32
        %dma_wait3A_557 = arith.constant 2 : i32
        %dma_wait3A_558 = arith.constant 0 : i32
        %dma_wait3A_559 = arith.constant 0 : i32
        %dma_wait3A_560 = arith.constant 0 : i32
        %dma_wait3A_561 = tpu.memref_slice %arg9[%dma_wait3A_558, %dma_wait3A_555, %dma_wait3A_559, %dma_wait3A_560] : memref<4x4x8x129xf32, #tpu.memory_space<vmem>> -> memref<4x1x8x128xf32, #tpu.memory_space<vmem>>
        %dma_wait3A_562 = tpu.memref_squeeze %dma_wait3A_561 : memref<4x1x8x128xf32, #tpu.memory_space<vmem>> -> memref<4x8x128xf32, #tpu.memory_space<vmem>>
        %dma_wait3A_563 = arith.constant 0 : i32
        %dma_wait3A_564 = arith.constant 0 : i32
        %dma_wait3A_565 = tpu.memref_slice %arg4[%dma_wait3A_556, %dma_wait3A_557, %mul3A_4, %dma_wait3A_563, %dma_wait3A_564] : memref<200x4x128x8x128xf32, #tpu.memory_space<hbm>> -> memref<1x1x4x8x128xf32, #tpu.memory_space<hbm>>
        %dma_wait3A_566 = tpu.memref_squeeze %dma_wait3A_565 : memref<1x1x4x8x128xf32, #tpu.memory_space<hbm>> -> memref<4x8x128xf32, #tpu.memory_space<hbm>>
        %dma_wait3A_567 = arith.constant 0 : i32
        %dma_wait3A_568 = arith.constant 0 : i32
        %dma_wait3A_569 = tpu.memref_slice %arg4[%dma_wait3A_556, %dma_wait3A_557, %mul3A_4, %dma_wait3A_567, %dma_wait3A_568] : memref<200x4x128x8x128xf32, #tpu.memory_space<hbm>> -> memref<1x1x4x8x128xf32, #tpu.memory_space<hbm>>
        %dma_wait3A_570 = tpu.memref_squeeze %dma_wait3A_569 : memref<1x1x4x8x128xf32, #tpu.memory_space<hbm>> -> memref<4x8x128xf32, #tpu.memory_space<hbm>>
        %dma_wait3A_571 = arith.constant 0 : i32
        %dma_wait3A_572 = arith.constant 0 : i32
        %dma_wait3A_573 = arith.constant 0 : i32
        %dma_wait3A_574 = tpu.memref_slice %arg9[%dma_wait3A_571, %dma_wait3A_555, %dma_wait3A_572, %dma_wait3A_573] : memref<4x4x8x129xf32, #tpu.memory_space<vmem>> -> memref<4x1x8x128xf32, #tpu.memory_space<vmem>>
        %dma_wait3A_575 = tpu.memref_squeeze %dma_wait3A_574 : memref<4x1x8x128xf32, #tpu.memory_space<vmem>> -> memref<4x8x128xf32, #tpu.memory_space<vmem>>
        tpu.wait_dma2 semaphore(%arg13 : memref<!tpu.dma_semaphore, #tpu.memory_space<semaphore_mem>>) src(%dma_wait3A_575 : memref<4x8x128xf32, #tpu.memory_space<vmem>>) dst(%dma_wait3A_570 : memref<4x8x128xf32, #tpu.memory_space<hbm>>)
        %dma_wait3A_576 = arith.constant 3 : i32
        %dma_wait3A_577 = arith.constant 0 : i32
        %dma_wait3A_578 = arith.constant 3 : i32
        %dma_wait3A_579 = arith.constant 0 : i32
        %dma_wait3A_580 = arith.constant 0 : i32
        %dma_wait3A_581 = arith.constant 0 : i32
        %dma_wait3A_582 = tpu.memref_slice %arg9[%dma_wait3A_579, %dma_wait3A_576, %dma_wait3A_580, %dma_wait3A_581] : memref<4x4x8x129xf32, #tpu.memory_space<vmem>> -> memref<4x1x8x128xf32, #tpu.memory_space<vmem>>
        %dma_wait3A_583 = tpu.memref_squeeze %dma_wait3A_582 : memref<4x1x8x128xf32, #tpu.memory_space<vmem>> -> memref<4x8x128xf32, #tpu.memory_space<vmem>>
        %dma_wait3A_584 = arith.constant 0 : i32
        %dma_wait3A_585 = arith.constant 0 : i32
        %dma_wait3A_586 = tpu.memref_slice %arg4[%dma_wait3A_577, %dma_wait3A_578, %mul3A_4, %dma_wait3A_584, %dma_wait3A_585] : memref<200x4x128x8x128xf32, #tpu.memory_space<hbm>> -> memref<1x1x4x8x128xf32, #tpu.memory_space<hbm>>
        %dma_wait3A_587 = tpu.memref_squeeze %dma_wait3A_586 : memref<1x1x4x8x128xf32, #tpu.memory_space<hbm>> -> memref<4x8x128xf32, #tpu.memory_space<hbm>>
        %dma_wait3A_588 = arith.constant 0 : i32
        %dma_wait3A_589 = arith.constant 0 : i32
        %dma_wait3A_590 = tpu.memref_slice %arg4[%dma_wait3A_577, %dma_wait3A_578, %mul3A_4, %dma_wait3A_588, %dma_wait3A_589] : memref<200x4x128x8x128xf32, #tpu.memory_space<hbm>> -> memref<1x1x4x8x128xf32, #tpu.memory_space<hbm>>
        %dma_wait3A_591 = tpu.memref_squeeze %dma_wait3A_590 : memref<1x1x4x8x128xf32, #tpu.memory_space<hbm>> -> memref<4x8x128xf32, #tpu.memory_space<hbm>>
        %dma_wait3A_592 = arith.constant 0 : i32
        %dma_wait3A_593 = arith.constant 0 : i32
        %dma_wait3A_594 = arith.constant 0 : i32
        %dma_wait3A_595 = tpu.memref_slice %arg9[%dma_wait3A_592, %dma_wait3A_576, %dma_wait3A_593, %dma_wait3A_594] : memref<4x4x8x129xf32, #tpu.memory_space<vmem>> -> memref<4x1x8x128xf32, #tpu.memory_space<vmem>>
        %dma_wait3A_596 = tpu.memref_squeeze %dma_wait3A_595 : memref<4x1x8x128xf32, #tpu.memory_space<vmem>> -> memref<4x8x128xf32, #tpu.memory_space<vmem>>
        tpu.wait_dma2 semaphore(%arg13 : memref<!tpu.dma_semaphore, #tpu.memory_space<semaphore_mem>>) src(%dma_wait3A_596 : memref<4x8x128xf32, #tpu.memory_space<vmem>>) dst(%dma_wait3A_591 : memref<4x8x128xf32, #tpu.memory_space<hbm>>)
      } else {
      }
      %scan3A_311 = arith.constant 0 : i32
      %scan3A_312 = arith.constant 0 : i32
      %scan3A_313 = arith.constant 32 : i32
      %scan3A_314 = arith.addi %scan3A_312, %scan3A_313 : i32
      %scan3A_315 = arith.constant 1 : i32
      scf.for %scan3A_513 = %scan3A_312 to %scan3A_314 step %scan3A_315  : i32 {
        %mul3A_514 = arith.constant 16 : i32
        %mul3A_515 = arith.muli %scan3A_513, %mul3A_514 : i32
        %jit3A_516 = arith.constant 128 : i32
        %div3A_517 = arith.divsi %mul3A_515, %jit3A_516 : i32
        %sign3A_518 = arith.constant 0 : i32
        %sign3A_519 = arith.cmpi sgt, %mul3A_515, %sign3A_518 : i32
        %sign3A_520 = arith.extui %sign3A_519 : i1 to i32
        %sign3A_521 = arith.constant 0 : i32
        %sign3A_522 = arith.cmpi slt, %mul3A_515, %sign3A_521 : i32
        %sign3A_523 = arith.extui %sign3A_522 : i1 to i32
        %sign3A_524 = arith.subi %sign3A_520, %sign3A_523 : i32
        %sign3A_525 = arith.constant 0 : i32
        %sign3A_526 = arith.cmpi sgt, %jit3A_516, %sign3A_525 : i32
        %sign3A_527 = arith.extui %sign3A_526 : i1 to i32
        %sign3A_528 = arith.constant 0 : i32
        %sign3A_529 = arith.cmpi slt, %jit3A_516, %sign3A_528 : i32
        %sign3A_530 = arith.extui %sign3A_529 : i1 to i32
        %sign3A_531 = arith.subi %sign3A_527, %sign3A_530 : i32
        %ne3A_532 = arith.cmpi ne, %sign3A_524, %sign3A_531 : i32
        %rem3A_533 = arith.remsi %mul3A_515, %jit3A_516 : i32
        %ne3A_534 = arith.constant 0 : i32
        %ne3A_535 = arith.cmpi ne, %rem3A_533, %ne3A_534 : i32
        %and3A_536 = arith.andi %ne3A_532, %ne3A_535 : i1
        %sub3A_537 = arith.constant 1 : i32
        %sub3A_538 = arith.subi %div3A_517, %sub3A_537 : i32
        %select_n3A_539 = arith.select %and3A_536, %sub3A_538, %div3A_517 : i32
        %broadcast_in_dim3A = vector.broadcast %select_n3A_539 : i32 to vector<16xi32>
        %jit3A_540 = arith.constant 128 : i32
        %eq3A_541 = arith.constant 0 : i32
        %eq3A_542 = arith.cmpi eq, %jit3A_540, %eq3A_541 : i32
        %jit3A_543 = arith.constant 1 : i32
        %select_n3A_544 = arith.select %eq3A_542, %jit3A_543, %jit3A_540 : i32
        %rem3A_545 = arith.remsi %mul3A_515, %select_n3A_544 : i32
        %ne3A_546 = arith.constant 0 : i32
        %ne3A_547 = arith.cmpi ne, %rem3A_545, %ne3A_546 : i32
        %lt3A_548 = arith.constant 0 : i32
        %lt3A_549 = arith.cmpi slt, %rem3A_545, %lt3A_548 : i32
        %lt3A_550 = arith.constant 0 : i32
        %lt3A_551 = arith.cmpi slt, %select_n3A_544, %lt3A_550 : i32
        %ne3A_552 = arith.xori %lt3A_549, %lt3A_551 : i1
        %and3A_553 = arith.andi %ne3A_552, %ne3A_547 : i1
        %add3A_554 = arith.addi %rem3A_545, %select_n3A_544 : i32
        %select_n3A_555 = arith.select %and3A_553, %add3A_554, %rem3A_545 : i32
        %add3A_556 = arith.constant 0 : i32
        %add3A_557 = arith.addi %select_n3A_555, %add3A_556 : i32
        %broadcast_in_dim3A_558 = vector.broadcast %add3A_557 : i32 to vector<16xi32>
        %add3A_559 = arith.constant 0 : i32
        %add3A_560 = arith.addi %mul3A_515, %add3A_559 : i32
        %get3A = arith.index_cast %add3A_560 : i32 to index
        %get3A_561 = arith.constant 0 : index
        %get3A_562 = tpu.vector_load %arg7[%get3A, %get3A_561] {strides = array<i32>} : memref<512x32xf32, #tpu.memory_space<vmem>>, vector<16xf32>,
        %get3A_563 = arith.index_cast %add3A_560 : i32 to index
        %get3A_564 = arith.constant 16 : index
        %get3A_565 = tpu.vector_load %arg7[%get3A_563, %get3A_564] {strides = array<i32>} : memref<512x32xf32, #tpu.memory_space<vmem>>, vector<16xf32>,
        tpu.vector_store_idx %arg9[%broadcast_in_dim3A, %select_n3A, %select_n3A_50, %broadcast_in_dim3A_558], %get3A_562 : memref<4x4x8x129xf32, #tpu.memory_space<vmem>>[vector<16xi32>, vector<16xi32>, vector<16xi32>, vector<16xi32>], vector<16xf32>,
        tpu.vector_store_idx %arg9[%broadcast_in_dim3A, %add3A_30, %select_n3A_50, %broadcast_in_dim3A_558], %get3A_565 : memref<4x4x8x129xf32, #tpu.memory_space<vmem>>[vector<16xi32>, vector<16xi32>, vector<16xi32>, vector<16xi32>], vector<16xf32>,
        %add3A_566 = arith.constant 1 : i32
        %add3A_567 = arith.addi %select_n3A_555, %add3A_566 : i32
        %broadcast_in_dim3A_568 = vector.broadcast %add3A_567 : i32 to vector<16xi32>
        %add3A_569 = arith.constant 1 : i32
        %add3A_570 = arith.addi %mul3A_515, %add3A_569 : i32
        %get3A_571 = arith.index_cast %add3A_570 : i32 to index
        %get3A_572 = arith.constant 0 : index
        %get3A_573 = tpu.vector_load %arg7[%get3A_571, %get3A_572] {strides = array<i32>} : memref<512x32xf32, #tpu.memory_space<vmem>>, vector<16xf32>,
        %get3A_574 = arith.index_cast %add3A_570 : i32 to index
        %get3A_575 = arith.constant 16 : index
        %get3A_576 = tpu.vector_load %arg7[%get3A_574, %get3A_575] {strides = array<i32>} : memref<512x32xf32, #tpu.memory_space<vmem>>, vector<16xf32>,
        tpu.vector_store_idx %arg9[%broadcast_in_dim3A, %select_n3A, %select_n3A_50, %broadcast_in_dim3A_568], %get3A_573 : memref<4x4x8x129xf32, #tpu.memory_space<vmem>>[vector<16xi32>, vector<16xi32>, vector<16xi32>, vector<16xi32>], vector<16xf32>,
        tpu.vector_store_idx %arg9[%broadcast_in_dim3A, %add3A_30, %select_n3A_50, %broadcast_in_dim3A_568], %get3A_576 : memref<4x4x8x129xf32, #tpu.memory_space<vmem>>[vector<16xi32>, vector<16xi32>, vector<16xi32>, vector<16xi32>], vector<16xf32>,
        %add3A_577 = arith.constant 2 : i32
        %add3A_578 = arith.addi %select_n3A_555, %add3A_577 : i32
        %broadcast_in_dim3A_579 = vector.broadcast %add3A_578 : i32 to vector<16xi32>
        %add3A_580 = arith.constant 2 : i32
        %add3A_581 = arith.addi %mul3A_515, %add3A_580 : i32
        %get3A_582 = arith.index_cast %add3A_581 : i32 to index
        %get3A_583 = arith.constant 0 : index
        %get3A_584 = tpu.vector_load %arg7[%get3A_582, %get3A_583] {strides = array<i32>} : memref<512x32xf32, #tpu.memory_space<vmem>>, vector<16xf32>,
        %get3A_585 = arith.index_cast %add3A_581 : i32 to index
        %get3A_586 = arith.constant 16 : index
        %get3A_587 = tpu.vector_load %arg7[%get3A_585, %get3A_586] {strides = array<i32>} : memref<512x32xf32, #tpu.memory_space<vmem>>, vector<16xf32>,
        tpu.vector_store_idx %arg9[%broadcast_in_dim3A, %select_n3A, %select_n3A_50, %broadcast_in_dim3A_579], %get3A_584 : memref<4x4x8x129xf32, #tpu.memory_space<vmem>>[vector<16xi32>, vector<16xi32>, vector<16xi32>, vector<16xi32>], vector<16xf32>,
        tpu.vector_store_idx %arg9[%broadcast_in_dim3A, %add3A_30, %select_n3A_50, %broadcast_in_dim3A_579], %get3A_587 : memref<4x4x8x129xf32, #tpu.memory_space<vmem>>[vector<16xi32>, vector<16xi32>, vector<16xi32>, vector<16xi32>], vector<16xf32>,
        %add3A_588 = arith.constant 3 : i32
        %add3A_589 = arith.addi %select_n3A_555, %add3A_588 : i32
        %broadcast_in_dim3A_590 = vector.broadcast %add3A_589 : i32 to vector<16xi32>
        %add3A_591 = arith.constant 3 : i32
        %add3A_592 = arith.addi %mul3A_515, %add3A_591 : i32
        %get3A_593 = arith.index_cast %add3A_592 : i32 to index
        %get3A_594 = arith.constant 0 : index
        %get3A_595 = tpu.vector_load %arg7[%get3A_593, %get3A_594] {strides = array<i32>} : memref<512x32xf32, #tpu.memory_space<vmem>>, vector<16xf32>,
        %get3A_596 = arith.index_cast %add3A_592 : i32 to index
        %get3A_597 = arith.constant 16 : index
        %get3A_598 = tpu.vector_load %arg7[%get3A_596, %get3A_597] {strides = array<i32>} : memref<512x32xf32, #tpu.memory_space<vmem>>, vector<16xf32>,
        tpu.vector_store_idx %arg9[%broadcast_in_dim3A, %select_n3A, %select_n3A_50, %broadcast_in_dim3A_590], %get3A_595 : memref<4x4x8x129xf32, #tpu.memory_space<vmem>>[vector<16xi32>, vector<16xi32>, vector<16xi32>, vector<16xi32>], vector<16xf32>,
        tpu.vector_store_idx %arg9[%broadcast_in_dim3A, %add3A_30, %select_n3A_50, %broadcast_in_dim3A_590], %get3A_598 : memref<4x4x8x129xf32, #tpu.memory_space<vmem>>[vector<16xi32>, vector<16xi32>, vector<16xi32>, vector<16xi32>], vector<16xf32>,
        %add3A_599 = arith.constant 4 : i32
        %add3A_600 = arith.addi %select_n3A_555, %add3A_599 : i32
        %broadcast_in_dim3A_601 = vector.broadcast %add3A_600 : i32 to vector<16xi32>
        %add3A_602 = arith.constant 4 : i32
        %add3A_603 = arith.addi %mul3A_515, %add3A_602 : i32
        %get3A_604 = arith.index_cast %add3A_603 : i32 to index
        %get3A_605 = arith.constant 0 : index
        %get3A_606 = tpu.vector_load %arg7[%get3A_604, %get3A_605] {strides = array<i32>} : memref<512x32xf32, #tpu.memory_space<vmem>>, vector<16xf32>,
        %get3A_607 = arith.index_cast %add3A_603 : i32 to index
        %get3A_608 = arith.constant 16 : index
        %get3A_609 = tpu.vector_load %arg7[%get3A_607, %get3A_608] {strides = array<i32>} : memref<512x32xf32, #tpu.memory_space<vmem>>, vector<16xf32>,
        tpu.vector_store_idx %arg9[%broadcast_in_dim3A, %select_n3A, %select_n3A_50, %broadcast_in_dim3A_601], %get3A_606 : memref<4x4x8x129xf32, #tpu.memory_space<vmem>>[vector<16xi32>, vector<16xi32>, vector<16xi32>, vector<16xi32>], vector<16xf32>,
        tpu.vector_store_idx %arg9[%broadcast_in_dim3A, %add3A_30, %select_n3A_50, %broadcast_in_dim3A_601], %get3A_609 : memref<4x4x8x129xf32, #tpu.memory_space<vmem>>[vector<16xi32>, vector<16xi32>, vector<16xi32>, vector<16xi32>], vector<16xf32>,
        %add3A_610 = arith.constant 5 : i32
        %add3A_611 = arith.addi %select_n3A_555, %add3A_610 : i32
        %broadcast_in_dim3A_612 = vector.broadcast %add3A_611 : i32 to vector<16xi32>
        %add3A_613 = arith.constant 5 : i32
        %add3A_614 = arith.addi %mul3A_515, %add3A_613 : i32
        %get3A_615 = arith.index_cast %add3A_614 : i32 to index
        %get3A_616 = arith.constant 0 : index
        %get3A_617 = tpu.vector_load %arg7[%get3A_615, %get3A_616] {strides = array<i32>} : memref<512x32xf32, #tpu.memory_space<vmem>>, vector<16xf32>,
        %get3A_618 = arith.index_cast %add3A_614 : i32 to index
        %get3A_619 = arith.constant 16 : index
        %get3A_620 = tpu.vector_load %arg7[%get3A_618, %get3A_619] {strides = array<i32>} : memref<512x32xf32, #tpu.memory_space<vmem>>, vector<16xf32>,
        tpu.vector_store_idx %arg9[%broadcast_in_dim3A, %select_n3A, %select_n3A_50, %broadcast_in_dim3A_612], %get3A_617 : memref<4x4x8x129xf32, #tpu.memory_space<vmem>>[vector<16xi32>, vector<16xi32>, vector<16xi32>, vector<16xi32>], vector<16xf32>,
        tpu.vector_store_idx %arg9[%broadcast_in_dim3A, %add3A_30, %select_n3A_50, %broadcast_in_dim3A_612], %get3A_620 : memref<4x4x8x129xf32, #tpu.memory_space<vmem>>[vector<16xi32>, vector<16xi32>, vector<16xi32>, vector<16xi32>], vector<16xf32>,
        %add3A_621 = arith.constant 6 : i32
        %add3A_622 = arith.addi %select_n3A_555, %add3A_621 : i32
        %broadcast_in_dim3A_623 = vector.broadcast %add3A_622 : i32 to vector<16xi32>
        %add3A_624 = arith.constant 6 : i32
        %add3A_625 = arith.addi %mul3A_515, %add3A_624 : i32
        %get3A_626 = arith.index_cast %add3A_625 : i32 to index
        %get3A_627 = arith.constant 0 : index
        %get3A_628 = tpu.vector_load %arg7[%get3A_626, %get3A_627] {strides = array<i32>} : memref<512x32xf32, #tpu.memory_space<vmem>>, vector<16xf32>,
        %get3A_629 = arith.index_cast %add3A_625 : i32 to index
        %get3A_630 = arith.constant 16 : index
        %get3A_631 = tpu.vector_load %arg7[%get3A_629, %get3A_630] {strides = array<i32>} : memref<512x32xf32, #tpu.memory_space<vmem>>, vector<16xf32>,
        tpu.vector_store_idx %arg9[%broadcast_in_dim3A, %select_n3A, %select_n3A_50, %broadcast_in_dim3A_623], %get3A_628 : memref<4x4x8x129xf32, #tpu.memory_space<vmem>>[vector<16xi32>, vector<16xi32>, vector<16xi32>, vector<16xi32>], vector<16xf32>,
        tpu.vector_store_idx %arg9[%broadcast_in_dim3A, %add3A_30, %select_n3A_50, %broadcast_in_dim3A_623], %get3A_631 : memref<4x4x8x129xf32, #tpu.memory_space<vmem>>[vector<16xi32>, vector<16xi32>, vector<16xi32>, vector<16xi32>], vector<16xf32>,
        %add3A_632 = arith.constant 7 : i32
        %add3A_633 = arith.addi %select_n3A_555, %add3A_632 : i32
        %broadcast_in_dim3A_634 = vector.broadcast %add3A_633 : i32 to vector<16xi32>
        %add3A_635 = arith.constant 7 : i32
        %add3A_636 = arith.addi %mul3A_515, %add3A_635 : i32
        %get3A_637 = arith.index_cast %add3A_636 : i32 to index
        %get3A_638 = arith.constant 0 : index
        %get3A_639 = tpu.vector_load %arg7[%get3A_637, %get3A_638] {strides = array<i32>} : memref<512x32xf32, #tpu.memory_space<vmem>>, vector<16xf32>,
        %get3A_640 = arith.index_cast %add3A_636 : i32 to index
        %get3A_641 = arith.constant 16 : index
        %get3A_642 = tpu.vector_load %arg7[%get3A_640, %get3A_641] {strides = array<i32>} : memref<512x32xf32, #tpu.memory_space<vmem>>, vector<16xf32>,
        tpu.vector_store_idx %arg9[%broadcast_in_dim3A, %select_n3A, %select_n3A_50, %broadcast_in_dim3A_634], %get3A_639 : memref<4x4x8x129xf32, #tpu.memory_space<vmem>>[vector<16xi32>, vector<16xi32>, vector<16xi32>, vector<16xi32>], vector<16xf32>,
        tpu.vector_store_idx %arg9[%broadcast_in_dim3A, %add3A_30, %select_n3A_50, %broadcast_in_dim3A_634], %get3A_642 : memref<4x4x8x129xf32, #tpu.memory_space<vmem>>[vector<16xi32>, vector<16xi32>, vector<16xi32>, vector<16xi32>], vector<16xf32>,
        %add3A_643 = arith.constant 8 : i32
        %add3A_644 = arith.addi %select_n3A_555, %add3A_643 : i32
        %broadcast_in_dim3A_645 = vector.broadcast %add3A_644 : i32 to vector<16xi32>
        %add3A_646 = arith.constant 8 : i32
        %add3A_647 = arith.addi %mul3A_515, %add3A_646 : i32
        %get3A_648 = arith.index_cast %add3A_647 : i32 to index
        %get3A_649 = arith.constant 0 : index
        %get3A_650 = tpu.vector_load %arg7[%get3A_648, %get3A_649] {strides = array<i32>} : memref<512x32xf32, #tpu.memory_space<vmem>>, vector<16xf32>,
        %get3A_651 = arith.index_cast %add3A_647 : i32 to index
        %get3A_652 = arith.constant 16 : index
        %get3A_653 = tpu.vector_load %arg7[%get3A_651, %get3A_652] {strides = array<i32>} : memref<512x32xf32, #tpu.memory_space<vmem>>, vector<16xf32>,
        tpu.vector_store_idx %arg9[%broadcast_in_dim3A, %select_n3A, %select_n3A_50, %broadcast_in_dim3A_645], %get3A_650 : memref<4x4x8x129xf32, #tpu.memory_space<vmem>>[vector<16xi32>, vector<16xi32>, vector<16xi32>, vector<16xi32>], vector<16xf32>,
        tpu.vector_store_idx %arg9[%broadcast_in_dim3A, %add3A_30, %select_n3A_50, %broadcast_in_dim3A_645], %get3A_653 : memref<4x4x8x129xf32, #tpu.memory_space<vmem>>[vector<16xi32>, vector<16xi32>, vector<16xi32>, vector<16xi32>], vector<16xf32>,
        %add3A_654 = arith.constant 9 : i32
        %add3A_655 = arith.addi %select_n3A_555, %add3A_654 : i32
        %broadcast_in_dim3A_656 = vector.broadcast %add3A_655 : i32 to vector<16xi32>
        %add3A_657 = arith.constant 9 : i32
        %add3A_658 = arith.addi %mul3A_515, %add3A_657 : i32
        %get3A_659 = arith.index_cast %add3A_658 : i32 to index
        %get3A_660 = arith.constant 0 : index
        %get3A_661 = tpu.vector_load %arg7[%get3A_659, %get3A_660] {strides = array<i32>} : memref<512x32xf32, #tpu.memory_space<vmem>>, vector<16xf32>,
        %get3A_662 = arith.index_cast %add3A_658 : i32 to index
        %get3A_663 = arith.constant 16 : index
        %get3A_664 = tpu.vector_load %arg7[%get3A_662, %get3A_663] {strides = array<i32>} : memref<512x32xf32, #tpu.memory_space<vmem>>, vector<16xf32>,
        tpu.vector_store_idx %arg9[%broadcast_in_dim3A, %select_n3A, %select_n3A_50, %broadcast_in_dim3A_656], %get3A_661 : memref<4x4x8x129xf32, #tpu.memory_space<vmem>>[vector<16xi32>, vector<16xi32>, vector<16xi32>, vector<16xi32>], vector<16xf32>,
        tpu.vector_store_idx %arg9[%broadcast_in_dim3A, %add3A_30, %select_n3A_50, %broadcast_in_dim3A_656], %get3A_664 : memref<4x4x8x129xf32, #tpu.memory_space<vmem>>[vector<16xi32>, vector<16xi32>, vector<16xi32>, vector<16xi32>], vector<16xf32>,
        %add3A_665 = arith.constant 10 : i32
        %add3A_666 = arith.addi %select_n3A_555, %add3A_665 : i32
        %broadcast_in_dim3A_667 = vector.broadcast %add3A_666 : i32 to vector<16xi32>
        %add3A_668 = arith.constant 10 : i32
        %add3A_669 = arith.addi %mul3A_515, %add3A_668 : i32
        %get3A_670 = arith.index_cast %add3A_669 : i32 to index
        %get3A_671 = arith.constant 0 : index
        %get3A_672 = tpu.vector_load %arg7[%get3A_670, %get3A_671] {strides = array<i32>} : memref<512x32xf32, #tpu.memory_space<vmem>>, vector<16xf32>,
        %get3A_673 = arith.index_cast %add3A_669 : i32 to index
        %get3A_674 = arith.constant 16 : index
        %get3A_675 = tpu.vector_load %arg7[%get3A_673, %get3A_674] {strides = array<i32>} : memref<512x32xf32, #tpu.memory_space<vmem>>, vector<16xf32>,
        tpu.vector_store_idx %arg9[%broadcast_in_dim3A, %select_n3A, %select_n3A_50, %broadcast_in_dim3A_667], %get3A_672 : memref<4x4x8x129xf32, #tpu.memory_space<vmem>>[vector<16xi32>, vector<16xi32>, vector<16xi32>, vector<16xi32>], vector<16xf32>,
        tpu.vector_store_idx %arg9[%broadcast_in_dim3A, %add3A_30, %select_n3A_50, %broadcast_in_dim3A_667], %get3A_675 : memref<4x4x8x129xf32, #tpu.memory_space<vmem>>[vector<16xi32>, vector<16xi32>, vector<16xi32>, vector<16xi32>], vector<16xf32>,
        %add3A_676 = arith.constant 11 : i32
        %add3A_677 = arith.addi %select_n3A_555, %add3A_676 : i32
        %broadcast_in_dim3A_678 = vector.broadcast %add3A_677 : i32 to vector<16xi32>
        %add3A_679 = arith.constant 11 : i32
        %add3A_680 = arith.addi %mul3A_515, %add3A_679 : i32
        %get3A_681 = arith.index_cast %add3A_680 : i32 to index
        %get3A_682 = arith.constant 0 : index
        %get3A_683 = tpu.vector_load %arg7[%get3A_681, %get3A_682] {strides = array<i32>} : memref<512x32xf32, #tpu.memory_space<vmem>>, vector<16xf32>,
        %get3A_684 = arith.index_cast %add3A_680 : i32 to index
        %get3A_685 = arith.constant 16 : index
        %get3A_686 = tpu.vector_load %arg7[%get3A_684, %get3A_685] {strides = array<i32>} : memref<512x32xf32, #tpu.memory_space<vmem>>, vector<16xf32>,
        tpu.vector_store_idx %arg9[%broadcast_in_dim3A, %select_n3A, %select_n3A_50, %broadcast_in_dim3A_678], %get3A_683 : memref<4x4x8x129xf32, #tpu.memory_space<vmem>>[vector<16xi32>, vector<16xi32>, vector<16xi32>, vector<16xi32>], vector<16xf32>,
        tpu.vector_store_idx %arg9[%broadcast_in_dim3A, %add3A_30, %select_n3A_50, %broadcast_in_dim3A_678], %get3A_686 : memref<4x4x8x129xf32, #tpu.memory_space<vmem>>[vector<16xi32>, vector<16xi32>, vector<16xi32>, vector<16xi32>], vector<16xf32>,
        %add3A_687 = arith.constant 12 : i32
        %add3A_688 = arith.addi %select_n3A_555, %add3A_687 : i32
        %broadcast_in_dim3A_689 = vector.broadcast %add3A_688 : i32 to vector<16xi32>
        %add3A_690 = arith.constant 12 : i32
        %add3A_691 = arith.addi %mul3A_515, %add3A_690 : i32
        %get3A_692 = arith.index_cast %add3A_691 : i32 to index
        %get3A_693 = arith.constant 0 : index
        %get3A_694 = tpu.vector_load %arg7[%get3A_692, %get3A_693] {strides = array<i32>} : memref<512x32xf32, #tpu.memory_space<vmem>>, vector<16xf32>,
        %get3A_695 = arith.index_cast %add3A_691 : i32 to index
        %get3A_696 = arith.constant 16 : index
        %get3A_697 = tpu.vector_load %arg7[%get3A_695, %get3A_696] {strides = array<i32>} : memref<512x32xf32, #tpu.memory_space<vmem>>, vector<16xf32>,
        tpu.vector_store_idx %arg9[%broadcast_in_dim3A, %select_n3A, %select_n3A_50, %broadcast_in_dim3A_689], %get3A_694 : memref<4x4x8x129xf32, #tpu.memory_space<vmem>>[vector<16xi32>, vector<16xi32>, vector<16xi32>, vector<16xi32>], vector<16xf32>,
        tpu.vector_store_idx %arg9[%broadcast_in_dim3A, %add3A_30, %select_n3A_50, %broadcast_in_dim3A_689], %get3A_697 : memref<4x4x8x129xf32, #tpu.memory_space<vmem>>[vector<16xi32>, vector<16xi32>, vector<16xi32>, vector<16xi32>], vector<16xf32>,
        %add3A_698 = arith.constant 13 : i32
        %add3A_699 = arith.addi %select_n3A_555, %add3A_698 : i32
        %broadcast_in_dim3A_700 = vector.broadcast %add3A_699 : i32 to vector<16xi32>
        %add3A_701 = arith.constant 13 : i32
        %add3A_702 = arith.addi %mul3A_515, %add3A_701 : i32
        %get3A_703 = arith.index_cast %add3A_702 : i32 to index
        %get3A_704 = arith.constant 0 : index
        %get3A_705 = tpu.vector_load %arg7[%get3A_703, %get3A_704] {strides = array<i32>} : memref<512x32xf32, #tpu.memory_space<vmem>>, vector<16xf32>,
        %get3A_706 = arith.index_cast %add3A_702 : i32 to index
        %get3A_707 = arith.constant 16 : index
        %get3A_708 = tpu.vector_load %arg7[%get3A_706, %get3A_707] {strides = array<i32>} : memref<512x32xf32, #tpu.memory_space<vmem>>, vector<16xf32>,
        tpu.vector_store_idx %arg9[%broadcast_in_dim3A, %select_n3A, %select_n3A_50, %broadcast_in_dim3A_700], %get3A_705 : memref<4x4x8x129xf32, #tpu.memory_space<vmem>>[vector<16xi32>, vector<16xi32>, vector<16xi32>, vector<16xi32>], vector<16xf32>,
        tpu.vector_store_idx %arg9[%broadcast_in_dim3A, %add3A_30, %select_n3A_50, %broadcast_in_dim3A_700], %get3A_708 : memref<4x4x8x129xf32, #tpu.memory_space<vmem>>[vector<16xi32>, vector<16xi32>, vector<16xi32>, vector<16xi32>], vector<16xf32>,
        %add3A_709 = arith.constant 14 : i32
        %add3A_710 = arith.addi %select_n3A_555, %add3A_709 : i32
        %broadcast_in_dim3A_711 = vector.broadcast %add3A_710 : i32 to vector<16xi32>
        %add3A_712 = arith.constant 14 : i32
        %add3A_713 = arith.addi %mul3A_515, %add3A_712 : i32
        %get3A_714 = arith.index_cast %add3A_713 : i32 to index
        %get3A_715 = arith.constant 0 : index
        %get3A_716 = tpu.vector_load %arg7[%get3A_714, %get3A_715] {strides = array<i32>} : memref<512x32xf32, #tpu.memory_space<vmem>>, vector<16xf32>,
        %get3A_717 = arith.index_cast %add3A_713 : i32 to index
        %get3A_718 = arith.constant 16 : index
        %get3A_719 = tpu.vector_load %arg7[%get3A_717, %get3A_718] {strides = array<i32>} : memref<512x32xf32, #tpu.memory_space<vmem>>, vector<16xf32>,
        tpu.vector_store_idx %arg9[%broadcast_in_dim3A, %select_n3A, %select_n3A_50, %broadcast_in_dim3A_711], %get3A_716 : memref<4x4x8x129xf32, #tpu.memory_space<vmem>>[vector<16xi32>, vector<16xi32>, vector<16xi32>, vector<16xi32>], vector<16xf32>,
        tpu.vector_store_idx %arg9[%broadcast_in_dim3A, %add3A_30, %select_n3A_50, %broadcast_in_dim3A_711], %get3A_719 : memref<4x4x8x129xf32, #tpu.memory_space<vmem>>[vector<16xi32>, vector<16xi32>, vector<16xi32>, vector<16xi32>], vector<16xf32>,
        %add3A_720 = arith.constant 15 : i32
        %add3A_721 = arith.addi %select_n3A_555, %add3A_720 : i32
        %broadcast_in_dim3A_722 = vector.broadcast %add3A_721 : i32 to vector<16xi32>
        %add3A_723 = arith.constant 15 : i32
        %add3A_724 = arith.addi %mul3A_515, %add3A_723 : i32
        %get3A_725 = arith.index_cast %add3A_724 : i32 to index
        %get3A_726 = arith.constant 0 : index
        %get3A_727 = tpu.vector_load %arg7[%get3A_725, %get3A_726] {strides = array<i32>} : memref<512x32xf32, #tpu.memory_space<vmem>>, vector<16xf32>,
        %get3A_728 = arith.index_cast %add3A_724 : i32 to index
        %get3A_729 = arith.constant 16 : index
        %get3A_730 = tpu.vector_load %arg7[%get3A_728, %get3A_729] {strides = array<i32>} : memref<512x32xf32, #tpu.memory_space<vmem>>, vector<16xf32>,
        tpu.vector_store_idx %arg9[%broadcast_in_dim3A, %select_n3A, %select_n3A_50, %broadcast_in_dim3A_722], %get3A_727 : memref<4x4x8x129xf32, #tpu.memory_space<vmem>>[vector<16xi32>, vector<16xi32>, vector<16xi32>, vector<16xi32>], vector<16xf32>,
        tpu.vector_store_idx %arg9[%broadcast_in_dim3A, %add3A_30, %select_n3A_50, %broadcast_in_dim3A_722], %get3A_730 : memref<4x4x8x129xf32, #tpu.memory_space<vmem>>[vector<16xi32>, vector<16xi32>, vector<16xi32>, vector<16xi32>], vector<16xf32>,
      }
      %scan3A_316 = arith.constant 32 : i32
      %dma_start3A_317 = arith.constant 0 : i32
      %dma_start3A_318 = arith.constant 0 : i32
      %dma_start3A_319 = arith.constant 0 : i32
      %dma_start3A_320 = arith.constant 0 : i32
      %dma_start3A_321 = arith.constant 0 : i32
      %dma_start3A_322 = tpu.memref_slice %arg9[%dma_start3A_319, %dma_start3A_317, %dma_start3A_320, %dma_start3A_321] : memref<4x4x8x129xf32, #tpu.memory_space<vmem>> -> memref<4x1x8x128xf32, #tpu.memory_space<vmem>>
      %dma_start3A_323 = tpu.memref_squeeze %dma_start3A_322 : memref<4x1x8x128xf32, #tpu.memory_space<vmem>> -> memref<4x8x128xf32, #tpu.memory_space<vmem>>
      %dma_start3A_324 = arith.constant 0 : i32
      %dma_start3A_325 = arith.constant 0 : i32
      %dma_start3A_326 = tpu.memref_slice %arg4[%add3A_287, %dma_start3A_318, %mul3A_4, %dma_start3A_324, %dma_start3A_325] : memref<200x4x128x8x128xf32, #tpu.memory_space<hbm>> -> memref<1x1x4x8x128xf32, #tpu.memory_space<hbm>>
      %dma_start3A_327 = tpu.memref_squeeze %dma_start3A_326 : memref<1x1x4x8x128xf32, #tpu.memory_space<hbm>> -> memref<4x8x128xf32, #tpu.memory_space<hbm>>
      %dma_start3A_328 = arith.constant 0 : i32
      %dma_start3A_329 = arith.constant 0 : i32
      %dma_start3A_330 = tpu.memref_slice %arg4[%add3A_287, %dma_start3A_318, %mul3A_4, %dma_start3A_328, %dma_start3A_329] : memref<200x4x128x8x128xf32, #tpu.memory_space<hbm>> -> memref<1x1x4x8x128xf32, #tpu.memory_space<hbm>>
      %dma_start3A_331 = tpu.memref_squeeze %dma_start3A_330 : memref<1x1x4x8x128xf32, #tpu.memory_space<hbm>> -> memref<4x8x128xf32, #tpu.memory_space<hbm>>
      %dma_start3A_332 = arith.constant 0 : i32
      %dma_start3A_333 = arith.constant 0 : i32
      %dma_start3A_334 = arith.constant 0 : i32
      %dma_start3A_335 = tpu.memref_slice %arg9[%dma_start3A_332, %dma_start3A_317, %dma_start3A_333, %dma_start3A_334] : memref<4x4x8x129xf32, #tpu.memory_space<vmem>> -> memref<4x1x8x128xf32, #tpu.memory_space<vmem>>
      %dma_start3A_336 = tpu.memref_squeeze %dma_start3A_335 : memref<4x1x8x128xf32, #tpu.memory_space<vmem>> -> memref<4x8x128xf32, #tpu.memory_space<vmem>>
      tpu.enqueue_dma source(%dma_start3A_336 : memref<4x8x128xf32, #tpu.memory_space<vmem>>) target(%dma_start3A_331 : memref<4x8x128xf32, #tpu.memory_space<hbm>>) target_semaphore(%arg13 : memref<!tpu.dma_semaphore, #tpu.memory_space<semaphore_mem>>)
      %dma_start3A_337 = arith.constant 1 : i32
      %dma_start3A_338 = arith.constant 1 : i32
      %dma_start3A_339 = arith.constant 0 : i32
      %dma_start3A_340 = arith.constant 0 : i32
      %dma_start3A_341 = arith.constant 0 : i32
      %dma_start3A_342 = tpu.memref_slice %arg9[%dma_start3A_339, %dma_start3A_337, %dma_start3A_340, %dma_start3A_341] : memref<4x4x8x129xf32, #tpu.memory_space<vmem>> -> memref<4x1x8x128xf32, #tpu.memory_space<vmem>>
      %dma_start3A_343 = tpu.memref_squeeze %dma_start3A_342 : memref<4x1x8x128xf32, #tpu.memory_space<vmem>> -> memref<4x8x128xf32, #tpu.memory_space<vmem>>
      %dma_start3A_344 = arith.constant 0 : i32
      %dma_start3A_345 = arith.constant 0 : i32
      %dma_start3A_346 = tpu.memref_slice %arg4[%add3A_287, %dma_start3A_338, %mul3A_4, %dma_start3A_344, %dma_start3A_345] : memref<200x4x128x8x128xf32, #tpu.memory_space<hbm>> -> memref<1x1x4x8x128xf32, #tpu.memory_space<hbm>>
      %dma_start3A_347 = tpu.memref_squeeze %dma_start3A_346 : memref<1x1x4x8x128xf32, #tpu.memory_space<hbm>> -> memref<4x8x128xf32, #tpu.memory_space<hbm>>
      %dma_start3A_348 = arith.constant 0 : i32
      %dma_start3A_349 = arith.constant 0 : i32
      %dma_start3A_350 = tpu.memref_slice %arg4[%add3A_287, %dma_start3A_338, %mul3A_4, %dma_start3A_348, %dma_start3A_349] : memref<200x4x128x8x128xf32, #tpu.memory_space<hbm>> -> memref<1x1x4x8x128xf32, #tpu.memory_space<hbm>>
      %dma_start3A_351 = tpu.memref_squeeze %dma_start3A_350 : memref<1x1x4x8x128xf32, #tpu.memory_space<hbm>> -> memref<4x8x128xf32, #tpu.memory_space<hbm>>
      %dma_start3A_352 = arith.constant 0 : i32
      %dma_start3A_353 = arith.constant 0 : i32
      %dma_start3A_354 = arith.constant 0 : i32
      %dma_start3A_355 = tpu.memref_slice %arg9[%dma_start3A_352, %dma_start3A_337, %dma_start3A_353, %dma_start3A_354] : memref<4x4x8x129xf32, #tpu.memory_space<vmem>> -> memref<4x1x8x128xf32, #tpu.memory_space<vmem>>
      %dma_start3A_356 = tpu.memref_squeeze %dma_start3A_355 : memref<4x1x8x128xf32, #tpu.memory_space<vmem>> -> memref<4x8x128xf32, #tpu.memory_space<vmem>>
      tpu.enqueue_dma source(%dma_start3A_356 : memref<4x8x128xf32, #tpu.memory_space<vmem>>) target(%dma_start3A_351 : memref<4x8x128xf32, #tpu.memory_space<hbm>>) target_semaphore(%arg13 : memref<!tpu.dma_semaphore, #tpu.memory_space<semaphore_mem>>)
      %dma_start3A_357 = arith.constant 2 : i32
      %dma_start3A_358 = arith.constant 2 : i32
      %dma_start3A_359 = arith.constant 0 : i32
      %dma_start3A_360 = arith.constant 0 : i32
      %dma_start3A_361 = arith.constant 0 : i32
      %dma_start3A_362 = tpu.memref_slice %arg9[%dma_start3A_359, %dma_start3A_357, %dma_start3A_360, %dma_start3A_361] : memref<4x4x8x129xf32, #tpu.memory_space<vmem>> -> memref<4x1x8x128xf32, #tpu.memory_space<vmem>>
      %dma_start3A_363 = tpu.memref_squeeze %dma_start3A_362 : memref<4x1x8x128xf32, #tpu.memory_space<vmem>> -> memref<4x8x128xf32, #tpu.memory_space<vmem>>
      %dma_start3A_364 = arith.constant 0 : i32
      %dma_start3A_365 = arith.constant 0 : i32
      %dma_start3A_366 = tpu.memref_slice %arg4[%add3A_287, %dma_start3A_358, %mul3A_4, %dma_start3A_364, %dma_start3A_365] : memref<200x4x128x8x128xf32, #tpu.memory_space<hbm>> -> memref<1x1x4x8x128xf32, #tpu.memory_space<hbm>>
      %dma_start3A_367 = tpu.memref_squeeze %dma_start3A_366 : memref<1x1x4x8x128xf32, #tpu.memory_space<hbm>> -> memref<4x8x128xf32, #tpu.memory_space<hbm>>
      %dma_start3A_368 = arith.constant 0 : i32
      %dma_start3A_369 = arith.constant 0 : i32
      %dma_start3A_370 = tpu.memref_slice %arg4[%add3A_287, %dma_start3A_358, %mul3A_4, %dma_start3A_368, %dma_start3A_369] : memref<200x4x128x8x128xf32, #tpu.memory_space<hbm>> -> memref<1x1x4x8x128xf32, #tpu.memory_space<hbm>>
      %dma_start3A_371 = tpu.memref_squeeze %dma_start3A_370 : memref<1x1x4x8x128xf32, #tpu.memory_space<hbm>> -> memref<4x8x128xf32, #tpu.memory_space<hbm>>
      %dma_start3A_372 = arith.constant 0 : i32
      %dma_start3A_373 = arith.constant 0 : i32
      %dma_start3A_374 = arith.constant 0 : i32
      %dma_start3A_375 = tpu.memref_slice %arg9[%dma_start3A_372, %dma_start3A_357, %dma_start3A_373, %dma_start3A_374] : memref<4x4x8x129xf32, #tpu.memory_space<vmem>> -> memref<4x1x8x128xf32, #tpu.memory_space<vmem>>
      %dma_start3A_376 = tpu.memref_squeeze %dma_start3A_375 : memref<4x1x8x128xf32, #tpu.memory_space<vmem>> -> memref<4x8x128xf32, #tpu.memory_space<vmem>>
      tpu.enqueue_dma source(%dma_start3A_376 : memref<4x8x128xf32, #tpu.memory_space<vmem>>) target(%dma_start3A_371 : memref<4x8x128xf32, #tpu.memory_space<hbm>>) target_semaphore(%arg13 : memref<!tpu.dma_semaphore, #tpu.memory_space<semaphore_mem>>)
      %dma_start3A_377 = arith.constant 3 : i32
      %dma_start3A_378 = arith.constant 3 : i32
      %dma_start3A_379 = arith.constant 0 : i32
      %dma_start3A_380 = arith.constant 0 : i32
      %dma_start3A_381 = arith.constant 0 : i32
      %dma_start3A_382 = tpu.memref_slice %arg9[%dma_start3A_379, %dma_start3A_377, %dma_start3A_380, %dma_start3A_381] : memref<4x4x8x129xf32, #tpu.memory_space<vmem>> -> memref<4x1x8x128xf32, #tpu.memory_space<vmem>>
      %dma_start3A_383 = tpu.memref_squeeze %dma_start3A_382 : memref<4x1x8x128xf32, #tpu.memory_space<vmem>> -> memref<4x8x128xf32, #tpu.memory_space<vmem>>
      %dma_start3A_384 = arith.constant 0 : i32
      %dma_start3A_385 = arith.constant 0 : i32
      %dma_start3A_386 = tpu.memref_slice %arg4[%add3A_287, %dma_start3A_378, %mul3A_4, %dma_start3A_384, %dma_start3A_385] : memref<200x4x128x8x128xf32, #tpu.memory_space<hbm>> -> memref<1x1x4x8x128xf32, #tpu.memory_space<hbm>>
      %dma_start3A_387 = tpu.memref_squeeze %dma_start3A_386 : memref<1x1x4x8x128xf32, #tpu.memory_space<hbm>> -> memref<4x8x128xf32, #tpu.memory_space<hbm>>
      %dma_start3A_388 = arith.constant 0 : i32
      %dma_start3A_389 = arith.constant 0 : i32
      %dma_start3A_390 = tpu.memref_slice %arg4[%add3A_287, %dma_start3A_378, %mul3A_4, %dma_start3A_388, %dma_start3A_389] : memref<200x4x128x8x128xf32, #tpu.memory_space<hbm>> -> memref<1x1x4x8x128xf32, #tpu.memory_space<hbm>>
      %dma_start3A_391 = tpu.memref_squeeze %dma_start3A_390 : memref<1x1x4x8x128xf32, #tpu.memory_space<hbm>> -> memref<4x8x128xf32, #tpu.memory_space<hbm>>
      %dma_start3A_392 = arith.constant 0 : i32
      %dma_start3A_393 = arith.constant 0 : i32
      %dma_start3A_394 = arith.constant 0 : i32
      %dma_start3A_395 = tpu.memref_slice %arg9[%dma_start3A_392, %dma_start3A_377, %dma_start3A_393, %dma_start3A_394] : memref<4x4x8x129xf32, #tpu.memory_space<vmem>> -> memref<4x1x8x128xf32, #tpu.memory_space<vmem>>
      %dma_start3A_396 = tpu.memref_squeeze %dma_start3A_395 : memref<4x1x8x128xf32, #tpu.memory_space<vmem>> -> memref<4x8x128xf32, #tpu.memory_space<vmem>>
      tpu.enqueue_dma source(%dma_start3A_396 : memref<4x8x128xf32, #tpu.memory_space<vmem>>) target(%dma_start3A_391 : memref<4x8x128xf32, #tpu.memory_space<hbm>>) target_semaphore(%arg13 : memref<!tpu.dma_semaphore, #tpu.memory_space<semaphore_mem>>)
      %mul3A_397 = arith.constant 2 : i32
      %mul3A_398 = arith.muli %scan3A_283, %mul3A_397 : i32
      %add3A_399 = arith.constant 1 : i32
      %add3A_400 = arith.addi %mul3A_398, %add3A_399 : i32
      %add3A_401 = arith.constant 1 : i32
      %add3A_402 = arith.addi %add3A_400, %add3A_401 : i32
      %lt3A_403 = arith.constant 200 : i32
      %lt3A_404 = arith.cmpi slt, %add3A_402, %lt3A_403 : i32
      %convert_element_type3A_405 = arith.extui %lt3A_404 : i1 to i32
      %cond3A_406 = arith.constant 0 : i32
      %cond3A_407 = arith.cmpi ne, %convert_element_type3A_405, %cond3A_406 : i32
      scf.if %cond3A_407 {
        %dma_wait3A_513 = arith.constant 0 : i32
        %dma_wait3A_514 = arith.constant 0 : i32
        %dma_wait3A_515 = tpu.memref_slice %arg2[%dma_wait3A_513, %mul3A_4, %dma_wait3A_514] : memref<200x128x128xi32, #tpu.memory_space<hbm>> -> memref<1x4x128xi32, #tpu.memory_space<hbm>>
        %dma_wait3A_516 = tpu.memref_squeeze %dma_wait3A_515 : memref<1x4x128xi32, #tpu.memory_space<hbm>> -> memref<4x128xi32, #tpu.memory_space<hbm>>
        %dma_wait3A_517 = arith.constant 0 : i32
        %dma_wait3A_518 = tpu.memref_slice %arg2[%dma_wait3A_513, %mul3A_4, %dma_wait3A_517] : memref<200x128x128xi32, #tpu.memory_space<hbm>> -> memref<1x4x128xi32, #tpu.memory_space<hbm>>
        %dma_wait3A_519 = tpu.memref_squeeze %dma_wait3A_518 : memref<1x4x128xi32, #tpu.memory_space<hbm>> -> memref<4x128xi32, #tpu.memory_space<hbm>>
        tpu.wait_dma2 semaphore(%arg15 : memref<!tpu.dma_semaphore, #tpu.memory_space<semaphore_mem>>) src(%dma_wait3A_519 : memref<4x128xi32, #tpu.memory_space<hbm>>) dst(%arg5 : memref<4x128xi32, #tpu.memory_space<vmem>>)
        %dma_start3A_520 = arith.constant 0 : i32
        %dma_start3A_521 = arith.constant 0 : i32
        %dma_start3A_522 = arith.constant 0 : i32
        %dma_start3A_523 = tpu.memref_slice %arg7[%dma_start3A_521, %dma_start3A_522] : memref<512x32xf32, #tpu.memory_space<vmem>> -> memref<128x32xf32, #tpu.memory_space<vmem>>
        %dma_start3A_524 = arith.constant 0 : i32
        %dma_start3A_525 = tpu.memref_slice %arg5[%dma_start3A_520, %dma_start3A_524] : memref<4x128xi32, #tpu.memory_space<vmem>> -> memref<1x128xi32, #tpu.memory_space<vmem>>
        %dma_start3A_526 = tpu.memref_squeeze %dma_start3A_525 : memref<1x128xi32, #tpu.memory_space<vmem>> -> memref<128xi32, #tpu.memory_space<vmem>>
        %dma_start3A_527 = arith.constant 0 : i32
        %dma_start3A_528 = arith.constant 0 : i32
        %dma_start3A_529 = tpu.memref_slice %arg3[%dma_start3A_527, %dma_start3A_528] : memref<1000000x32xf32, #tpu.memory_space<hbm>> -> memref<1000000x32xf32, #tpu.memory_space<hbm>>
        tpu.enqueue_indirect_dma source(%dma_start3A_529 : memref<1000000x32xf32, #tpu.memory_space<hbm>>) target(%dma_start3A_523 : memref<128x32xf32, #tpu.memory_space<vmem>>) offsets(%dma_start3A_526 : memref<128xi32, #tpu.memory_space<vmem>>) semaphore(%arg11 : memref<!tpu.dma_semaphore, #tpu.memory_space<semaphore_mem>>)
        %dma_start3A_530 = arith.constant 1 : i32
        %dma_start3A_531 = arith.constant 128 : i32
        %dma_start3A_532 = arith.constant 0 : i32
        %dma_start3A_533 = tpu.memref_slice %arg7[%dma_start3A_531, %dma_start3A_532] : memref<512x32xf32, #tpu.memory_space<vmem>> -> memref<128x32xf32, #tpu.memory_space<vmem>>
        %dma_start3A_534 = arith.constant 0 : i32
        %dma_start3A_535 = tpu.memref_slice %arg5[%dma_start3A_530, %dma_start3A_534] : memref<4x128xi32, #tpu.memory_space<vmem>> -> memref<1x128xi32, #tpu.memory_space<vmem>>
        %dma_start3A_536 = tpu.memref_squeeze %dma_start3A_535 : memref<1x128xi32, #tpu.memory_space<vmem>> -> memref<128xi32, #tpu.memory_space<vmem>>
        %dma_start3A_537 = arith.constant 0 : i32
        %dma_start3A_538 = arith.constant 0 : i32
        %dma_start3A_539 = tpu.memref_slice %arg3[%dma_start3A_537, %dma_start3A_538] : memref<1000000x32xf32, #tpu.memory_space<hbm>> -> memref<1000000x32xf32, #tpu.memory_space<hbm>>
        tpu.enqueue_indirect_dma source(%dma_start3A_539 : memref<1000000x32xf32, #tpu.memory_space<hbm>>) target(%dma_start3A_533 : memref<128x32xf32, #tpu.memory_space<vmem>>) offsets(%dma_start3A_536 : memref<128xi32, #tpu.memory_space<vmem>>) semaphore(%arg11 : memref<!tpu.dma_semaphore, #tpu.memory_space<semaphore_mem>>)
        %dma_start3A_540 = arith.constant 2 : i32
        %dma_start3A_541 = arith.constant 256 : i32
        %dma_start3A_542 = arith.constant 0 : i32
        %dma_start3A_543 = tpu.memref_slice %arg7[%dma_start3A_541, %dma_start3A_542] : memref<512x32xf32, #tpu.memory_space<vmem>> -> memref<128x32xf32, #tpu.memory_space<vmem>>
        %dma_start3A_544 = arith.constant 0 : i32
        %dma_start3A_545 = tpu.memref_slice %arg5[%dma_start3A_540, %dma_start3A_544] : memref<4x128xi32, #tpu.memory_space<vmem>> -> memref<1x128xi32, #tpu.memory_space<vmem>>
        %dma_start3A_546 = tpu.memref_squeeze %dma_start3A_545 : memref<1x128xi32, #tpu.memory_space<vmem>> -> memref<128xi32, #tpu.memory_space<vmem>>
        %dma_start3A_547 = arith.constant 0 : i32
        %dma_start3A_548 = arith.constant 0 : i32
        %dma_start3A_549 = tpu.memref_slice %arg3[%dma_start3A_547, %dma_start3A_548] : memref<1000000x32xf32, #tpu.memory_space<hbm>> -> memref<1000000x32xf32, #tpu.memory_space<hbm>>
        tpu.enqueue_indirect_dma source(%dma_start3A_549 : memref<1000000x32xf32, #tpu.memory_space<hbm>>) target(%dma_start3A_543 : memref<128x32xf32, #tpu.memory_space<vmem>>) offsets(%dma_start3A_546 : memref<128xi32, #tpu.memory_space<vmem>>) semaphore(%arg11 : memref<!tpu.dma_semaphore, #tpu.memory_space<semaphore_mem>>)
        %dma_start3A_550 = arith.constant 3 : i32
        %dma_start3A_551 = arith.constant 384 : i32
        %dma_start3A_552 = arith.constant 0 : i32
        %dma_start3A_553 = tpu.memref_slice %arg7[%dma_start3A_551, %dma_start3A_552] : memref<512x32xf32, #tpu.memory_space<vmem>> -> memref<128x32xf32, #tpu.memory_space<vmem>>
        %dma_start3A_554 = arith.constant 0 : i32
        %dma_start3A_555 = tpu.memref_slice %arg5[%dma_start3A_550, %dma_start3A_554] : memref<4x128xi32, #tpu.memory_space<vmem>> -> memref<1x128xi32, #tpu.memory_space<vmem>>
        %dma_start3A_556 = tpu.memref_squeeze %dma_start3A_555 : memref<1x128xi32, #tpu.memory_space<vmem>> -> memref<128xi32, #tpu.memory_space<vmem>>
        %dma_start3A_557 = arith.constant 0 : i32
        %dma_start3A_558 = arith.constant 0 : i32
        %dma_start3A_559 = tpu.memref_slice %arg3[%dma_start3A_557, %dma_start3A_558] : memref<1000000x32xf32, #tpu.memory_space<hbm>> -> memref<1000000x32xf32, #tpu.memory_space<hbm>>
        tpu.enqueue_indirect_dma source(%dma_start3A_559 : memref<1000000x32xf32, #tpu.memory_space<hbm>>) target(%dma_start3A_553 : memref<128x32xf32, #tpu.memory_space<vmem>>) offsets(%dma_start3A_556 : memref<128xi32, #tpu.memory_space<vmem>>) semaphore(%arg11 : memref<!tpu.dma_semaphore, #tpu.memory_space<semaphore_mem>>)
      } else {
      }
      %dma_wait3A_408 = arith.constant 0 : i32
      %dma_wait3A_409 = arith.constant 0 : i32
      %dma_wait3A_410 = tpu.memref_slice %arg6[%dma_wait3A_408, %dma_wait3A_409] : memref<4x128xi32, #tpu.memory_space<vmem>> -> memref<1x128xi32, #tpu.memory_space<vmem>>
      %dma_wait3A_411 = tpu.memref_squeeze %dma_wait3A_410 : memref<1x128xi32, #tpu.memory_space<vmem>> -> memref<128xi32, #tpu.memory_space<vmem>>
      %dma_wait3A_412 = arith.constant 0 : i32
      %dma_wait3A_413 = arith.constant 0 : i32
      %dma_wait3A_414 = tpu.memref_slice %arg3[%dma_wait3A_412, %dma_wait3A_413] : memref<1000000x32xf32, #tpu.memory_space<hbm>> -> memref<1000000x32xf32, #tpu.memory_space<hbm>>
      tpu.wait_indirect_dma semaphore(%arg12 : memref<!tpu.dma_semaphore, #tpu.memory_space<semaphore_mem>>) src(%dma_wait3A_414 : memref<1000000x32xf32, #tpu.memory_space<hbm>>) dst(%arg8 : memref<512x32xf32, #tpu.memory_space<vmem>>)
      %add3A_415 = arith.constant 2 : i32
      %add3A_416 = arith.addi %add3A_400, %add3A_415 : i32
      %lt3A_417 = arith.constant 200 : i32
      %lt3A_418 = arith.cmpi slt, %add3A_416, %lt3A_417 : i32
      %convert_element_type3A_419 = arith.extui %lt3A_418 : i1 to i32
      %cond3A_420 = arith.constant 0 : i32
      %cond3A_421 = arith.cmpi ne, %convert_element_type3A_419, %cond3A_420 : i32
      scf.if %cond3A_421 {
        %add3A_513 = arith.constant 2 : i32
        %add3A_514 = arith.addi %add3A_400, %add3A_513 : i32
        %dma_start3A_515 = arith.constant 0 : i32
        %dma_start3A_516 = tpu.memref_slice %arg2[%add3A_514, %mul3A_4, %dma_start3A_515] : memref<200x128x128xi32, #tpu.memory_space<hbm>> -> memref<1x4x128xi32, #tpu.memory_space<hbm>>
        %dma_start3A_517 = tpu.memref_squeeze %dma_start3A_516 : memref<1x4x128xi32, #tpu.memory_space<hbm>> -> memref<4x128xi32, #tpu.memory_space<hbm>>
        %dma_start3A_518 = arith.constant 0 : i32
        %dma_start3A_519 = tpu.memref_slice %arg2[%add3A_514, %mul3A_4, %dma_start3A_518] : memref<200x128x128xi32, #tpu.memory_space<hbm>> -> memref<1x4x128xi32, #tpu.memory_space<hbm>>
        %dma_start3A_520 = tpu.memref_squeeze %dma_start3A_519 : memref<1x4x128xi32, #tpu.memory_space<hbm>> -> memref<4x128xi32, #tpu.memory_space<hbm>>
        tpu.enqueue_dma source(%dma_start3A_520 : memref<4x128xi32, #tpu.memory_space<hbm>>) target(%arg6 : memref<4x128xi32, #tpu.memory_space<vmem>>) target_semaphore(%arg16 : memref<!tpu.dma_semaphore, #tpu.memory_space<semaphore_mem>>)
      } else {
      }
      %gt3A_422 = arith.constant 0 : i32
      %gt3A_423 = arith.cmpi sgt, %scan3A_283, %gt3A_422 : i32
      %convert_element_type3A_424 = arith.extui %gt3A_423 : i1 to i32
      %cond3A_425 = arith.constant 0 : i32
      %cond3A_426 = arith.cmpi ne, %convert_element_type3A_424, %cond3A_425 : i32
      scf.if %cond3A_426 {
        %dma_wait3A_513 = arith.constant 0 : i32
        %dma_wait3A_514 = arith.constant 0 : i32
        %dma_wait3A_515 = arith.constant 0 : i32
        %dma_wait3A_516 = arith.constant 0 : i32
        %dma_wait3A_517 = arith.constant 0 : i32
        %dma_wait3A_518 = arith.constant 0 : i32
        %dma_wait3A_519 = tpu.memref_slice %arg10[%dma_wait3A_516, %dma_wait3A_513, %dma_wait3A_517, %dma_wait3A_518] : memref<4x4x8x129xf32, #tpu.memory_space<vmem>> -> memref<4x1x8x128xf32, #tpu.memory_space<vmem>>
        %dma_wait3A_520 = tpu.memref_squeeze %dma_wait3A_519 : memref<4x1x8x128xf32, #tpu.memory_space<vmem>> -> memref<4x8x128xf32, #tpu.memory_space<vmem>>
        %dma_wait3A_521 = arith.constant 0 : i32
        %dma_wait3A_522 = arith.constant 0 : i32
        %dma_wait3A_523 = tpu.memref_slice %arg4[%dma_wait3A_514, %dma_wait3A_515, %mul3A_4, %dma_wait3A_521, %dma_wait3A_522] : memref<200x4x128x8x128xf32, #tpu.memory_space<hbm>> -> memref<1x1x4x8x128xf32, #tpu.memory_space<hbm>>
        %dma_wait3A_524 = tpu.memref_squeeze %dma_wait3A_523 : memref<1x1x4x8x128xf32, #tpu.memory_space<hbm>> -> memref<4x8x128xf32, #tpu.memory_space<hbm>>
        %dma_wait3A_525 = arith.constant 0 : i32
        %dma_wait3A_526 = arith.constant 0 : i32
        %dma_wait3A_527 = tpu.memref_slice %arg4[%dma_wait3A_514, %dma_wait3A_515, %mul3A_4, %dma_wait3A_525, %dma_wait3A_526] : memref<200x4x128x8x128xf32, #tpu.memory_space<hbm>> -> memref<1x1x4x8x128xf32, #tpu.memory_space<hbm>>
        %dma_wait3A_528 = tpu.memref_squeeze %dma_wait3A_527 : memref<1x1x4x8x128xf32, #tpu.memory_space<hbm>> -> memref<4x8x128xf32, #tpu.memory_space<hbm>>
        %dma_wait3A_529 = arith.constant 0 : i32
        %dma_wait3A_530 = arith.constant 0 : i32
        %dma_wait3A_531 = arith.constant 0 : i32
        %dma_wait3A_532 = tpu.memref_slice %arg10[%dma_wait3A_529, %dma_wait3A_513, %dma_wait3A_530, %dma_wait3A_531] : memref<4x4x8x129xf32, #tpu.memory_space<vmem>> -> memref<4x1x8x128xf32, #tpu.memory_space<vmem>>
        %dma_wait3A_533 = tpu.memref_squeeze %dma_wait3A_532 : memref<4x1x8x128xf32, #tpu.memory_space<vmem>> -> memref<4x8x128xf32, #tpu.memory_space<vmem>>
        tpu.wait_dma2 semaphore(%arg14 : memref<!tpu.dma_semaphore, #tpu.memory_space<semaphore_mem>>) src(%dma_wait3A_533 : memref<4x8x128xf32, #tpu.memory_space<vmem>>) dst(%dma_wait3A_528 : memref<4x8x128xf32, #tpu.memory_space<hbm>>)
        %dma_wait3A_534 = arith.constant 1 : i32
        %dma_wait3A_535 = arith.constant 0 : i32
        %dma_wait3A_536 = arith.constant 1 : i32
        %dma_wait3A_537 = arith.constant 0 : i32
        %dma_wait3A_538 = arith.constant 0 : i32
        %dma_wait3A_539 = arith.constant 0 : i32
        %dma_wait3A_540 = tpu.memref_slice %arg10[%dma_wait3A_537, %dma_wait3A_534, %dma_wait3A_538, %dma_wait3A_539] : memref<4x4x8x129xf32, #tpu.memory_space<vmem>> -> memref<4x1x8x128xf32, #tpu.memory_space<vmem>>
        %dma_wait3A_541 = tpu.memref_squeeze %dma_wait3A_540 : memref<4x1x8x128xf32, #tpu.memory_space<vmem>> -> memref<4x8x128xf32, #tpu.memory_space<vmem>>
        %dma_wait3A_542 = arith.constant 0 : i32
        %dma_wait3A_543 = arith.constant 0 : i32
        %dma_wait3A_544 = tpu.memref_slice %arg4[%dma_wait3A_535, %dma_wait3A_536, %mul3A_4, %dma_wait3A_542, %dma_wait3A_543] : memref<200x4x128x8x128xf32, #tpu.memory_space<hbm>> -> memref<1x1x4x8x128xf32, #tpu.memory_space<hbm>>
        %dma_wait3A_545 = tpu.memref_squeeze %dma_wait3A_544 : memref<1x1x4x8x128xf32, #tpu.memory_space<hbm>> -> memref<4x8x128xf32, #tpu.memory_space<hbm>>
        %dma_wait3A_546 = arith.constant 0 : i32
        %dma_wait3A_547 = arith.constant 0 : i32
        %dma_wait3A_548 = tpu.memref_slice %arg4[%dma_wait3A_535, %dma_wait3A_536, %mul3A_4, %dma_wait3A_546, %dma_wait3A_547] : memref<200x4x128x8x128xf32, #tpu.memory_space<hbm>> -> memref<1x1x4x8x128xf32, #tpu.memory_space<hbm>>
        %dma_wait3A_549 = tpu.memref_squeeze %dma_wait3A_548 : memref<1x1x4x8x128xf32, #tpu.memory_space<hbm>> -> memref<4x8x128xf32, #tpu.memory_space<hbm>>
        %dma_wait3A_550 = arith.constant 0 : i32
        %dma_wait3A_551 = arith.constant 0 : i32
        %dma_wait3A_552 = arith.constant 0 : i32
        %dma_wait3A_553 = tpu.memref_slice %arg10[%dma_wait3A_550, %dma_wait3A_534, %dma_wait3A_551, %dma_wait3A_552] : memref<4x4x8x129xf32, #tpu.memory_space<vmem>> -> memref<4x1x8x128xf32, #tpu.memory_space<vmem>>
        %dma_wait3A_554 = tpu.memref_squeeze %dma_wait3A_553 : memref<4x1x8x128xf32, #tpu.memory_space<vmem>> -> memref<4x8x128xf32, #tpu.memory_space<vmem>>
        tpu.wait_dma2 semaphore(%arg14 : memref<!tpu.dma_semaphore, #tpu.memory_space<semaphore_mem>>) src(%dma_wait3A_554 : memref<4x8x128xf32, #tpu.memory_space<vmem>>) dst(%dma_wait3A_549 : memref<4x8x128xf32, #tpu.memory_space<hbm>>)
        %dma_wait3A_555 = arith.constant 2 : i32
        %dma_wait3A_556 = arith.constant 0 : i32
        %dma_wait3A_557 = arith.constant 2 : i32
        %dma_wait3A_558 = arith.constant 0 : i32
        %dma_wait3A_559 = arith.constant 0 : i32
        %dma_wait3A_560 = arith.constant 0 : i32
        %dma_wait3A_561 = tpu.memref_slice %arg10[%dma_wait3A_558, %dma_wait3A_555, %dma_wait3A_559, %dma_wait3A_560] : memref<4x4x8x129xf32, #tpu.memory_space<vmem>> -> memref<4x1x8x128xf32, #tpu.memory_space<vmem>>
        %dma_wait3A_562 = tpu.memref_squeeze %dma_wait3A_561 : memref<4x1x8x128xf32, #tpu.memory_space<vmem>> -> memref<4x8x128xf32, #tpu.memory_space<vmem>>
        %dma_wait3A_563 = arith.constant 0 : i32
        %dma_wait3A_564 = arith.constant 0 : i32
        %dma_wait3A_565 = tpu.memref_slice %arg4[%dma_wait3A_556, %dma_wait3A_557, %mul3A_4, %dma_wait3A_563, %dma_wait3A_564] : memref<200x4x128x8x128xf32, #tpu.memory_space<hbm>> -> memref<1x1x4x8x128xf32, #tpu.memory_space<hbm>>
        %dma_wait3A_566 = tpu.memref_squeeze %dma_wait3A_565 : memref<1x1x4x8x128xf32, #tpu.memory_space<hbm>> -> memref<4x8x128xf32, #tpu.memory_space<hbm>>
        %dma_wait3A_567 = arith.constant 0 : i32
        %dma_wait3A_568 = arith.constant 0 : i32
        %dma_wait3A_569 = tpu.memref_slice %arg4[%dma_wait3A_556, %dma_wait3A_557, %mul3A_4, %dma_wait3A_567, %dma_wait3A_568] : memref<200x4x128x8x128xf32, #tpu.memory_space<hbm>> -> memref<1x1x4x8x128xf32, #tpu.memory_space<hbm>>
        %dma_wait3A_570 = tpu.memref_squeeze %dma_wait3A_569 : memref<1x1x4x8x128xf32, #tpu.memory_space<hbm>> -> memref<4x8x128xf32, #tpu.memory_space<hbm>>
        %dma_wait3A_571 = arith.constant 0 : i32
        %dma_wait3A_572 = arith.constant 0 : i32
        %dma_wait3A_573 = arith.constant 0 : i32
        %dma_wait3A_574 = tpu.memref_slice %arg10[%dma_wait3A_571, %dma_wait3A_555, %dma_wait3A_572, %dma_wait3A_573] : memref<4x4x8x129xf32, #tpu.memory_space<vmem>> -> memref<4x1x8x128xf32, #tpu.memory_space<vmem>>
        %dma_wait3A_575 = tpu.memref_squeeze %dma_wait3A_574 : memref<4x1x8x128xf32, #tpu.memory_space<vmem>> -> memref<4x8x128xf32, #tpu.memory_space<vmem>>
        tpu.wait_dma2 semaphore(%arg14 : memref<!tpu.dma_semaphore, #tpu.memory_space<semaphore_mem>>) src(%dma_wait3A_575 : memref<4x8x128xf32, #tpu.memory_space<vmem>>) dst(%dma_wait3A_570 : memref<4x8x128xf32, #tpu.memory_space<hbm>>)
        %dma_wait3A_576 = arith.constant 3 : i32
        %dma_wait3A_577 = arith.constant 0 : i32
        %dma_wait3A_578 = arith.constant 3 : i32
        %dma_wait3A_579 = arith.constant 0 : i32
        %dma_wait3A_580 = arith.constant 0 : i32
        %dma_wait3A_581 = arith.constant 0 : i32
        %dma_wait3A_582 = tpu.memref_slice %arg10[%dma_wait3A_579, %dma_wait3A_576, %dma_wait3A_580, %dma_wait3A_581] : memref<4x4x8x129xf32, #tpu.memory_space<vmem>> -> memref<4x1x8x128xf32, #tpu.memory_space<vmem>>
        %dma_wait3A_583 = tpu.memref_squeeze %dma_wait3A_582 : memref<4x1x8x128xf32, #tpu.memory_space<vmem>> -> memref<4x8x128xf32, #tpu.memory_space<vmem>>
        %dma_wait3A_584 = arith.constant 0 : i32
        %dma_wait3A_585 = arith.constant 0 : i32
        %dma_wait3A_586 = tpu.memref_slice %arg4[%dma_wait3A_577, %dma_wait3A_578, %mul3A_4, %dma_wait3A_584, %dma_wait3A_585] : memref<200x4x128x8x128xf32, #tpu.memory_space<hbm>> -> memref<1x1x4x8x128xf32, #tpu.memory_space<hbm>>
        %dma_wait3A_587 = tpu.memref_squeeze %dma_wait3A_586 : memref<1x1x4x8x128xf32, #tpu.memory_space<hbm>> -> memref<4x8x128xf32, #tpu.memory_space<hbm>>
        %dma_wait3A_588 = arith.constant 0 : i32
        %dma_wait3A_589 = arith.constant 0 : i32
        %dma_wait3A_590 = tpu.memref_slice %arg4[%dma_wait3A_577, %dma_wait3A_578, %mul3A_4, %dma_wait3A_588, %dma_wait3A_589] : memref<200x4x128x8x128xf32, #tpu.memory_space<hbm>> -> memref<1x1x4x8x128xf32, #tpu.memory_space<hbm>>
        %dma_wait3A_591 = tpu.memref_squeeze %dma_wait3A_590 : memref<1x1x4x8x128xf32, #tpu.memory_space<hbm>> -> memref<4x8x128xf32, #tpu.memory_space<hbm>>
        %dma_wait3A_592 = arith.constant 0 : i32
        %dma_wait3A_593 = arith.constant 0 : i32
        %dma_wait3A_594 = arith.constant 0 : i32
        %dma_wait3A_595 = tpu.memref_slice %arg10[%dma_wait3A_592, %dma_wait3A_576, %dma_wait3A_593, %dma_wait3A_594] : memref<4x4x8x129xf32, #tpu.memory_space<vmem>> -> memref<4x1x8x128xf32, #tpu.memory_space<vmem>>
        %dma_wait3A_596 = tpu.memref_squeeze %dma_wait3A_595 : memref<4x1x8x128xf32, #tpu.memory_space<vmem>> -> memref<4x8x128xf32, #tpu.memory_space<vmem>>
        tpu.wait_dma2 semaphore(%arg14 : memref<!tpu.dma_semaphore, #tpu.memory_space<semaphore_mem>>) src(%dma_wait3A_596 : memref<4x8x128xf32, #tpu.memory_space<vmem>>) dst(%dma_wait3A_591 : memref<4x8x128xf32, #tpu.memory_space<hbm>>)
      } else {
      }
      %scan3A_427 = arith.constant 0 : i32
      %scan3A_428 = arith.constant 0 : i32
      %scan3A_429 = arith.constant 32 : i32
      %scan3A_430 = arith.addi %scan3A_428, %scan3A_429 : i32
      %scan3A_431 = arith.constant 1 : i32
      scf.for %scan3A_513 = %scan3A_428 to %scan3A_430 step %scan3A_431  : i32 {
        %mul3A_514 = arith.constant 16 : i32
        %mul3A_515 = arith.muli %scan3A_513, %mul3A_514 : i32
        %jit3A_516 = arith.constant 128 : i32
        %div3A_517 = arith.divsi %mul3A_515, %jit3A_516 : i32
        %sign3A_518 = arith.constant 0 : i32
        %sign3A_519 = arith.cmpi sgt, %mul3A_515, %sign3A_518 : i32
        %sign3A_520 = arith.extui %sign3A_519 : i1 to i32
        %sign3A_521 = arith.constant 0 : i32
        %sign3A_522 = arith.cmpi slt, %mul3A_515, %sign3A_521 : i32
        %sign3A_523 = arith.extui %sign3A_522 : i1 to i32
        %sign3A_524 = arith.subi %sign3A_520, %sign3A_523 : i32
        %sign3A_525 = arith.constant 0 : i32
        %sign3A_526 = arith.cmpi sgt, %jit3A_516, %sign3A_525 : i32
        %sign3A_527 = arith.extui %sign3A_526 : i1 to i32
        %sign3A_528 = arith.constant 0 : i32
        %sign3A_529 = arith.cmpi slt, %jit3A_516, %sign3A_528 : i32
        %sign3A_530 = arith.extui %sign3A_529 : i1 to i32
        %sign3A_531 = arith.subi %sign3A_527, %sign3A_530 : i32
        %ne3A_532 = arith.cmpi ne, %sign3A_524, %sign3A_531 : i32
        %rem3A_533 = arith.remsi %mul3A_515, %jit3A_516 : i32
        %ne3A_534 = arith.constant 0 : i32
        %ne3A_535 = arith.cmpi ne, %rem3A_533, %ne3A_534 : i32
        %and3A_536 = arith.andi %ne3A_532, %ne3A_535 : i1
        %sub3A_537 = arith.constant 1 : i32
        %sub3A_538 = arith.subi %div3A_517, %sub3A_537 : i32
        %select_n3A_539 = arith.select %and3A_536, %sub3A_538, %div3A_517 : i32
        %broadcast_in_dim3A = vector.broadcast %select_n3A_539 : i32 to vector<16xi32>
        %jit3A_540 = arith.constant 128 : i32
        %eq3A_541 = arith.constant 0 : i32
        %eq3A_542 = arith.cmpi eq, %jit3A_540, %eq3A_541 : i32
        %jit3A_543 = arith.constant 1 : i32
        %select_n3A_544 = arith.select %eq3A_542, %jit3A_543, %jit3A_540 : i32
        %rem3A_545 = arith.remsi %mul3A_515, %select_n3A_544 : i32
        %ne3A_546 = arith.constant 0 : i32
        %ne3A_547 = arith.cmpi ne, %rem3A_545, %ne3A_546 : i32
        %lt3A_548 = arith.constant 0 : i32
        %lt3A_549 = arith.cmpi slt, %rem3A_545, %lt3A_548 : i32
        %lt3A_550 = arith.constant 0 : i32
        %lt3A_551 = arith.cmpi slt, %select_n3A_544, %lt3A_550 : i32
        %ne3A_552 = arith.xori %lt3A_549, %lt3A_551 : i1
        %and3A_553 = arith.andi %ne3A_552, %ne3A_547 : i1
        %add3A_554 = arith.addi %rem3A_545, %select_n3A_544 : i32
        %select_n3A_555 = arith.select %and3A_553, %add3A_554, %rem3A_545 : i32
        %add3A_556 = arith.constant 0 : i32
        %add3A_557 = arith.addi %select_n3A_555, %add3A_556 : i32
        %broadcast_in_dim3A_558 = vector.broadcast %add3A_557 : i32 to vector<16xi32>
        %add3A_559 = arith.constant 0 : i32
        %add3A_560 = arith.addi %mul3A_515, %add3A_559 : i32
        %get3A = arith.index_cast %add3A_560 : i32 to index
        %get3A_561 = arith.constant 0 : index
        %get3A_562 = tpu.vector_load %arg8[%get3A, %get3A_561] {strides = array<i32>} : memref<512x32xf32, #tpu.memory_space<vmem>>, vector<16xf32>,
        %get3A_563 = arith.index_cast %add3A_560 : i32 to index
        %get3A_564 = arith.constant 16 : index
        %get3A_565 = tpu.vector_load %arg8[%get3A_563, %get3A_564] {strides = array<i32>} : memref<512x32xf32, #tpu.memory_space<vmem>>, vector<16xf32>,
        tpu.vector_store_idx %arg10[%broadcast_in_dim3A, %select_n3A, %select_n3A_50, %broadcast_in_dim3A_558], %get3A_562 : memref<4x4x8x129xf32, #tpu.memory_space<vmem>>[vector<16xi32>, vector<16xi32>, vector<16xi32>, vector<16xi32>], vector<16xf32>,
        tpu.vector_store_idx %arg10[%broadcast_in_dim3A, %add3A_30, %select_n3A_50, %broadcast_in_dim3A_558], %get3A_565 : memref<4x4x8x129xf32, #tpu.memory_space<vmem>>[vector<16xi32>, vector<16xi32>, vector<16xi32>, vector<16xi32>], vector<16xf32>,
        %add3A_566 = arith.constant 1 : i32
        %add3A_567 = arith.addi %select_n3A_555, %add3A_566 : i32
        %broadcast_in_dim3A_568 = vector.broadcast %add3A_567 : i32 to vector<16xi32>
        %add3A_569 = arith.constant 1 : i32
        %add3A_570 = arith.addi %mul3A_515, %add3A_569 : i32
        %get3A_571 = arith.index_cast %add3A_570 : i32 to index
        %get3A_572 = arith.constant 0 : index
        %get3A_573 = tpu.vector_load %arg8[%get3A_571, %get3A_572] {strides = array<i32>} : memref<512x32xf32, #tpu.memory_space<vmem>>, vector<16xf32>,
        %get3A_574 = arith.index_cast %add3A_570 : i32 to index
        %get3A_575 = arith.constant 16 : index
        %get3A_576 = tpu.vector_load %arg8[%get3A_574, %get3A_575] {strides = array<i32>} : memref<512x32xf32, #tpu.memory_space<vmem>>, vector<16xf32>,
        tpu.vector_store_idx %arg10[%broadcast_in_dim3A, %select_n3A, %select_n3A_50, %broadcast_in_dim3A_568], %get3A_573 : memref<4x4x8x129xf32, #tpu.memory_space<vmem>>[vector<16xi32>, vector<16xi32>, vector<16xi32>, vector<16xi32>], vector<16xf32>,
        tpu.vector_store_idx %arg10[%broadcast_in_dim3A, %add3A_30, %select_n3A_50, %broadcast_in_dim3A_568], %get3A_576 : memref<4x4x8x129xf32, #tpu.memory_space<vmem>>[vector<16xi32>, vector<16xi32>, vector<16xi32>, vector<16xi32>], vector<16xf32>,
        %add3A_577 = arith.constant 2 : i32
        %add3A_578 = arith.addi %select_n3A_555, %add3A_577 : i32
        %broadcast_in_dim3A_579 = vector.broadcast %add3A_578 : i32 to vector<16xi32>
        %add3A_580 = arith.constant 2 : i32
        %add3A_581 = arith.addi %mul3A_515, %add3A_580 : i32
        %get3A_582 = arith.index_cast %add3A_581 : i32 to index
        %get3A_583 = arith.constant 0 : index
        %get3A_584 = tpu.vector_load %arg8[%get3A_582, %get3A_583] {strides = array<i32>} : memref<512x32xf32, #tpu.memory_space<vmem>>, vector<16xf32>,
        %get3A_585 = arith.index_cast %add3A_581 : i32 to index
        %get3A_586 = arith.constant 16 : index
        %get3A_587 = tpu.vector_load %arg8[%get3A_585, %get3A_586] {strides = array<i32>} : memref<512x32xf32, #tpu.memory_space<vmem>>, vector<16xf32>,
        tpu.vector_store_idx %arg10[%broadcast_in_dim3A, %select_n3A, %select_n3A_50, %broadcast_in_dim3A_579], %get3A_584 : memref<4x4x8x129xf32, #tpu.memory_space<vmem>>[vector<16xi32>, vector<16xi32>, vector<16xi32>, vector<16xi32>], vector<16xf32>,
        tpu.vector_store_idx %arg10[%broadcast_in_dim3A, %add3A_30, %select_n3A_50, %broadcast_in_dim3A_579], %get3A_587 : memref<4x4x8x129xf32, #tpu.memory_space<vmem>>[vector<16xi32>, vector<16xi32>, vector<16xi32>, vector<16xi32>], vector<16xf32>,
        %add3A_588 = arith.constant 3 : i32
        %add3A_589 = arith.addi %select_n3A_555, %add3A_588 : i32
        %broadcast_in_dim3A_590 = vector.broadcast %add3A_589 : i32 to vector<16xi32>
        %add3A_591 = arith.constant 3 : i32
        %add3A_592 = arith.addi %mul3A_515, %add3A_591 : i32
        %get3A_593 = arith.index_cast %add3A_592 : i32 to index
        %get3A_594 = arith.constant 0 : index
        %get3A_595 = tpu.vector_load %arg8[%get3A_593, %get3A_594] {strides = array<i32>} : memref<512x32xf32, #tpu.memory_space<vmem>>, vector<16xf32>,
        %get3A_596 = arith.index_cast %add3A_592 : i32 to index
        %get3A_597 = arith.constant 16 : index
        %get3A_598 = tpu.vector_load %arg8[%get3A_596, %get3A_597] {strides = array<i32>} : memref<512x32xf32, #tpu.memory_space<vmem>>, vector<16xf32>,
        tpu.vector_store_idx %arg10[%broadcast_in_dim3A, %select_n3A, %select_n3A_50, %broadcast_in_dim3A_590], %get3A_595 : memref<4x4x8x129xf32, #tpu.memory_space<vmem>>[vector<16xi32>, vector<16xi32>, vector<16xi32>, vector<16xi32>], vector<16xf32>,
        tpu.vector_store_idx %arg10[%broadcast_in_dim3A, %add3A_30, %select_n3A_50, %broadcast_in_dim3A_590], %get3A_598 : memref<4x4x8x129xf32, #tpu.memory_space<vmem>>[vector<16xi32>, vector<16xi32>, vector<16xi32>, vector<16xi32>], vector<16xf32>,
        %add3A_599 = arith.constant 4 : i32
        %add3A_600 = arith.addi %select_n3A_555, %add3A_599 : i32
        %broadcast_in_dim3A_601 = vector.broadcast %add3A_600 : i32 to vector<16xi32>
        %add3A_602 = arith.constant 4 : i32
        %add3A_603 = arith.addi %mul3A_515, %add3A_602 : i32
        %get3A_604 = arith.index_cast %add3A_603 : i32 to index
        %get3A_605 = arith.constant 0 : index
        %get3A_606 = tpu.vector_load %arg8[%get3A_604, %get3A_605] {strides = array<i32>} : memref<512x32xf32, #tpu.memory_space<vmem>>, vector<16xf32>,
        %get3A_607 = arith.index_cast %add3A_603 : i32 to index
        %get3A_608 = arith.constant 16 : index
        %get3A_609 = tpu.vector_load %arg8[%get3A_607, %get3A_608] {strides = array<i32>} : memref<512x32xf32, #tpu.memory_space<vmem>>, vector<16xf32>,
        tpu.vector_store_idx %arg10[%broadcast_in_dim3A, %select_n3A, %select_n3A_50, %broadcast_in_dim3A_601], %get3A_606 : memref<4x4x8x129xf32, #tpu.memory_space<vmem>>[vector<16xi32>, vector<16xi32>, vector<16xi32>, vector<16xi32>], vector<16xf32>,
        tpu.vector_store_idx %arg10[%broadcast_in_dim3A, %add3A_30, %select_n3A_50, %broadcast_in_dim3A_601], %get3A_609 : memref<4x4x8x129xf32, #tpu.memory_space<vmem>>[vector<16xi32>, vector<16xi32>, vector<16xi32>, vector<16xi32>], vector<16xf32>,
        %add3A_610 = arith.constant 5 : i32
        %add3A_611 = arith.addi %select_n3A_555, %add3A_610 : i32
        %broadcast_in_dim3A_612 = vector.broadcast %add3A_611 : i32 to vector<16xi32>
        %add3A_613 = arith.constant 5 : i32
        %add3A_614 = arith.addi %mul3A_515, %add3A_613 : i32
        %get3A_615 = arith.index_cast %add3A_614 : i32 to index
        %get3A_616 = arith.constant 0 : index
        %get3A_617 = tpu.vector_load %arg8[%get3A_615, %get3A_616] {strides = array<i32>} : memref<512x32xf32, #tpu.memory_space<vmem>>, vector<16xf32>,
        %get3A_618 = arith.index_cast %add3A_614 : i32 to index
        %get3A_619 = arith.constant 16 : index
        %get3A_620 = tpu.vector_load %arg8[%get3A_618, %get3A_619] {strides = array<i32>} : memref<512x32xf32, #tpu.memory_space<vmem>>, vector<16xf32>,
        tpu.vector_store_idx %arg10[%broadcast_in_dim3A, %select_n3A, %select_n3A_50, %broadcast_in_dim3A_612], %get3A_617 : memref<4x4x8x129xf32, #tpu.memory_space<vmem>>[vector<16xi32>, vector<16xi32>, vector<16xi32>, vector<16xi32>], vector<16xf32>,
        tpu.vector_store_idx %arg10[%broadcast_in_dim3A, %add3A_30, %select_n3A_50, %broadcast_in_dim3A_612], %get3A_620 : memref<4x4x8x129xf32, #tpu.memory_space<vmem>>[vector<16xi32>, vector<16xi32>, vector<16xi32>, vector<16xi32>], vector<16xf32>,
        %add3A_621 = arith.constant 6 : i32
        %add3A_622 = arith.addi %select_n3A_555, %add3A_621 : i32
        %broadcast_in_dim3A_623 = vector.broadcast %add3A_622 : i32 to vector<16xi32>
        %add3A_624 = arith.constant 6 : i32
        %add3A_625 = arith.addi %mul3A_515, %add3A_624 : i32
        %get3A_626 = arith.index_cast %add3A_625 : i32 to index
        %get3A_627 = arith.constant 0 : index
        %get3A_628 = tpu.vector_load %arg8[%get3A_626, %get3A_627] {strides = array<i32>} : memref<512x32xf32, #tpu.memory_space<vmem>>, vector<16xf32>,
        %get3A_629 = arith.index_cast %add3A_625 : i32 to index
        %get3A_630 = arith.constant 16 : index
        %get3A_631 = tpu.vector_load %arg8[%get3A_629, %get3A_630] {strides = array<i32>} : memref<512x32xf32, #tpu.memory_space<vmem>>, vector<16xf32>,
        tpu.vector_store_idx %arg10[%broadcast_in_dim3A, %select_n3A, %select_n3A_50, %broadcast_in_dim3A_623], %get3A_628 : memref<4x4x8x129xf32, #tpu.memory_space<vmem>>[vector<16xi32>, vector<16xi32>, vector<16xi32>, vector<16xi32>], vector<16xf32>,
        tpu.vector_store_idx %arg10[%broadcast_in_dim3A, %add3A_30, %select_n3A_50, %broadcast_in_dim3A_623], %get3A_631 : memref<4x4x8x129xf32, #tpu.memory_space<vmem>>[vector<16xi32>, vector<16xi32>, vector<16xi32>, vector<16xi32>], vector<16xf32>,
        %add3A_632 = arith.constant 7 : i32
        %add3A_633 = arith.addi %select_n3A_555, %add3A_632 : i32
        %broadcast_in_dim3A_634 = vector.broadcast %add3A_633 : i32 to vector<16xi32>
        %add3A_635 = arith.constant 7 : i32
        %add3A_636 = arith.addi %mul3A_515, %add3A_635 : i32
        %get3A_637 = arith.index_cast %add3A_636 : i32 to index
        %get3A_638 = arith.constant 0 : index
        %get3A_639 = tpu.vector_load %arg8[%get3A_637, %get3A_638] {strides = array<i32>} : memref<512x32xf32, #tpu.memory_space<vmem>>, vector<16xf32>,
        %get3A_640 = arith.index_cast %add3A_636 : i32 to index
        %get3A_641 = arith.constant 16 : index
        %get3A_642 = tpu.vector_load %arg8[%get3A_640, %get3A_641] {strides = array<i32>} : memref<512x32xf32, #tpu.memory_space<vmem>>, vector<16xf32>,
        tpu.vector_store_idx %arg10[%broadcast_in_dim3A, %select_n3A, %select_n3A_50, %broadcast_in_dim3A_634], %get3A_639 : memref<4x4x8x129xf32, #tpu.memory_space<vmem>>[vector<16xi32>, vector<16xi32>, vector<16xi32>, vector<16xi32>], vector<16xf32>,
        tpu.vector_store_idx %arg10[%broadcast_in_dim3A, %add3A_30, %select_n3A_50, %broadcast_in_dim3A_634], %get3A_642 : memref<4x4x8x129xf32, #tpu.memory_space<vmem>>[vector<16xi32>, vector<16xi32>, vector<16xi32>, vector<16xi32>], vector<16xf32>,
        %add3A_643 = arith.constant 8 : i32
        %add3A_644 = arith.addi %select_n3A_555, %add3A_643 : i32
        %broadcast_in_dim3A_645 = vector.broadcast %add3A_644 : i32 to vector<16xi32>
        %add3A_646 = arith.constant 8 : i32
        %add3A_647 = arith.addi %mul3A_515, %add3A_646 : i32
        %get3A_648 = arith.index_cast %add3A_647 : i32 to index
        %get3A_649 = arith.constant 0 : index
        %get3A_650 = tpu.vector_load %arg8[%get3A_648, %get3A_649] {strides = array<i32>} : memref<512x32xf32, #tpu.memory_space<vmem>>, vector<16xf32>,
        %get3A_651 = arith.index_cast %add3A_647 : i32 to index
        %get3A_652 = arith.constant 16 : index
        %get3A_653 = tpu.vector_load %arg8[%get3A_651, %get3A_652] {strides = array<i32>} : memref<512x32xf32, #tpu.memory_space<vmem>>, vector<16xf32>,
        tpu.vector_store_idx %arg10[%broadcast_in_dim3A, %select_n3A, %select_n3A_50, %broadcast_in_dim3A_645], %get3A_650 : memref<4x4x8x129xf32, #tpu.memory_space<vmem>>[vector<16xi32>, vector<16xi32>, vector<16xi32>, vector<16xi32>], vector<16xf32>,
        tpu.vector_store_idx %arg10[%broadcast_in_dim3A, %add3A_30, %select_n3A_50, %broadcast_in_dim3A_645], %get3A_653 : memref<4x4x8x129xf32, #tpu.memory_space<vmem>>[vector<16xi32>, vector<16xi32>, vector<16xi32>, vector<16xi32>], vector<16xf32>,
        %add3A_654 = arith.constant 9 : i32
        %add3A_655 = arith.addi %select_n3A_555, %add3A_654 : i32
        %broadcast_in_dim3A_656 = vector.broadcast %add3A_655 : i32 to vector<16xi32>
        %add3A_657 = arith.constant 9 : i32
        %add3A_658 = arith.addi %mul3A_515, %add3A_657 : i32
        %get3A_659 = arith.index_cast %add3A_658 : i32 to index
        %get3A_660 = arith.constant 0 : index
        %get3A_661 = tpu.vector_load %arg8[%get3A_659, %get3A_660] {strides = array<i32>} : memref<512x32xf32, #tpu.memory_space<vmem>>, vector<16xf32>,
        %get3A_662 = arith.index_cast %add3A_658 : i32 to index
        %get3A_663 = arith.constant 16 : index
        %get3A_664 = tpu.vector_load %arg8[%get3A_662, %get3A_663] {strides = array<i32>} : memref<512x32xf32, #tpu.memory_space<vmem>>, vector<16xf32>,
        tpu.vector_store_idx %arg10[%broadcast_in_dim3A, %select_n3A, %select_n3A_50, %broadcast_in_dim3A_656], %get3A_661 : memref<4x4x8x129xf32, #tpu.memory_space<vmem>>[vector<16xi32>, vector<16xi32>, vector<16xi32>, vector<16xi32>], vector<16xf32>,
        tpu.vector_store_idx %arg10[%broadcast_in_dim3A, %add3A_30, %select_n3A_50, %broadcast_in_dim3A_656], %get3A_664 : memref<4x4x8x129xf32, #tpu.memory_space<vmem>>[vector<16xi32>, vector<16xi32>, vector<16xi32>, vector<16xi32>], vector<16xf32>,
        %add3A_665 = arith.constant 10 : i32
        %add3A_666 = arith.addi %select_n3A_555, %add3A_665 : i32
        %broadcast_in_dim3A_667 = vector.broadcast %add3A_666 : i32 to vector<16xi32>
        %add3A_668 = arith.constant 10 : i32
        %add3A_669 = arith.addi %mul3A_515, %add3A_668 : i32
        %get3A_670 = arith.index_cast %add3A_669 : i32 to index
        %get3A_671 = arith.constant 0 : index
        %get3A_672 = tpu.vector_load %arg8[%get3A_670, %get3A_671] {strides = array<i32>} : memref<512x32xf32, #tpu.memory_space<vmem>>, vector<16xf32>,
        %get3A_673 = arith.index_cast %add3A_669 : i32 to index
        %get3A_674 = arith.constant 16 : index
        %get3A_675 = tpu.vector_load %arg8[%get3A_673, %get3A_674] {strides = array<i32>} : memref<512x32xf32, #tpu.memory_space<vmem>>, vector<16xf32>,
        tpu.vector_store_idx %arg10[%broadcast_in_dim3A, %select_n3A, %select_n3A_50, %broadcast_in_dim3A_667], %get3A_672 : memref<4x4x8x129xf32, #tpu.memory_space<vmem>>[vector<16xi32>, vector<16xi32>, vector<16xi32>, vector<16xi32>], vector<16xf32>,
        tpu.vector_store_idx %arg10[%broadcast_in_dim3A, %add3A_30, %select_n3A_50, %broadcast_in_dim3A_667], %get3A_675 : memref<4x4x8x129xf32, #tpu.memory_space<vmem>>[vector<16xi32>, vector<16xi32>, vector<16xi32>, vector<16xi32>], vector<16xf32>,
        %add3A_676 = arith.constant 11 : i32
        %add3A_677 = arith.addi %select_n3A_555, %add3A_676 : i32
        %broadcast_in_dim3A_678 = vector.broadcast %add3A_677 : i32 to vector<16xi32>
        %add3A_679 = arith.constant 11 : i32
        %add3A_680 = arith.addi %mul3A_515, %add3A_679 : i32
        %get3A_681 = arith.index_cast %add3A_680 : i32 to index
        %get3A_682 = arith.constant 0 : index
        %get3A_683 = tpu.vector_load %arg8[%get3A_681, %get3A_682] {strides = array<i32>} : memref<512x32xf32, #tpu.memory_space<vmem>>, vector<16xf32>,
        %get3A_684 = arith.index_cast %add3A_680 : i32 to index
        %get3A_685 = arith.constant 16 : index
        %get3A_686 = tpu.vector_load %arg8[%get3A_684, %get3A_685] {strides = array<i32>} : memref<512x32xf32, #tpu.memory_space<vmem>>, vector<16xf32>,
        tpu.vector_store_idx %arg10[%broadcast_in_dim3A, %select_n3A, %select_n3A_50, %broadcast_in_dim3A_678], %get3A_683 : memref<4x4x8x129xf32, #tpu.memory_space<vmem>>[vector<16xi32>, vector<16xi32>, vector<16xi32>, vector<16xi32>], vector<16xf32>,
        tpu.vector_store_idx %arg10[%broadcast_in_dim3A, %add3A_30, %select_n3A_50, %broadcast_in_dim3A_678], %get3A_686 : memref<4x4x8x129xf32, #tpu.memory_space<vmem>>[vector<16xi32>, vector<16xi32>, vector<16xi32>, vector<16xi32>], vector<16xf32>,
        %add3A_687 = arith.constant 12 : i32
        %add3A_688 = arith.addi %select_n3A_555, %add3A_687 : i32
        %broadcast_in_dim3A_689 = vector.broadcast %add3A_688 : i32 to vector<16xi32>
        %add3A_690 = arith.constant 12 : i32
        %add3A_691 = arith.addi %mul3A_515, %add3A_690 : i32
        %get3A_692 = arith.index_cast %add3A_691 : i32 to index
        %get3A_693 = arith.constant 0 : index
        %get3A_694 = tpu.vector_load %arg8[%get3A_692, %get3A_693] {strides = array<i32>} : memref<512x32xf32, #tpu.memory_space<vmem>>, vector<16xf32>,
        %get3A_695 = arith.index_cast %add3A_691 : i32 to index
        %get3A_696 = arith.constant 16 : index
        %get3A_697 = tpu.vector_load %arg8[%get3A_695, %get3A_696] {strides = array<i32>} : memref<512x32xf32, #tpu.memory_space<vmem>>, vector<16xf32>,
        tpu.vector_store_idx %arg10[%broadcast_in_dim3A, %select_n3A, %select_n3A_50, %broadcast_in_dim3A_689], %get3A_694 : memref<4x4x8x129xf32, #tpu.memory_space<vmem>>[vector<16xi32>, vector<16xi32>, vector<16xi32>, vector<16xi32>], vector<16xf32>,
        tpu.vector_store_idx %arg10[%broadcast_in_dim3A, %add3A_30, %select_n3A_50, %broadcast_in_dim3A_689], %get3A_697 : memref<4x4x8x129xf32, #tpu.memory_space<vmem>>[vector<16xi32>, vector<16xi32>, vector<16xi32>, vector<16xi32>], vector<16xf32>,
        %add3A_698 = arith.constant 13 : i32
        %add3A_699 = arith.addi %select_n3A_555, %add3A_698 : i32
        %broadcast_in_dim3A_700 = vector.broadcast %add3A_699 : i32 to vector<16xi32>
        %add3A_701 = arith.constant 13 : i32
        %add3A_702 = arith.addi %mul3A_515, %add3A_701 : i32
        %get3A_703 = arith.index_cast %add3A_702 : i32 to index
        %get3A_704 = arith.constant 0 : index
        %get3A_705 = tpu.vector_load %arg8[%get3A_703, %get3A_704] {strides = array<i32>} : memref<512x32xf32, #tpu.memory_space<vmem>>, vector<16xf32>,
        %get3A_706 = arith.index_cast %add3A_702 : i32 to index
        %get3A_707 = arith.constant 16 : index
        %get3A_708 = tpu.vector_load %arg8[%get3A_706, %get3A_707] {strides = array<i32>} : memref<512x32xf32, #tpu.memory_space<vmem>>, vector<16xf32>,
        tpu.vector_store_idx %arg10[%broadcast_in_dim3A, %select_n3A, %select_n3A_50, %broadcast_in_dim3A_700], %get3A_705 : memref<4x4x8x129xf32, #tpu.memory_space<vmem>>[vector<16xi32>, vector<16xi32>, vector<16xi32>, vector<16xi32>], vector<16xf32>,
        tpu.vector_store_idx %arg10[%broadcast_in_dim3A, %add3A_30, %select_n3A_50, %broadcast_in_dim3A_700], %get3A_708 : memref<4x4x8x129xf32, #tpu.memory_space<vmem>>[vector<16xi32>, vector<16xi32>, vector<16xi32>, vector<16xi32>], vector<16xf32>,
        %add3A_709 = arith.constant 14 : i32
        %add3A_710 = arith.addi %select_n3A_555, %add3A_709 : i32
        %broadcast_in_dim3A_711 = vector.broadcast %add3A_710 : i32 to vector<16xi32>
        %add3A_712 = arith.constant 14 : i32
        %add3A_713 = arith.addi %mul3A_515, %add3A_712 : i32
        %get3A_714 = arith.index_cast %add3A_713 : i32 to index
        %get3A_715 = arith.constant 0 : index
        %get3A_716 = tpu.vector_load %arg8[%get3A_714, %get3A_715] {strides = array<i32>} : memref<512x32xf32, #tpu.memory_space<vmem>>, vector<16xf32>,
        %get3A_717 = arith.index_cast %add3A_713 : i32 to index
        %get3A_718 = arith.constant 16 : index
        %get3A_719 = tpu.vector_load %arg8[%get3A_717, %get3A_718] {strides = array<i32>} : memref<512x32xf32, #tpu.memory_space<vmem>>, vector<16xf32>,
        tpu.vector_store_idx %arg10[%broadcast_in_dim3A, %select_n3A, %select_n3A_50, %broadcast_in_dim3A_711], %get3A_716 : memref<4x4x8x129xf32, #tpu.memory_space<vmem>>[vector<16xi32>, vector<16xi32>, vector<16xi32>, vector<16xi32>], vector<16xf32>,
        tpu.vector_store_idx %arg10[%broadcast_in_dim3A, %add3A_30, %select_n3A_50, %broadcast_in_dim3A_711], %get3A_719 : memref<4x4x8x129xf32, #tpu.memory_space<vmem>>[vector<16xi32>, vector<16xi32>, vector<16xi32>, vector<16xi32>], vector<16xf32>,
        %add3A_720 = arith.constant 15 : i32
        %add3A_721 = arith.addi %select_n3A_555, %add3A_720 : i32
        %broadcast_in_dim3A_722 = vector.broadcast %add3A_721 : i32 to vector<16xi32>
        %add3A_723 = arith.constant 15 : i32
        %add3A_724 = arith.addi %mul3A_515, %add3A_723 : i32
        %get3A_725 = arith.index_cast %add3A_724 : i32 to index
        %get3A_726 = arith.constant 0 : index
        %get3A_727 = tpu.vector_load %arg8[%get3A_725, %get3A_726] {strides = array<i32>} : memref<512x32xf32, #tpu.memory_space<vmem>>, vector<16xf32>,
        %get3A_728 = arith.index_cast %add3A_724 : i32 to index
        %get3A_729 = arith.constant 16 : index
        %get3A_730 = tpu.vector_load %arg8[%get3A_728, %get3A_729] {strides = array<i32>} : memref<512x32xf32, #tpu.memory_space<vmem>>, vector<16xf32>,
        tpu.vector_store_idx %arg10[%broadcast_in_dim3A, %select_n3A, %select_n3A_50, %broadcast_in_dim3A_722], %get3A_727 : memref<4x4x8x129xf32, #tpu.memory_space<vmem>>[vector<16xi32>, vector<16xi32>, vector<16xi32>, vector<16xi32>], vector<16xf32>,
        tpu.vector_store_idx %arg10[%broadcast_in_dim3A, %add3A_30, %select_n3A_50, %broadcast_in_dim3A_722], %get3A_730 : memref<4x4x8x129xf32, #tpu.memory_space<vmem>>[vector<16xi32>, vector<16xi32>, vector<16xi32>, vector<16xi32>], vector<16xf32>,
      }
      %scan3A_432 = arith.constant 32 : i32
      %dma_start3A_433 = arith.constant 0 : i32
      %dma_start3A_434 = arith.constant 0 : i32
      %dma_start3A_435 = arith.constant 0 : i32
      %dma_start3A_436 = arith.constant 0 : i32
      %dma_start3A_437 = arith.constant 0 : i32
      %dma_start3A_438 = tpu.memref_slice %arg10[%dma_start3A_435, %dma_start3A_433, %dma_start3A_436, %dma_start3A_437] : memref<4x4x8x129xf32, #tpu.memory_space<vmem>> -> memref<4x1x8x128xf32, #tpu.memory_space<vmem>>
      %dma_start3A_439 = tpu.memref_squeeze %dma_start3A_438 : memref<4x1x8x128xf32, #tpu.memory_space<vmem>> -> memref<4x8x128xf32, #tpu.memory_space<vmem>>
      %dma_start3A_440 = arith.constant 0 : i32
      %dma_start3A_441 = arith.constant 0 : i32
      %dma_start3A_442 = tpu.memref_slice %arg4[%add3A_400, %dma_start3A_434, %mul3A_4, %dma_start3A_440, %dma_start3A_441] : memref<200x4x128x8x128xf32, #tpu.memory_space<hbm>> -> memref<1x1x4x8x128xf32, #tpu.memory_space<hbm>>
      %dma_start3A_443 = tpu.memref_squeeze %dma_start3A_442 : memref<1x1x4x8x128xf32, #tpu.memory_space<hbm>> -> memref<4x8x128xf32, #tpu.memory_space<hbm>>
      %dma_start3A_444 = arith.constant 0 : i32
      %dma_start3A_445 = arith.constant 0 : i32
      %dma_start3A_446 = tpu.memref_slice %arg4[%add3A_400, %dma_start3A_434, %mul3A_4, %dma_start3A_444, %dma_start3A_445] : memref<200x4x128x8x128xf32, #tpu.memory_space<hbm>> -> memref<1x1x4x8x128xf32, #tpu.memory_space<hbm>>
      %dma_start3A_447 = tpu.memref_squeeze %dma_start3A_446 : memref<1x1x4x8x128xf32, #tpu.memory_space<hbm>> -> memref<4x8x128xf32, #tpu.memory_space<hbm>>
      %dma_start3A_448 = arith.constant 0 : i32
      %dma_start3A_449 = arith.constant 0 : i32
      %dma_start3A_450 = arith.constant 0 : i32
      %dma_start3A_451 = tpu.memref_slice %arg10[%dma_start3A_448, %dma_start3A_433, %dma_start3A_449, %dma_start3A_450] : memref<4x4x8x129xf32, #tpu.memory_space<vmem>> -> memref<4x1x8x128xf32, #tpu.memory_space<vmem>>
      %dma_start3A_452 = tpu.memref_squeeze %dma_start3A_451 : memref<4x1x8x128xf32, #tpu.memory_space<vmem>> -> memref<4x8x128xf32, #tpu.memory_space<vmem>>
      tpu.enqueue_dma source(%dma_start3A_452 : memref<4x8x128xf32, #tpu.memory_space<vmem>>) target(%dma_start3A_447 : memref<4x8x128xf32, #tpu.memory_space<hbm>>) target_semaphore(%arg14 : memref<!tpu.dma_semaphore, #tpu.memory_space<semaphore_mem>>)
      %dma_start3A_453 = arith.constant 1 : i32
      %dma_start3A_454 = arith.constant 1 : i32
      %dma_start3A_455 = arith.constant 0 : i32
      %dma_start3A_456 = arith.constant 0 : i32
      %dma_start3A_457 = arith.constant 0 : i32
      %dma_start3A_458 = tpu.memref_slice %arg10[%dma_start3A_455, %dma_start3A_453, %dma_start3A_456, %dma_start3A_457] : memref<4x4x8x129xf32, #tpu.memory_space<vmem>> -> memref<4x1x8x128xf32, #tpu.memory_space<vmem>>
      %dma_start3A_459 = tpu.memref_squeeze %dma_start3A_458 : memref<4x1x8x128xf32, #tpu.memory_space<vmem>> -> memref<4x8x128xf32, #tpu.memory_space<vmem>>
      %dma_start3A_460 = arith.constant 0 : i32
      %dma_start3A_461 = arith.constant 0 : i32
      %dma_start3A_462 = tpu.memref_slice %arg4[%add3A_400, %dma_start3A_454, %mul3A_4, %dma_start3A_460, %dma_start3A_461] : memref<200x4x128x8x128xf32, #tpu.memory_space<hbm>> -> memref<1x1x4x8x128xf32, #tpu.memory_space<hbm>>
      %dma_start3A_463 = tpu.memref_squeeze %dma_start3A_462 : memref<1x1x4x8x128xf32, #tpu.memory_space<hbm>> -> memref<4x8x128xf32, #tpu.memory_space<hbm>>
      %dma_start3A_464 = arith.constant 0 : i32
      %dma_start3A_465 = arith.constant 0 : i32
      %dma_start3A_466 = tpu.memref_slice %arg4[%add3A_400, %dma_start3A_454, %mul3A_4, %dma_start3A_464, %dma_start3A_465] : memref<200x4x128x8x128xf32, #tpu.memory_space<hbm>> -> memref<1x1x4x8x128xf32, #tpu.memory_space<hbm>>
      %dma_start3A_467 = tpu.memref_squeeze %dma_start3A_466 : memref<1x1x4x8x128xf32, #tpu.memory_space<hbm>> -> memref<4x8x128xf32, #tpu.memory_space<hbm>>
      %dma_start3A_468 = arith.constant 0 : i32
      %dma_start3A_469 = arith.constant 0 : i32
      %dma_start3A_470 = arith.constant 0 : i32
      %dma_start3A_471 = tpu.memref_slice %arg10[%dma_start3A_468, %dma_start3A_453, %dma_start3A_469, %dma_start3A_470] : memref<4x4x8x129xf32, #tpu.memory_space<vmem>> -> memref<4x1x8x128xf32, #tpu.memory_space<vmem>>
      %dma_start3A_472 = tpu.memref_squeeze %dma_start3A_471 : memref<4x1x8x128xf32, #tpu.memory_space<vmem>> -> memref<4x8x128xf32, #tpu.memory_space<vmem>>
      tpu.enqueue_dma source(%dma_start3A_472 : memref<4x8x128xf32, #tpu.memory_space<vmem>>) target(%dma_start3A_467 : memref<4x8x128xf32, #tpu.memory_space<hbm>>) target_semaphore(%arg14 : memref<!tpu.dma_semaphore, #tpu.memory_space<semaphore_mem>>)
      %dma_start3A_473 = arith.constant 2 : i32
      %dma_start3A_474 = arith.constant 2 : i32
      %dma_start3A_475 = arith.constant 0 : i32
      %dma_start3A_476 = arith.constant 0 : i32
      %dma_start3A_477 = arith.constant 0 : i32
      %dma_start3A_478 = tpu.memref_slice %arg10[%dma_start3A_475, %dma_start3A_473, %dma_start3A_476, %dma_start3A_477] : memref<4x4x8x129xf32, #tpu.memory_space<vmem>> -> memref<4x1x8x128xf32, #tpu.memory_space<vmem>>
      %dma_start3A_479 = tpu.memref_squeeze %dma_start3A_478 : memref<4x1x8x128xf32, #tpu.memory_space<vmem>> -> memref<4x8x128xf32, #tpu.memory_space<vmem>>
      %dma_start3A_480 = arith.constant 0 : i32
      %dma_start3A_481 = arith.constant 0 : i32
      %dma_start3A_482 = tpu.memref_slice %arg4[%add3A_400, %dma_start3A_474, %mul3A_4, %dma_start3A_480, %dma_start3A_481] : memref<200x4x128x8x128xf32, #tpu.memory_space<hbm>> -> memref<1x1x4x8x128xf32, #tpu.memory_space<hbm>>
      %dma_start3A_483 = tpu.memref_squeeze %dma_start3A_482 : memref<1x1x4x8x128xf32, #tpu.memory_space<hbm>> -> memref<4x8x128xf32, #tpu.memory_space<hbm>>
      %dma_start3A_484 = arith.constant 0 : i32
      %dma_start3A_485 = arith.constant 0 : i32
      %dma_start3A_486 = tpu.memref_slice %arg4[%add3A_400, %dma_start3A_474, %mul3A_4, %dma_start3A_484, %dma_start3A_485] : memref<200x4x128x8x128xf32, #tpu.memory_space<hbm>> -> memref<1x1x4x8x128xf32, #tpu.memory_space<hbm>>
      %dma_start3A_487 = tpu.memref_squeeze %dma_start3A_486 : memref<1x1x4x8x128xf32, #tpu.memory_space<hbm>> -> memref<4x8x128xf32, #tpu.memory_space<hbm>>
      %dma_start3A_488 = arith.constant 0 : i32
      %dma_start3A_489 = arith.constant 0 : i32
      %dma_start3A_490 = arith.constant 0 : i32
      %dma_start3A_491 = tpu.memref_slice %arg10[%dma_start3A_488, %dma_start3A_473, %dma_start3A_489, %dma_start3A_490] : memref<4x4x8x129xf32, #tpu.memory_space<vmem>> -> memref<4x1x8x128xf32, #tpu.memory_space<vmem>>
      %dma_start3A_492 = tpu.memref_squeeze %dma_start3A_491 : memref<4x1x8x128xf32, #tpu.memory_space<vmem>> -> memref<4x8x128xf32, #tpu.memory_space<vmem>>
      tpu.enqueue_dma source(%dma_start3A_492 : memref<4x8x128xf32, #tpu.memory_space<vmem>>) target(%dma_start3A_487 : memref<4x8x128xf32, #tpu.memory_space<hbm>>) target_semaphore(%arg14 : memref<!tpu.dma_semaphore, #tpu.memory_space<semaphore_mem>>)
      %dma_start3A_493 = arith.constant 3 : i32
      %dma_start3A_494 = arith.constant 3 : i32
      %dma_start3A_495 = arith.constant 0 : i32
      %dma_start3A_496 = arith.constant 0 : i32
      %dma_start3A_497 = arith.constant 0 : i32
      %dma_start3A_498 = tpu.memref_slice %arg10[%dma_start3A_495, %dma_start3A_493, %dma_start3A_496, %dma_start3A_497] : memref<4x4x8x129xf32, #tpu.memory_space<vmem>> -> memref<4x1x8x128xf32, #tpu.memory_space<vmem>>
      %dma_start3A_499 = tpu.memref_squeeze %dma_start3A_498 : memref<4x1x8x128xf32, #tpu.memory_space<vmem>> -> memref<4x8x128xf32, #tpu.memory_space<vmem>>
      %dma_start3A_500 = arith.constant 0 : i32
      %dma_start3A_501 = arith.constant 0 : i32
      %dma_start3A_502 = tpu.memref_slice %arg4[%add3A_400, %dma_start3A_494, %mul3A_4, %dma_start3A_500, %dma_start3A_501] : memref<200x4x128x8x128xf32, #tpu.memory_space<hbm>> -> memref<1x1x4x8x128xf32, #tpu.memory_space<hbm>>
      %dma_start3A_503 = tpu.memref_squeeze %dma_start3A_502 : memref<1x1x4x8x128xf32, #tpu.memory_space<hbm>> -> memref<4x8x128xf32, #tpu.memory_space<hbm>>
      %dma_start3A_504 = arith.constant 0 : i32
      %dma_start3A_505 = arith.constant 0 : i32
      %dma_start3A_506 = tpu.memref_slice %arg4[%add3A_400, %dma_start3A_494, %mul3A_4, %dma_start3A_504, %dma_start3A_505] : memref<200x4x128x8x128xf32, #tpu.memory_space<hbm>> -> memref<1x1x4x8x128xf32, #tpu.memory_space<hbm>>
      %dma_start3A_507 = tpu.memref_squeeze %dma_start3A_506 : memref<1x1x4x8x128xf32, #tpu.memory_space<hbm>> -> memref<4x8x128xf32, #tpu.memory_space<hbm>>
      %dma_start3A_508 = arith.constant 0 : i32
      %dma_start3A_509 = arith.constant 0 : i32
      %dma_start3A_510 = arith.constant 0 : i32
      %dma_start3A_511 = tpu.memref_slice %arg10[%dma_start3A_508, %dma_start3A_493, %dma_start3A_509, %dma_start3A_510] : memref<4x4x8x129xf32, #tpu.memory_space<vmem>> -> memref<4x1x8x128xf32, #tpu.memory_space<vmem>>
      %dma_start3A_512 = tpu.memref_squeeze %dma_start3A_511 : memref<4x1x8x128xf32, #tpu.memory_space<vmem>> -> memref<4x8x128xf32, #tpu.memory_space<vmem>>
      tpu.enqueue_dma source(%dma_start3A_512 : memref<4x8x128xf32, #tpu.memory_space<vmem>>) target(%dma_start3A_507 : memref<4x8x128xf32, #tpu.memory_space<hbm>>) target_semaphore(%arg14 : memref<!tpu.dma_semaphore, #tpu.memory_space<semaphore_mem>>)
    }
    %scan3A_114 = arith.constant 100 : i32
    %dma_wait3A_115 = arith.constant 0 : i32
    %dma_wait3A_116 = arith.constant 0 : i32
    %dma_wait3A_117 = arith.constant 0 : i32
    %dma_wait3A_118 = arith.constant 0 : i32
    %dma_wait3A_119 = arith.constant 0 : i32
    %dma_wait3A_120 = arith.constant 0 : i32
    %dma_wait3A_121 = tpu.memref_slice %arg9[%dma_wait3A_118, %dma_wait3A_115, %dma_wait3A_119, %dma_wait3A_120] : memref<4x4x8x129xf32, #tpu.memory_space<vmem>> -> memref<4x1x8x128xf32, #tpu.memory_space<vmem>>
    %dma_wait3A_122 = tpu.memref_squeeze %dma_wait3A_121 : memref<4x1x8x128xf32, #tpu.memory_space<vmem>> -> memref<4x8x128xf32, #tpu.memory_space<vmem>>
    %dma_wait3A_123 = arith.constant 0 : i32
    %dma_wait3A_124 = arith.constant 0 : i32
    %dma_wait3A_125 = tpu.memref_slice %arg4[%dma_wait3A_116, %dma_wait3A_117, %mul3A_4, %dma_wait3A_123, %dma_wait3A_124] : memref<200x4x128x8x128xf32, #tpu.memory_space<hbm>> -> memref<1x1x4x8x128xf32, #tpu.memory_space<hbm>>
    %dma_wait3A_126 = tpu.memref_squeeze %dma_wait3A_125 : memref<1x1x4x8x128xf32, #tpu.memory_space<hbm>> -> memref<4x8x128xf32, #tpu.memory_space<hbm>>
    %dma_wait3A_127 = arith.constant 0 : i32
    %dma_wait3A_128 = arith.constant 0 : i32
    %dma_wait3A_129 = tpu.memref_slice %arg4[%dma_wait3A_116, %dma_wait3A_117, %mul3A_4, %dma_wait3A_127, %dma_wait3A_128] : memref<200x4x128x8x128xf32, #tpu.memory_space<hbm>> -> memref<1x1x4x8x128xf32, #tpu.memory_space<hbm>>
    %dma_wait3A_130 = tpu.memref_squeeze %dma_wait3A_129 : memref<1x1x4x8x128xf32, #tpu.memory_space<hbm>> -> memref<4x8x128xf32, #tpu.memory_space<hbm>>
    %dma_wait3A_131 = arith.constant 0 : i32
    %dma_wait3A_132 = arith.constant 0 : i32
    %dma_wait3A_133 = arith.constant 0 : i32
    %dma_wait3A_134 = tpu.memref_slice %arg9[%dma_wait3A_131, %dma_wait3A_115, %dma_wait3A_132, %dma_wait3A_133] : memref<4x4x8x129xf32, #tpu.memory_space<vmem>> -> memref<4x1x8x128xf32, #tpu.memory_space<vmem>>
    %dma_wait3A_135 = tpu.memref_squeeze %dma_wait3A_134 : memref<4x1x8x128xf32, #tpu.memory_space<vmem>> -> memref<4x8x128xf32, #tpu.memory_space<vmem>>
    tpu.wait_dma2 semaphore(%arg13 : memref<!tpu.dma_semaphore, #tpu.memory_space<semaphore_mem>>) src(%dma_wait3A_135 : memref<4x8x128xf32, #tpu.memory_space<vmem>>) dst(%dma_wait3A_130 : memref<4x8x128xf32, #tpu.memory_space<hbm>>)
    %dma_wait3A_136 = arith.constant 1 : i32
    %dma_wait3A_137 = arith.constant 0 : i32
    %dma_wait3A_138 = arith.constant 1 : i32
    %dma_wait3A_139 = arith.constant 0 : i32
    %dma_wait3A_140 = arith.constant 0 : i32
    %dma_wait3A_141 = arith.constant 0 : i32
    %dma_wait3A_142 = tpu.memref_slice %arg9[%dma_wait3A_139, %dma_wait3A_136, %dma_wait3A_140, %dma_wait3A_141] : memref<4x4x8x129xf32, #tpu.memory_space<vmem>> -> memref<4x1x8x128xf32, #tpu.memory_space<vmem>>
    %dma_wait3A_143 = tpu.memref_squeeze %dma_wait3A_142 : memref<4x1x8x128xf32, #tpu.memory_space<vmem>> -> memref<4x8x128xf32, #tpu.memory_space<vmem>>
    %dma_wait3A_144 = arith.constant 0 : i32
    %dma_wait3A_145 = arith.constant 0 : i32
    %dma_wait3A_146 = tpu.memref_slice %arg4[%dma_wait3A_137, %dma_wait3A_138, %mul3A_4, %dma_wait3A_144, %dma_wait3A_145] : memref<200x4x128x8x128xf32, #tpu.memory_space<hbm>> -> memref<1x1x4x8x128xf32, #tpu.memory_space<hbm>>
    %dma_wait3A_147 = tpu.memref_squeeze %dma_wait3A_146 : memref<1x1x4x8x128xf32, #tpu.memory_space<hbm>> -> memref<4x8x128xf32, #tpu.memory_space<hbm>>
    %dma_wait3A_148 = arith.constant 0 : i32
    %dma_wait3A_149 = arith.constant 0 : i32
    %dma_wait3A_150 = tpu.memref_slice %arg4[%dma_wait3A_137, %dma_wait3A_138, %mul3A_4, %dma_wait3A_148, %dma_wait3A_149] : memref<200x4x128x8x128xf32, #tpu.memory_space<hbm>> -> memref<1x1x4x8x128xf32, #tpu.memory_space<hbm>>
    %dma_wait3A_151 = tpu.memref_squeeze %dma_wait3A_150 : memref<1x1x4x8x128xf32, #tpu.memory_space<hbm>> -> memref<4x8x128xf32, #tpu.memory_space<hbm>>
    %dma_wait3A_152 = arith.constant 0 : i32
    %dma_wait3A_153 = arith.constant 0 : i32
    %dma_wait3A_154 = arith.constant 0 : i32
    %dma_wait3A_155 = tpu.memref_slice %arg9[%dma_wait3A_152, %dma_wait3A_136, %dma_wait3A_153, %dma_wait3A_154] : memref<4x4x8x129xf32, #tpu.memory_space<vmem>> -> memref<4x1x8x128xf32, #tpu.memory_space<vmem>>
    %dma_wait3A_156 = tpu.memref_squeeze %dma_wait3A_155 : memref<4x1x8x128xf32, #tpu.memory_space<vmem>> -> memref<4x8x128xf32, #tpu.memory_space<vmem>>
    tpu.wait_dma2 semaphore(%arg13 : memref<!tpu.dma_semaphore, #tpu.memory_space<semaphore_mem>>) src(%dma_wait3A_156 : memref<4x8x128xf32, #tpu.memory_space<vmem>>) dst(%dma_wait3A_151 : memref<4x8x128xf32, #tpu.memory_space<hbm>>)
    %dma_wait3A_157 = arith.constant 2 : i32
    %dma_wait3A_158 = arith.constant 0 : i32
    %dma_wait3A_159 = arith.constant 2 : i32
    %dma_wait3A_160 = arith.constant 0 : i32
    %dma_wait3A_161 = arith.constant 0 : i32
    %dma_wait3A_162 = arith.constant 0 : i32
    %dma_wait3A_163 = tpu.memref_slice %arg9[%dma_wait3A_160, %dma_wait3A_157, %dma_wait3A_161, %dma_wait3A_162] : memref<4x4x8x129xf32, #tpu.memory_space<vmem>> -> memref<4x1x8x128xf32, #tpu.memory_space<vmem>>
    %dma_wait3A_164 = tpu.memref_squeeze %dma_wait3A_163 : memref<4x1x8x128xf32, #tpu.memory_space<vmem>> -> memref<4x8x128xf32, #tpu.memory_space<vmem>>
    %dma_wait3A_165 = arith.constant 0 : i32
    %dma_wait3A_166 = arith.constant 0 : i32
    %dma_wait3A_167 = tpu.memref_slice %arg4[%dma_wait3A_158, %dma_wait3A_159, %mul3A_4, %dma_wait3A_165, %dma_wait3A_166] : memref<200x4x128x8x128xf32, #tpu.memory_space<hbm>> -> memref<1x1x4x8x128xf32, #tpu.memory_space<hbm>>
    %dma_wait3A_168 = tpu.memref_squeeze %dma_wait3A_167 : memref<1x1x4x8x128xf32, #tpu.memory_space<hbm>> -> memref<4x8x128xf32, #tpu.memory_space<hbm>>
    %dma_wait3A_169 = arith.constant 0 : i32
    %dma_wait3A_170 = arith.constant 0 : i32
    %dma_wait3A_171 = tpu.memref_slice %arg4[%dma_wait3A_158, %dma_wait3A_159, %mul3A_4, %dma_wait3A_169, %dma_wait3A_170] : memref<200x4x128x8x128xf32, #tpu.memory_space<hbm>> -> memref<1x1x4x8x128xf32, #tpu.memory_space<hbm>>
    %dma_wait3A_172 = tpu.memref_squeeze %dma_wait3A_171 : memref<1x1x4x8x128xf32, #tpu.memory_space<hbm>> -> memref<4x8x128xf32, #tpu.memory_space<hbm>>
    %dma_wait3A_173 = arith.constant 0 : i32
    %dma_wait3A_174 = arith.constant 0 : i32
    %dma_wait3A_175 = arith.constant 0 : i32
    %dma_wait3A_176 = tpu.memref_slice %arg9[%dma_wait3A_173, %dma_wait3A_157, %dma_wait3A_174, %dma_wait3A_175] : memref<4x4x8x129xf32, #tpu.memory_space<vmem>> -> memref<4x1x8x128xf32, #tpu.memory_space<vmem>>
    %dma_wait3A_177 = tpu.memref_squeeze %dma_wait3A_176 : memref<4x1x8x128xf32, #tpu.memory_space<vmem>> -> memref<4x8x128xf32, #tpu.memory_space<vmem>>
    tpu.wait_dma2 semaphore(%arg13 : memref<!tpu.dma_semaphore, #tpu.memory_space<semaphore_mem>>) src(%dma_wait3A_177 : memref<4x8x128xf32, #tpu.memory_space<vmem>>) dst(%dma_wait3A_172 : memref<4x8x128xf32, #tpu.memory_space<hbm>>)
    %dma_wait3A_178 = arith.constant 3 : i32
    %dma_wait3A_179 = arith.constant 0 : i32
    %dma_wait3A_180 = arith.constant 3 : i32
    %dma_wait3A_181 = arith.constant 0 : i32
    %dma_wait3A_182 = arith.constant 0 : i32
    %dma_wait3A_183 = arith.constant 0 : i32
    %dma_wait3A_184 = tpu.memref_slice %arg9[%dma_wait3A_181, %dma_wait3A_178, %dma_wait3A_182, %dma_wait3A_183] : memref<4x4x8x129xf32, #tpu.memory_space<vmem>> -> memref<4x1x8x128xf32, #tpu.memory_space<vmem>>
    %dma_wait3A_185 = tpu.memref_squeeze %dma_wait3A_184 : memref<4x1x8x128xf32, #tpu.memory_space<vmem>> -> memref<4x8x128xf32, #tpu.memory_space<vmem>>
    %dma_wait3A_186 = arith.constant 0 : i32
    %dma_wait3A_187 = arith.constant 0 : i32
    %dma_wait3A_188 = tpu.memref_slice %arg4[%dma_wait3A_179, %dma_wait3A_180, %mul3A_4, %dma_wait3A_186, %dma_wait3A_187] : memref<200x4x128x8x128xf32, #tpu.memory_space<hbm>> -> memref<1x1x4x8x128xf32, #tpu.memory_space<hbm>>
    %dma_wait3A_189 = tpu.memref_squeeze %dma_wait3A_188 : memref<1x1x4x8x128xf32, #tpu.memory_space<hbm>> -> memref<4x8x128xf32, #tpu.memory_space<hbm>>
    %dma_wait3A_190 = arith.constant 0 : i32
    %dma_wait3A_191 = arith.constant 0 : i32
    %dma_wait3A_192 = tpu.memref_slice %arg4[%dma_wait3A_179, %dma_wait3A_180, %mul3A_4, %dma_wait3A_190, %dma_wait3A_191] : memref<200x4x128x8x128xf32, #tpu.memory_space<hbm>> -> memref<1x1x4x8x128xf32, #tpu.memory_space<hbm>>
    %dma_wait3A_193 = tpu.memref_squeeze %dma_wait3A_192 : memref<1x1x4x8x128xf32, #tpu.memory_space<hbm>> -> memref<4x8x128xf32, #tpu.memory_space<hbm>>
    %dma_wait3A_194 = arith.constant 0 : i32
    %dma_wait3A_195 = arith.constant 0 : i32
    %dma_wait3A_196 = arith.constant 0 : i32
    %dma_wait3A_197 = tpu.memref_slice %arg9[%dma_wait3A_194, %dma_wait3A_178, %dma_wait3A_195, %dma_wait3A_196] : memref<4x4x8x129xf32, #tpu.memory_space<vmem>> -> memref<4x1x8x128xf32, #tpu.memory_space<vmem>>
    %dma_wait3A_198 = tpu.memref_squeeze %dma_wait3A_197 : memref<4x1x8x128xf32, #tpu.memory_space<vmem>> -> memref<4x8x128xf32, #tpu.memory_space<vmem>>
    tpu.wait_dma2 semaphore(%arg13 : memref<!tpu.dma_semaphore, #tpu.memory_space<semaphore_mem>>) src(%dma_wait3A_198 : memref<4x8x128xf32, #tpu.memory_space<vmem>>) dst(%dma_wait3A_193 : memref<4x8x128xf32, #tpu.memory_space<hbm>>)
    %dma_wait3A_199 = arith.constant 0 : i32
    %dma_wait3A_200 = arith.constant 0 : i32
    %dma_wait3A_201 = arith.constant 0 : i32
    %dma_wait3A_202 = arith.constant 0 : i32
    %dma_wait3A_203 = arith.constant 0 : i32
    %dma_wait3A_204 = arith.constant 0 : i32
    %dma_wait3A_205 = tpu.memref_slice %arg10[%dma_wait3A_202, %dma_wait3A_199, %dma_wait3A_203, %dma_wait3A_204] : memref<4x4x8x129xf32, #tpu.memory_space<vmem>> -> memref<4x1x8x128xf32, #tpu.memory_space<vmem>>
    %dma_wait3A_206 = tpu.memref_squeeze %dma_wait3A_205 : memref<4x1x8x128xf32, #tpu.memory_space<vmem>> -> memref<4x8x128xf32, #tpu.memory_space<vmem>>
    %dma_wait3A_207 = arith.constant 0 : i32
    %dma_wait3A_208 = arith.constant 0 : i32
    %dma_wait3A_209 = tpu.memref_slice %arg4[%dma_wait3A_200, %dma_wait3A_201, %mul3A_4, %dma_wait3A_207, %dma_wait3A_208] : memref<200x4x128x8x128xf32, #tpu.memory_space<hbm>> -> memref<1x1x4x8x128xf32, #tpu.memory_space<hbm>>
    %dma_wait3A_210 = tpu.memref_squeeze %dma_wait3A_209 : memref<1x1x4x8x128xf32, #tpu.memory_space<hbm>> -> memref<4x8x128xf32, #tpu.memory_space<hbm>>
    %dma_wait3A_211 = arith.constant 0 : i32
    %dma_wait3A_212 = arith.constant 0 : i32
    %dma_wait3A_213 = tpu.memref_slice %arg4[%dma_wait3A_200, %dma_wait3A_201, %mul3A_4, %dma_wait3A_211, %dma_wait3A_212] : memref<200x4x128x8x128xf32, #tpu.memory_space<hbm>> -> memref<1x1x4x8x128xf32, #tpu.memory_space<hbm>>
    %dma_wait3A_214 = tpu.memref_squeeze %dma_wait3A_213 : memref<1x1x4x8x128xf32, #tpu.memory_space<hbm>> -> memref<4x8x128xf32, #tpu.memory_space<hbm>>
    %dma_wait3A_215 = arith.constant 0 : i32
    %dma_wait3A_216 = arith.constant 0 : i32
    %dma_wait3A_217 = arith.constant 0 : i32
    %dma_wait3A_218 = tpu.memref_slice %arg10[%dma_wait3A_215, %dma_wait3A_199, %dma_wait3A_216, %dma_wait3A_217] : memref<4x4x8x129xf32, #tpu.memory_space<vmem>> -> memref<4x1x8x128xf32, #tpu.memory_space<vmem>>
    %dma_wait3A_219 = tpu.memref_squeeze %dma_wait3A_218 : memref<4x1x8x128xf32, #tpu.memory_space<vmem>> -> memref<4x8x128xf32, #tpu.memory_space<vmem>>
    tpu.wait_dma2 semaphore(%arg14 : memref<!tpu.dma_semaphore, #tpu.memory_space<semaphore_mem>>) src(%dma_wait3A_219 : memref<4x8x128xf32, #tpu.memory_space<vmem>>) dst(%dma_wait3A_214 : memref<4x8x128xf32, #tpu.memory_space<hbm>>)
    %dma_wait3A_220 = arith.constant 1 : i32
    %dma_wait3A_221 = arith.constant 0 : i32
    %dma_wait3A_222 = arith.constant 1 : i32
    %dma_wait3A_223 = arith.constant 0 : i32
    %dma_wait3A_224 = arith.constant 0 : i32
    %dma_wait3A_225 = arith.constant 0 : i32
    %dma_wait3A_226 = tpu.memref_slice %arg10[%dma_wait3A_223, %dma_wait3A_220, %dma_wait3A_224, %dma_wait3A_225] : memref<4x4x8x129xf32, #tpu.memory_space<vmem>> -> memref<4x1x8x128xf32, #tpu.memory_space<vmem>>
    %dma_wait3A_227 = tpu.memref_squeeze %dma_wait3A_226 : memref<4x1x8x128xf32, #tpu.memory_space<vmem>> -> memref<4x8x128xf32, #tpu.memory_space<vmem>>
    %dma_wait3A_228 = arith.constant 0 : i32
    %dma_wait3A_229 = arith.constant 0 : i32
    %dma_wait3A_230 = tpu.memref_slice %arg4[%dma_wait3A_221, %dma_wait3A_222, %mul3A_4, %dma_wait3A_228, %dma_wait3A_229] : memref<200x4x128x8x128xf32, #tpu.memory_space<hbm>> -> memref<1x1x4x8x128xf32, #tpu.memory_space<hbm>>
    %dma_wait3A_231 = tpu.memref_squeeze %dma_wait3A_230 : memref<1x1x4x8x128xf32, #tpu.memory_space<hbm>> -> memref<4x8x128xf32, #tpu.memory_space<hbm>>
    %dma_wait3A_232 = arith.constant 0 : i32
    %dma_wait3A_233 = arith.constant 0 : i32
    %dma_wait3A_234 = tpu.memref_slice %arg4[%dma_wait3A_221, %dma_wait3A_222, %mul3A_4, %dma_wait3A_232, %dma_wait3A_233] : memref<200x4x128x8x128xf32, #tpu.memory_space<hbm>> -> memref<1x1x4x8x128xf32, #tpu.memory_space<hbm>>
    %dma_wait3A_235 = tpu.memref_squeeze %dma_wait3A_234 : memref<1x1x4x8x128xf32, #tpu.memory_space<hbm>> -> memref<4x8x128xf32, #tpu.memory_space<hbm>>
    %dma_wait3A_236 = arith.constant 0 : i32
    %dma_wait3A_237 = arith.constant 0 : i32
    %dma_wait3A_238 = arith.constant 0 : i32
    %dma_wait3A_239 = tpu.memref_slice %arg10[%dma_wait3A_236, %dma_wait3A_220, %dma_wait3A_237, %dma_wait3A_238] : memref<4x4x8x129xf32, #tpu.memory_space<vmem>> -> memref<4x1x8x128xf32, #tpu.memory_space<vmem>>
    %dma_wait3A_240 = tpu.memref_squeeze %dma_wait3A_239 : memref<4x1x8x128xf32, #tpu.memory_space<vmem>> -> memref<4x8x128xf32, #tpu.memory_space<vmem>>
    tpu.wait_dma2 semaphore(%arg14 : memref<!tpu.dma_semaphore, #tpu.memory_space<semaphore_mem>>) src(%dma_wait3A_240 : memref<4x8x128xf32, #tpu.memory_space<vmem>>) dst(%dma_wait3A_235 : memref<4x8x128xf32, #tpu.memory_space<hbm>>)
    %dma_wait3A_241 = arith.constant 2 : i32
    %dma_wait3A_242 = arith.constant 0 : i32
    %dma_wait3A_243 = arith.constant 2 : i32
    %dma_wait3A_244 = arith.constant 0 : i32
    %dma_wait3A_245 = arith.constant 0 : i32
    %dma_wait3A_246 = arith.constant 0 : i32
    %dma_wait3A_247 = tpu.memref_slice %arg10[%dma_wait3A_244, %dma_wait3A_241, %dma_wait3A_245, %dma_wait3A_246] : memref<4x4x8x129xf32, #tpu.memory_space<vmem>> -> memref<4x1x8x128xf32, #tpu.memory_space<vmem>>
    %dma_wait3A_248 = tpu.memref_squeeze %dma_wait3A_247 : memref<4x1x8x128xf32, #tpu.memory_space<vmem>> -> memref<4x8x128xf32, #tpu.memory_space<vmem>>
    %dma_wait3A_249 = arith.constant 0 : i32
    %dma_wait3A_250 = arith.constant 0 : i32
    %dma_wait3A_251 = tpu.memref_slice %arg4[%dma_wait3A_242, %dma_wait3A_243, %mul3A_4, %dma_wait3A_249, %dma_wait3A_250] : memref<200x4x128x8x128xf32, #tpu.memory_space<hbm>> -> memref<1x1x4x8x128xf32, #tpu.memory_space<hbm>>
    %dma_wait3A_252 = tpu.memref_squeeze %dma_wait3A_251 : memref<1x1x4x8x128xf32, #tpu.memory_space<hbm>> -> memref<4x8x128xf32, #tpu.memory_space<hbm>>
    %dma_wait3A_253 = arith.constant 0 : i32
    %dma_wait3A_254 = arith.constant 0 : i32
    %dma_wait3A_255 = tpu.memref_slice %arg4[%dma_wait3A_242, %dma_wait3A_243, %mul3A_4, %dma_wait3A_253, %dma_wait3A_254] : memref<200x4x128x8x128xf32, #tpu.memory_space<hbm>> -> memref<1x1x4x8x128xf32, #tpu.memory_space<hbm>>
    %dma_wait3A_256 = tpu.memref_squeeze %dma_wait3A_255 : memref<1x1x4x8x128xf32, #tpu.memory_space<hbm>> -> memref<4x8x128xf32, #tpu.memory_space<hbm>>
    %dma_wait3A_257 = arith.constant 0 : i32
    %dma_wait3A_258 = arith.constant 0 : i32
    %dma_wait3A_259 = arith.constant 0 : i32
    %dma_wait3A_260 = tpu.memref_slice %arg10[%dma_wait3A_257, %dma_wait3A_241, %dma_wait3A_258, %dma_wait3A_259] : memref<4x4x8x129xf32, #tpu.memory_space<vmem>> -> memref<4x1x8x128xf32, #tpu.memory_space<vmem>>
    %dma_wait3A_261 = tpu.memref_squeeze %dma_wait3A_260 : memref<4x1x8x128xf32, #tpu.memory_space<vmem>> -> memref<4x8x128xf32, #tpu.memory_space<vmem>>
    tpu.wait_dma2 semaphore(%arg14 : memref<!tpu.dma_semaphore, #tpu.memory_space<semaphore_mem>>) src(%dma_wait3A_261 : memref<4x8x128xf32, #tpu.memory_space<vmem>>) dst(%dma_wait3A_256 : memref<4x8x128xf32, #tpu.memory_space<hbm>>)
    %dma_wait3A_262 = arith.constant 3 : i32
    %dma_wait3A_263 = arith.constant 0 : i32
    %dma_wait3A_264 = arith.constant 3 : i32
    %dma_wait3A_265 = arith.constant 0 : i32
    %dma_wait3A_266 = arith.constant 0 : i32
    %dma_wait3A_267 = arith.constant 0 : i32
    %dma_wait3A_268 = tpu.memref_slice %arg10[%dma_wait3A_265, %dma_wait3A_262, %dma_wait3A_266, %dma_wait3A_267] : memref<4x4x8x129xf32, #tpu.memory_space<vmem>> -> memref<4x1x8x128xf32, #tpu.memory_space<vmem>>
    %dma_wait3A_269 = tpu.memref_squeeze %dma_wait3A_268 : memref<4x1x8x128xf32, #tpu.memory_space<vmem>> -> memref<4x8x128xf32, #tpu.memory_space<vmem>>
    %dma_wait3A_270 = arith.constant 0 : i32
    %dma_wait3A_271 = arith.constant 0 : i32
    %dma_wait3A_272 = tpu.memref_slice %arg4[%dma_wait3A_263, %dma_wait3A_264, %mul3A_4, %dma_wait3A_270, %dma_wait3A_271] : memref<200x4x128x8x128xf32, #tpu.memory_space<hbm>> -> memref<1x1x4x8x128xf32, #tpu.memory_space<hbm>>
    %dma_wait3A_273 = tpu.memref_squeeze %dma_wait3A_272 : memref<1x1x4x8x128xf32, #tpu.memory_space<hbm>> -> memref<4x8x128xf32, #tpu.memory_space<hbm>>
    %dma_wait3A_274 = arith.constant 0 : i32
    %dma_wait3A_275 = arith.constant 0 : i32
    %dma_wait3A_276 = tpu.memref_slice %arg4[%dma_wait3A_263, %dma_wait3A_264, %mul3A_4, %dma_wait3A_274, %dma_wait3A_275] : memref<200x4x128x8x128xf32, #tpu.memory_space<hbm>> -> memref<1x1x4x8x128xf32, #tpu.memory_space<hbm>>
    %dma_wait3A_277 = tpu.memref_squeeze %dma_wait3A_276 : memref<1x1x4x8x128xf32, #tpu.memory_space<hbm>> -> memref<4x8x128xf32, #tpu.memory_space<hbm>>
    %dma_wait3A_278 = arith.constant 0 : i32
    %dma_wait3A_279 = arith.constant 0 : i32
    %dma_wait3A_280 = arith.constant 0 : i32
    %dma_wait3A_281 = tpu.memref_slice %arg10[%dma_wait3A_278, %dma_wait3A_262, %dma_wait3A_279, %dma_wait3A_280] : memref<4x4x8x129xf32, #tpu.memory_space<vmem>> -> memref<4x1x8x128xf32, #tpu.memory_space<vmem>>
    %dma_wait3A_282 = tpu.memref_squeeze %dma_wait3A_281 : memref<4x1x8x128xf32, #tpu.memory_space<vmem>> -> memref<4x8x128xf32, #tpu.memory_space<vmem>>
    tpu.wait_dma2 semaphore(%arg14 : memref<!tpu.dma_semaphore, #tpu.memory_space<semaphore_mem>>) src(%dma_wait3A_282 : memref<4x8x128xf32, #tpu.memory_space<vmem>>) dst(%dma_wait3A_277 : memref<4x8x128xf32, #tpu.memory_space<hbm>>)
    return
  }
}

</mosaic_0001>

<sc_bundles>
// kernel: kernel.3.cloned.1.call-start
scs
__scs_entry_jumppad:
0x0: {  	(pc) =	sbr.rel $0x88, $3  }
0x1: {  	(tag) =	ssettag $0x0;
	lr =	simm.s32 $0x1  }
0x2: {  	[smem:$0x3F9F] =	sst lr;
	_ =	strace $0xD0000000  }
0x3: {  	_ = 	snop  }
0x4: {  	_ = 	snop  }
0x5: {  	_ = 	snop  }
0x6: {  	_ = 	snop  }
0x7: {  	_ = 	snop  }
__scs_overlays_trampoline_lowered:
0x8: {  	[smem:$0x3FAE] =	sst s0  }
0x9: {  	[smem:$0x3FAF] =	sst s1  }
0xa: {  	[smem:$0x3FB0] =	sst s2  }
0xb: {  	[smem:$0x3FB1] =	sst s3  }
0xc: {  	[smem:$0x3FB2] =	sst s4  }
0xd: {  	[smem:$0x3FB3] =	sst s5  }
0xe: {  	[smem:$0x3FB4] =	sst s6  }
0xf: {  	[smem:$0x3FB5] =	sst s7  }
0x10: {  	[smem:$0x3FB6] =	sst s8  }
0x11: {  	[smem:$0x3FB7] =	sst s9;
	s0 =	simm.s32 @!p0 $0x0  }
0x12: {  	s1 =	sld [smem:$0x3F9D];
	s0 =	simm.s32 @p0 $0x1  }
0x13: {  	[smem:$0x3FB8] =	sst s0;
	s0 =	simm.s32 @!p1 $0x0  }
0x14: {  	s2 =	sld [smem:$0x3F9C];
	s0 =	simm.s32 @p1 $0x1  }
0x15: {  	[smem:$0x3FB9] =	sst s0;
	s0 =	simm.s32 @!p2 $0x0  }
0x16: {  	s3 =	sld [smem:$0x3FDB];
	s0 =	simm.s32 @p2 $0x1  }
0x17: {  	s4 =	simm.s32 $0x1BF5;
	[smem:$0x3FBB] =	sst s0  }
0x18: {  	s0 =	sld [smem:$0x3F9E];
	_ =	swait.ge [sflag:s4], $0x0  }
0x19: {  	s7 =	sld [smem:$0x3F9F]  }
0x1a: {  	s8 =	sadd.s32 $0xFFFFE003, lr  }
0x1b: {  	s9 =	sadd.s32 $0xFFFFFEF7, lr;
	s5 =	simm.s32 $0xFFFFFFFF;
	p2 =	slt.u32 s8, $0xFFFFF086  }
0x1c: {  	p1 =	slt.u32 s9, $0xF7A;
	s5 =	simm.s32 @!p2 $0x0  }
0x1d: {  	s5 =	simm.s32 @p1 $0x1;
	p0 =	seq.s32 s7, s2  }
0x1e: {  	s7 =	smul.u32 @!p0 $0xF7A, s2;
	p2 =	seq.s32 @!p0 s5, $0x0  }
0x1f: {  	s9 =	smul.u32 $0xF7A, s1;
	s8 =	simm.s32 @!p0 $0x1BF5;
	p2 =	por !p2, p0  }
0x20: {  	[sflag:s8] =	ssyncset.s32 @!p0 $0xFFFFF086;
	s6 =	sadd.s32 @!p0 s3, s7;
	s7 =	simm.s32 @!p0 $0x108  }
0x21: {  	s3 =	sadd.s32 s3, s9;
	s6 =	sadd.s32 @!p0 $0x88, s6;
	s7 =	simm.s32 @p2 $0x1082  }
0x22: {  	[simem:s7], [sflag:s8] =	dma.local @!p0 [hbm:s6], $0xF7A  }
0x23: {  	s9 =	sor.u32 $0xD0000000, s2;
	s6 =	simm.s32 $0x108;
	_ =	swait.ge @!p0 [sflag:s8], $0x0  }
0x24: {  	s3 =	sadd.s32 $0x88, s3;
	s6 =	simm.s32 @!p1 $0x1082;
	[sflag:s4] =	ssyncset.s32 $0xFFFFF086  }
0x25: {  	[simem:s6], [sflag:s4] =	dma.local [hbm:s3], $0xF7A  }
0x26: {  	[smem:$0x3F9F] =	sst s1;
	(tag) =	ssettag s2;
	_ =	strace s9  }
0x27: {  	s1 =	sld [smem:$0x3FAF]  }
0x28: {  	s2 =	sld [smem:$0x3FB0]  }
0x29: {  	s4 =	sld [smem:$0x3FB2]  }
0x2a: {  	p0 =	seq.s32 s5, $0x0;
	s5 =	sld [smem:$0x3FB3]  }
0x2b: {  	s6 =	sld [smem:$0x3FB4]  }
0x2c: {  	s7 =	sld [smem:$0x3FB5]  }
0x2d: {  	s3 =	simm.s32 $0x108;
	s8 =	sld [smem:$0x3FB6]  }
0x2e: {  	s3 =	simm.s32 @!p0 $0x1082;
	s9 =	sld [smem:$0x3FB7]  }
0x2f: {  	lr =	sadd.s32 s0, s3;
	s0 =	sld [smem:$0x3FAE]  }
0x30: {  	s3 =	sld [smem:$0x3FB1]  }
0x31: {  	[smem:$0x3FBA] =	sst s10  }
0x32: {  	s10 =	sld [smem:$0x3FB8];
	_ =	sdelay $0x3  }
0x33: {  	p0 =	seq.s32 s10, $0x1;
	s10 =	sld [smem:$0x3FBA];
	_ =	sdelay $0x3  }
0x34: {  	[smem:$0x3FBA] =	sst s10  }
0x35: {  	s10 =	sld [smem:$0x3FB9];
	_ =	sdelay $0x3  }
0x36: {  	p1 =	seq.s32 s10, $0x1;
	s10 =	sld [smem:$0x3FBA];
	_ =	sdelay $0x3  }
0x37: {  	[smem:$0x3FBA] =	sst s10  }
0x38: {  	s10 =	sld [smem:$0x3FBB]  }
0x39: {  	_ = 	snop;
	(pc) =	sbr.ind lr, $3  }
0x3a: {  	_ = 	snop  }
0x3b: {  	_ = 	snop  }
0x3c: {  	p2 =	seq.s32 s10, $0x1;
	s10 =	sld [smem:$0x3FBA]  }
0x3d: {  	_ =	shalt  }
0x3e: {  	_ =	shalt  }
0x3f: {  	_ =	shalt  }
0x40: {  	_ =	shalt  }
0x41: {  	_ =	shalt  }
0x42: {  	_ =	shalt  }
0x43: {  	_ =	shalt  }
0x44: {  	_ =	shalt  }
0x45: {  	_ =	shalt  }
0x46: {  	_ =	shalt  }
0x47: {  	_ =	shalt  }
0x48: {  	_ =	shalt  }
0x49: {  	_ =	shalt  }
0x4a: {  	_ =	shalt  }
0x4b: {  	_ =	shalt  }
0x4c: {  	_ =	shalt  }
0x4d: {  	_ =	shalt  }
0x4e: {  	_ =	shalt  }
0x4f: {  	_ =	shalt  }
0x50: {  	_ =	shalt  }
0x51: {  	_ =	shalt  }
0x52: {  	_ =	shalt  }
0x53: {  	_ =	shalt  }
0x54: {  	_ =	shalt  }
0x55: {  	_ =	shalt  }
0x56: {  	_ =	shalt  }
0x57: {  	_ =	shalt  }
0x58: {  	_ =	shalt  }
0x59: {  	_ =	shalt  }
0x5a: {  	_ =	shalt  }
0x5b: {  	_ =	shalt  }
0x5c: {  	_ =	shalt  }
0x5d: {  	_ =	shalt  }
0x5e: {  	_ =	shalt  }
0x5f: {  	_ =	shalt  }
0x60: {  	_ =	shalt  }
0x61: {  	_ =	shalt  }
0x62: {  	_ =	shalt  }
0x63: {  	_ =	shalt  }
0x64: {  	_ =	shalt  }
0x65: {  	_ =	shalt  }
0x66: {  	_ =	shalt  }
0x67: {  	_ =	shalt  }
0x68: {  	_ =	shalt  }
0x69: {  	_ =	shalt  }
0x6a: {  	_ =	shalt  }
0x6b: {  	_ =	shalt  }
0x6c: {  	_ =	shalt  }
0x6d: {  	_ =	shalt  }
0x6e: {  	_ =	shalt  }
0x6f: {  	_ =	shalt  }
0x70: {  	_ =	shalt  }
0x71: {  	_ =	shalt  }
0x72: {  	_ =	shalt  }
0x73: {  	_ =	shalt  }
0x74: {  	_ =	shalt  }
0x75: {  	_ =	shalt  }
0x76: {  	_ =	shalt  }
0x77: {  	_ =	shalt  }
0x78: {  	_ =	shalt  }
0x79: {  	_ =	shalt  }
0x7a: {  	_ =	shalt  }
0x7b: {  	_ =	shalt  }
0x7c: {  	_ =	shalt  }
0x7d: {  	_ =	shalt  }
0x7e: {  	_ =	shalt  }
0x7f: {  	_ =	shalt  }
0x80: {  	_ =	shalt  }
0x81: {  	_ =	shalt  }
0x82: {  	_ =	shalt  }
0x83: {  	_ =	shalt  }
0x84: {  	_ =	shalt  }
0x85: {  	_ =	shalt  }
0x86: {  	_ =	shalt  }
0x87: {  	_ =	shalt  }
.Lfunc_end0:
.L_simem_size_0:
called_computation_lowered:
.L_overlay_start_0:
0x88: {  	s2 =	sld [smem:$0x3FD9]  }
0x89: {  	s3 =	sld [smem:$0x3FFE];
	_ =	sdelay $0x1  }
0x8a: {  	s1 =	srdreg.scid  }
0x8b: {  	s0 =	sand.u32 $0x1, s1  }
0x8c: {  	s17 =	sshll.u32 s0, $0xA;
	s2 =	sadd.s32 s3, s2  }
0x8d: {  	s2 =	sadd.s32 s2, s17  }
0x8e: {  	[smem:$0x3FC6] =	sst s2  }
0x8f: {  	_ = 	snop  }
0x90: {  	s2 =	sld [smem:$0x3FD0];
	(tm) =	ssettm $0x1  }
0x91: {  	s18 =	sld [smem:$0x3FFB];
	_ =	sdelay $0x3  }
0x92: {  	_ =	strace s18  }
0x93: {  	s3 =	sld [smem:$0x3FFC];
	_ =	sdelay $0x3  }
0x94: {  	_ =	strace s3  }
0x95: {  	s3 =	sld [smem:$0x3FFD];
	_ =	sdelay $0x3  }
0x96: {  	_ =	strace s3  }
0x97: {  	_ =	strace $0x8FFFFFFF  }
0x98: {  	s19 =	sld [smem:$0x3FDB];
	_ =	sdelay $0x1  }
0x99: {  	s4 =	simm.s32 $_scs_section_size  }
0x9a: {  	s5 =	simm.s32 $_size__tile_overlayer_lowered;
	s6 =	simm.s32 $_tile_overlayer_lowered  }
0x9b: {  	s22 =	simm.s32 $0x1BFF;
	s21 =	sshll.u32 s6, $0x1;
	s3 =	sadd.s32 s4, s19  }
0x9c: {  	s7 =	simm.s32 $0x0;
	s20 =	sshll.u32 s5, $0x1;
	s5 =	sadd.s32 s21, s3  }
0x9d: {  	[timem:s7], [sflag:s22] =	dma.local [hbm:s5], s20  }
0x9e: {  	_ =	swait.ge [sflag:s22], s20  }
0x9f: {  	s4 =	ssub.s32 $0x0, s20;
	[sflag:s22] =	ssyncset.done $0x0  }
0xa0: {  	[sflag:s22] =	ssyncadd.s32 s4;
	_ =	sdelay $0x1  }
0xa1: {  	s23 =	simm.s32 $0x1B8B  }
0xa2: {  	_ =	swait.ge [sflag:s23], $0x1  }
0xa3: {  	[sflag:s23] =	ssyncset.done $0x0  }
0xa4: {  	s25 =	simm.s32 $0x1B8E;
	s24 =	sld [smem:$0x3FFE];
	[sflag:s23] =	ssyncadd.s32 $0xFFFFFFFF  }
0xa5: {  	s26 =	simm.s32 $execute0_lowered;
	[smem:$0x3FD2] =	sst s25  }
0xa6: {  	s5 =	sshll.u32 s26, $0x1;
	_ =	strace $0x80000046;
	[dreg:$0x1] =	wrdreg $0xFFFFFFFF  }
0xa7: {  	s28 =	simm.s32 $_size_execute0_lowered;
	s3 =	sadd.s32 s3, s5;
	[dreg:$0x0] =	wrdreg $0x0  }
0xa8: {  	s5 =	sshll.u32 s28, $0x1;
	[dreg:$0x2] =	wrdreg s3  }
0xa9: {  	[dreg:$0x3] =	wrdreg s5  }
0xaa: {  	[dreg:$0x4] =	wrdreg $0xC0  }
0xab: {  	_ =	task [dreg:s7], $0x5FFFF  }
0xac: {  	[dreg:$0x1] =	wrdreg $0xFFFFFFFF  }
0xad: {  	[dreg:$0x0] =	wrdreg $0x60  }
0xae: {  	[dreg:$0x2] =	wrdreg s24  }
0xaf: {  	[dreg:$0x3] =	wrdreg s2  }
0xb0: {  	[dreg:$0x4] =	wrdreg $0x9  }
0xb1: {  	_ =	task.clear_ibuf [dreg:s7], $0x5FFFF;
	_ =	strace $0x90000046  }
0xb2: {  	s29 =	simm.s32 $0x9;
	_ =	strace $0x80000048  }
0xb3: {  	_ =	swait.ge [sflag:s29], $0x1  }
0xb4: {  	[sflag:s29] =	ssyncadd.s32 $0xFFFFFFFF  }
0xb5: {  	_ =	strace $0x90000048  }
0xb6: {  	_ =	sfence  }
0xb7: {  	s30 =	sld [smem:$0x0];
	_ =	sdelay $0x2  }
0xb8: {  	s31 =	sshll.u32 s1, $0xD;
	s1 =	sshrl.u32 s1, $0x2  }
0xb9: {  	s3 =	sand.u32 $0x4000, s31;
	s1 =	sadd.s32 s1, s30  }
0xba: {  	s0 =	sor.u32 s3, s0;
	s1 =	sshll.u32 s1, $0x11  }
0xbb: {  	s0 =	sor.u32 s1, s0  }
0xbc: {  	s0 =	sadd.s32 $0x8F2B, s0  }
0xbd: {  	[sflag:s0] =	ssyncadd.remote.s32 $0x1  }
0xbe: {  	_ =	sfence.sel $0xFFFF  }
0xbf: {  	[dreg:$0x0] =	wrdreg $0xFFFFFFFF;
	(pc) =	sbr.abs _section_cstart, $3  }
0xc0: {  	[dreg:$0x1] =	wrdreg $0xFFFFFFFF  }
0xc1: {  	_ =	task.clear_ibuf [dreg:s7], $0x2FFFF;
	_ =	strace $0x9FFFFFFF  }
0xc2: {  	(tm) =	ssettm $0x7FFFFFFF  }
0xc3: {  	_ =	shalt  }
tec
execute0_lowered:
.L_overlay_start_1:
0x0: {  	(tag) =	ssettag $0x1  }
0x1: {  	s0 =	rddreg [dreg:$0x0]  }
0x2: {  	s8 =	rddreg [dreg:$0x1];
	s3 =	simm.s32 $0x0  }
0x3: {  	s1 =	srdreg.scid;
	s2 =	stileid.u32;
	s20 =	simm.s32 $0x80  }
0x4: {  	s29 =	simm.s32 $0x6;
	s24 =	simm.s32 $0x1;
	s25 =	simm.s32 $0x8400  }
0x5: {  	s21 =	simm.s32 $0x10958;
	s22 =	simm.s32 $0x109E0;
	s23 =	simm.s32 $0x10A68  }
0x6: {  	s26 =	simm.s32 $0x10AF0;
	s18 =	simm.s32 $0x3;
	[smem:$0x7FF] =	sst s3  }
0x7: {  	s1 =	sand.u32 $0x1, s1;
	s2 =	sshll.u32 s2, $0x3;
	s4 =	sadd.s32 $0x600, s0  }
0x8: {  	s11 =	sadd.s32 $0x4000, s8;
	s12 =	sadd.s32 $0x8000, s8;
	s13 =	sadd.s32 $0xC000, s8  }
0x9: {  	s14 =	sadd.s32 $0x10000, s8;
	s15 =	sadd.s32 $0x14000, s8;
	s16 =	sadd.s32 $0x18000, s8  }
0xa: {  	s17 =	sadd.s32 $0x1C000, s8;
	s8 =	simm.s32 $0x10B78;
	s5 =	sshll.u32 s1, $0x2  }
0xb: {  	_ =	strace $0x80000047;
	s1 =	ssub.s32 $0x2, s1;
	s2 =	sor.u32 s5, s2  }
0xc: {  	s5 =	sadd.s32 $0xF42A00, s0;
	s30 =	sshrl.u32 s1, $0x1;
	s7 =	sshll.u32 s2, $0x4  }
0xd: {  	v0 =	vlaneseq.u32;
	s0 =	ssub.s32 s1, s30;
	s6 =	sshll.u32 s2, $0x7;
	s31 =	sadd.s32 s4, s7  }
0xe: {  	v0 =	vmul.u32 $0x88, v0;
	s9 =	sor.u32 $0x8000, s6;
	s0 =	smax.u32 s0, $0x1;
	[dreg:$0x3] =	wrdreg s31  }
0xf: {  	v1 =	vimm.s32 $0x0;
	vm0 =	vcmask $0x300;
	s10 =	sor.u32 $0xC000, s6;
	s1 =	sadd.s32 $0x800, s31;
	[dreg:$0x5] =	wrdreg s0  }
0x10: {  	v1 =	vsel vm0, $0x3, v1;
	v2 =	vadd.s32 $0x880, v0;
	s7 =	simm.s32 $0x0;
	[dreg:$0x4] =	wrdreg s1;
	s1 =	simm.s32 $0xC800  }
.LBB2_1:
0x11: {  	[dreg:$0x6] =	wrdreg s7  }
0x12: {  	s0 =	rddreg [dreg:$0x3];
	s30 =	simm.s32 $0x5  }
0x13: {  	[tilespmem:s3], [sflag:$0x5] =	stream.linear.gather [hbm4b:s0+s3], $0x200, $0x38;
	[tilespmem:$0x10C00] =	vst v63  }
0x14: {  	_ =	swait.ge [sflag:s30], $0x200  }
0x15: {  	[sflag:s30] =	ssyncset.done $0x0  }
0x16: {  	s31 =	simm.s32 $0x400;
	[sflag:s30] =	ssyncadd.s32 $0xFFFFFE00  }
0x17: {  	[tilespmem:s31], [sflag:$0x1] =	stream.indirect.gather [hbm4b:s5+s20], $0x20, s3, s20, $0xb8;
	[tilespmem:$0x10C00] =	vst v63  }
0x18: {  	s2 =	simm.s32 $0x1400  }
0x19: {  	[tilespmem:s2], [sflag:$0x1] =	stream.indirect.gather [hbm4b:s5+s20], $0x20, s20, s20, $0xb8;
	[tilespmem:$0x10C00] =	vst v63  }
0x1a: {  	s7 =	simm.s32 $0x100;
	s2 =	simm.s32 $0x2400  }
0x1b: {  	[tilespmem:s2], [sflag:$0x1] =	stream.indirect.gather [hbm4b:s5+s20], $0x20, s7, s20, $0xb8;
	[tilespmem:$0x10C00] =	vst v63  }
0x1c: {  	s19 =	simm.s32 $0x180;
	s28 =	simm.s32 $0x3400  }
0x1d: {  	[tilespmem:s28], [sflag:$0x1] =	stream.indirect.gather [hbm4b:s5+s20], $0x20, s19, s20, $0xb8;
	[tilespmem:$0x10C00] =	vst v63  }
0x1e: {  	s30 =	rddreg [dreg:$0x4];
	s31 =	simm.s32 $0x200;
	s7 =	simm.s32 $0x0  }
0x1f: {  	[tilespmem:s31], [sflag:$0x6] =	stream.linear.gather [hbm4b:s30+s3], $0x200, $0x38;
	[tilespmem:$0x10C00] =	vst v63  }
.LBB2_2:
0x20: {  	_ =	swait.ge [sflag:s29], $0x200  }
0x21: {  	[sflag:s29] =	ssyncset.done $0x0  }
0x22: {  	s0 =	simm.s32 $0x200;
	s2 =	simm.s32 $0x4400;
	[sflag:s29] =	ssyncadd.s32 $0xFFFFFE00  }
0x23: {  	[tilespmem:s2], [sflag:$0x2] =	stream.indirect.gather [hbm4b:s5+s20], $0x20, s0, s20, $0xb8;
	[tilespmem:$0x10C00] =	vst v63  }
0x24: {  	s30 =	simm.s32 $0x280;
	s31 =	simm.s32 $0x5400;
	p0 =	seq.s32 s7, $0x63  }
0x25: {  	[tilespmem:s31], [sflag:$0x2] =	stream.indirect.gather [hbm4b:s5+s20], $0x20, s30, s20, $0xb8;
	[tilespmem:$0x10C00] =	vst v63  }
0x26: {  	s19 =	simm.s32 $0x300;
	s28 =	simm.s32 $0x6400;
	p1 =	seq.s32 @!p0 s7, $0x0  }
0x27: {  	[tilespmem:s28], [sflag:$0x2] =	stream.indirect.gather [hbm4b:s5+s20], $0x20, s19, s20, $0xb8;
	[tilespmem:$0x10C00] =	vst v63  }
0x28: {  	p1 =	por p0, !p1;
	s30 =	simm.s32 $0x380;
	s31 =	simm.s32 $0x7400  }
0x29: {  	[tilespmem:s31], [sflag:$0x2] =	stream.indirect.gather [hbm4b:s5+s20], $0x20, s30, s20, $0xb8;
	[tilespmem:$0x10C00] =	vst v63  }
.Ltmp0:
0x2a: {  	s0 =	sshll.u32 @!p0 s7, $0xF;
	(pc) =	sbr.rel @!p1 .LBB2_3-.Ltmp0, $4  }
0x2b: {  	s0 =	sadd.s32 @!p0 s9, s0;
	_ =	swait.ge [sflag:s24], $0x4000  }
0x2c: {  	s0 =	sshrl.u32 @!p0 s0, $0x3;
	[sflag:s24] =	ssyncset.done $0x0  }
0x2d: {  	s0 =	sadd.s32 @!p0 s4, s0;
	s19 =	simm.s32 @!p0 $0x0;
	[sflag:s24] =	ssyncadd.s32 $0xFFFFC000  }
0x2e: {  	[tilespmem:s19], [sflag:$0x5] =	stream.linear.gather @!p0 [hbm4b:s0+s19], $0x200, $0x38;
	[tilespmem:$0x10C00] =	vst v63  }
0x2f: {  	_ =	swait.ge [sflag:s18], $0x1000  }
0x30: {  	[sflag:s18] =	ssyncset.done $0x0  }
0x31: {  	[sflag:s18] =	ssyncadd.s32 $0xFFFFF000  }
0x32: {  	_ =	swait.ge [sflag:s18], $0x1000  }
0x33: {  	[sflag:s18] =	ssyncset.done $0x0  }
0x34: {  	[sflag:s18] =	ssyncadd.s32 $0xFFFFF000  }
0x35: {  	_ =	swait.ge [sflag:s18], $0x1000  }
.Ltmp1:
0x36: {  	[sflag:s18] =	ssyncset.done $0x0;
	(pc) =	sbr.rel .LBB2_5-.Ltmp1, $4  }
0x37: {  	[sflag:s18] =	ssyncadd.s32 $0xFFFFF000  }
0x38: {  	_ =	swait.ge [sflag:s18], $0x1000  }
0x39: {  	[sflag:s18] =	ssyncset.done $0x0  }
0x3a: {  	p0 =	por $0x0, $0x0;
	[sflag:s18] =	ssyncadd.s32 $0xFFFFF000  }
.LBB2_3:
0x3b: {  	p0 =	por @!p0 $0x1, $0x1  }
.LBB2_5:
0x3c: {  	s0 =	simm.s32 $0x0;
	s19 =	simm.s32 $0x0  }
0x3d: {  	s0 =	sand.u32 $0x70, s0;
	v3 =	vmov s19  }
0x3e: {  	v4 =	vmov s0;
	v3 =	vmul.u32 $0x1100, v3  }
0x3f: {  	v4 =	vshrl.u32 v4, $0x3  }
0x40: {  	v3 =	vbroadcast v3, $0x0;
	v4 =	vshll.u32 v4, v1  }
0x41: {  	v4 =	vbroadcast v4, $0x0  }
0x42: {  	s19 =	simm.s32 $0x500;
	v5 =	vadd.s32 v0, v3  }
0x43: {  	v6 =	vld [tilespmem:s19+$0xFFFFFF00];
	v3 =	vadd.s32 v2, v3;
	v7 =	vadd.s32 v5, v4  }
0x44: {  	v8 =	vld [tilespmem:s19+$0xFFFFFF10];
	v4 =	vadd.s32 v3, v4;
	_ =	sdelay $0x3  }
0x45: {  	[tilespmem:v7+s25+$0x0] =	vst.idx.msk $0xffff, v6  }
0x46: {  	[tilespmem:v4+s25+$0x0] =	vst.idx.msk $0xffff, v8  }
0x47: {  	v8 =	vor.u32 $0x1, v7;
	v6 =	vld [tilespmem:s19+$0xFFFFFF20]  }
0x48: {  	v10 =	vor.u32 $0x1, v4;
	v9 =	vld [tilespmem:s19+$0xFFFFFF30];
	_ =	sdelay $0x3  }
0x49: {  	[tilespmem:v8+s25+$0x0] =	vst.idx.msk $0xffff, v6  }
0x4a: {  	[tilespmem:v10+s25+$0x0] =	vst.idx.msk $0xffff, v9  }
0x4b: {  	v8 =	vor.u32 $0x2, v7;
	v6 =	vld [tilespmem:s19+$0xFFFFFF40]  }
0x4c: {  	v56 =	vor.u32 $0x2, v4;
	v9 =	vld [tilespmem:s19+$0xFFFFFF50];
	_ =	sdelay $0x3  }
0x4d: {  	[tilespmem:v8+s25+$0x0] =	vst.idx.msk $0xffff, v6  }
0x4e: {  	[tilespmem:v56+s25+$0x0] =	vst.idx.msk $0xffff, v9  }
0x4f: {  	v8 =	vor.u32 $0x3, v7;
	v6 =	vld [tilespmem:s19+$0xFFFFFF60]  }
0x50: {  	v57 =	vor.u32 $0x3, v4;
	v9 =	vld [tilespmem:s19+$0xFFFFFF70];
	_ =	sdelay $0x3  }
0x51: {  	[tilespmem:v8+s25+$0x0] =	vst.idx.msk $0xffff, v6  }
0x52: {  	[tilespmem:v57+s25+$0x0] =	vst.idx.msk $0xffff, v9  }
0x53: {  	v8 =	vor.u32 $0x4, v7;
	v6 =	vld [tilespmem:s19+$0xFFFFFF80]  }
0x54: {  	v58 =	vor.u32 $0x4, v4;
	v9 =	vld [tilespmem:s19+$0xFFFFFF90];
	_ =	sdelay $0x3  }
0x55: {  	[tilespmem:v8+s25+$0x0] =	vst.idx.msk $0xffff, v6  }
0x56: {  	[tilespmem:v58+s25+$0x0] =	vst.idx.msk $0xffff, v9  }
0x57: {  	v8 =	vor.u32 $0x5, v7;
	v6 =	vld [tilespmem:s19+$0xFFFFFFA0]  }
0x58: {  	v59 =	vor.u32 $0x5, v4;
	v9 =	vld [tilespmem:s19+$0xFFFFFFB0];
	_ =	sdelay $0x3  }
0x59: {  	[tilespmem:v8+s25+$0x0] =	vst.idx.msk $0xffff, v6  }
0x5a: {  	[tilespmem:v59+s25+$0x0] =	vst.idx.msk $0xffff, v9  }
0x5b: {  	v8 =	vor.u32 $0x6, v7;
	v6 =	vld [tilespmem:s19+$0xFFFFFFC0]  }
0x5c: {  	v60 =	vor.u32 $0x6, v4;
	v9 =	vld [tilespmem:s19+$0xFFFFFFD0];
	_ =	sdelay $0x3  }
0x5d: {  	[tilespmem:v8+s25+$0x0] =	vst.idx.msk $0xffff, v6  }
0x5e: {  	[tilespmem:v60+s25+$0x0] =	vst.idx.msk $0xffff, v9  }
0x5f: {  	v7 =	vor.u32 $0x7, v7;
	v6 =	vld [tilespmem:s19+$0xFFFFFFE0]  }
0x60: {  	s0 =	sor.u32 $0x8, s0;
	v4 =	vor.u32 $0x7, v4;
	v8 =	vld [tilespmem:s19+$0xFFFFFFF0]  }
0x61: {  	v61 =	vmov s0  }
0x62: {  	v9 =	vshrl.u32 v61, $0x3  }
0x63: {  	v9 =	vshll.u32 v9, v1  }
0x64: {  	[tilespmem:v7+s25+$0x0] =	vst.idx.msk $0xffff, v6;
	v6 =	vbroadcast v9, $0x0  }
0x65: {  	[tilespmem:v4+s25+$0x0] =	vst.idx.msk $0xffff, v8  }
0x66: {  	v4 =	vld [tilespmem:s19+$0x0];
	v5 =	vadd.s32 v5, v6  }
0x67: {  	v7 =	vld [tilespmem:s19+$0x10];
	v3 =	vadd.s32 v3, v6;
	_ =	sdelay $0x3  }
0x68: {  	[tilespmem:v5+s25+$0x0] =	vst.idx.msk $0xffff, v4  }
0x69: {  	[tilespmem:v3+s25+$0x0] =	vst.idx.msk $0xffff, v7  }
0x6a: {  	v6 =	vor.u32 $0x1, v5;
	v4 =	vld [tilespmem:s19+$0x20]  }
0x6b: {  	v8 =	vor.u32 $0x1, v3;
	v7 =	vld [tilespmem:s19+$0x30];
	_ =	sdelay $0x3  }
0x6c: {  	[tilespmem:v6+s25+$0x0] =	vst.idx.msk $0xffff, v4  }
0x6d: {  	[tilespmem:v8+s25+$0x0] =	vst.idx.msk $0xffff, v7  }
0x6e: {  	v6 =	vor.u32 $0x2, v5;
	v4 =	vld [tilespmem:s19+$0x40]  }
0x6f: {  	v8 =	vor.u32 $0x2, v3;
	v7 =	vld [tilespmem:s19+$0x50];
	_ =	sdelay $0x3  }
0x70: {  	[tilespmem:v6+s25+$0x0] =	vst.idx.msk $0xffff, v4  }
0x71: {  	[tilespmem:v8+s25+$0x0] =	vst.idx.msk $0xffff, v7  }
0x72: {  	v6 =	vor.u32 $0x3, v5;
	v4 =	vld [tilespmem:s19+$0x60]  }
0x73: {  	v8 =	vor.u32 $0x3, v3;
	v7 =	vld [tilespmem:s19+$0x70];
	_ =	sdelay $0x3  }
0x74: {  	[tilespmem:v6+s25+$0x0] =	vst.idx.msk $0xffff, v4  }
0x75: {  	[tilespmem:v8+s25+$0x0] =	vst.idx.msk $0xffff, v7  }
0x76: {  	v6 =	vor.u32 $0x4, v5;
	v4 =	vld [tilespmem:s19+$0x80]  }
0x77: {  	v8 =	vor.u32 $0x4, v3;
	v7 =	vld [tilespmem:s19+$0x90];
	_ =	sdelay $0x3  }
0x78: {  	[tilespmem:v6+s25+$0x0] =	vst.idx.msk $0xffff, v4  }
0x79: {  	[tilespmem:v8+s25+$0x0] =	vst.idx.msk $0xffff, v7  }
0x7a: {  	v6 =	vor.u32 $0x5, v5;
	v4 =	vld [tilespmem:s19+$0xA0]  }
0x7b: {  	v8 =	vor.u32 $0x5, v3;
	v7 =	vld [tilespmem:s19+$0xB0];
	_ =	sdelay $0x3  }
0x7c: {  	[tilespmem:v6+s25+$0x0] =	vst.idx.msk $0xffff, v4  }
0x7d: {  	[tilespmem:v8+s25+$0x0] =	vst.idx.msk $0xffff, v7  }
0x7e: {  	v6 =	vor.u32 $0x6, v5;
	v4 =	vld [tilespmem:s19+$0xC0]  }
0x7f: {  	v8 =	vor.u32 $0x6, v3;
	v7 =	vld [tilespmem:s19+$0xD0];
	_ =	sdelay $0x3  }
0x80: {  	[tilespmem:v6+s25+$0x0] =	vst.idx.msk $0xffff, v4  }
0x81: {  	s28 =	simm.s32 $0x10;
	[tilespmem:v8+s25+$0x0] =	vst.idx.msk $0xffff, v7  }
0x82: {  	s2 =	simm.s32 $0x0;
	s30 =	sand.u32 $0x70, s28;
	v62 =	vor.u32 $0x7, v5;
	v8 =	vld [tilespmem:s19+$0xE0]  }
0x83: {  	v5 =	vmov s30;
	v4 =	vmov s2  }
0x84: {  	s2 =	sor.u32 $0x8, s30;
	v6 =	vmul.u32 $0x1100, v4;
	v7 =	vshrl.u32 v5, $0x3;
	v5 =	vor.u32 $0x7, v3;
	v4 =	vld [tilespmem:s19+$0xF0]  }
0x85: {  	v63 =	vmov s2  }
0x86: {  	v3 =	vshll.u32 v7, v1;
	v10 =	vshrl.u32 v63, $0x3  }
0x87: {  	s31 =	simm.s32 $0x2;
	s30 =	sshll.u32 s7, $0x11;
	v6 =	vbroadcast v6, $0x0;
	v7 =	vbroadcast v3, $0x0;
	v3 =	vshll.u32 v10, v1;
	[tilespmem:v62+s25+$0x0] =	vst.idx.msk $0xffff, v8  }
.LBB2_6:
0x88: {  	p1 =	sne.s32 s31, $0x1F  }
0x89: {  	v8 =	vadd.s32 v0, v6;
	[tilespmem:v5+s25+$0x0] =	vst.idx.msk $0xffff, v4;
	s19 =	sadd.s32 $0x200, s19;
	s0 =	smov.u32 s31;
	s31 =	sadd.s32 $0x1, s31  }
0x8a: {  	v6 =	vadd.s32 v2, v6;
	v4 =	vld [tilespmem:s19+$0xFFFFFF00];
	v5 =	vadd.s32 v8, v7  }
0x8b: {  	v7 =	vadd.s32 v6, v7;
	v9 =	vld [tilespmem:s19+$0xFFFFFF10];
	_ =	sdelay $0x3  }
0x8c: {  	[tilespmem:v5+s25+$0x0] =	vst.idx.msk $0xffff, v4  }
0x8d: {  	[tilespmem:v7+s25+$0x0] =	vst.idx.msk $0xffff, v9  }
0x8e: {  	v9 =	vor.u32 $0x1, v5;
	v4 =	vld [tilespmem:s19+$0xFFFFFF20]  }
0x8f: {  	v11 =	vor.u32 $0x1, v7;
	v10 =	vld [tilespmem:s19+$0xFFFFFF30];
	_ =	sdelay $0x3  }
0x90: {  	[tilespmem:v9+s25+$0x0] =	vst.idx.msk $0xffff, v4  }
0x91: {  	[tilespmem:v11+s25+$0x0] =	vst.idx.msk $0xffff, v10  }
0x92: {  	v9 =	vor.u32 $0x2, v5;
	v4 =	vld [tilespmem:s19+$0xFFFFFF40]  }
0x93: {  	v11 =	vor.u32 $0x2, v7;
	v10 =	vld [tilespmem:s19+$0xFFFFFF50];
	_ =	sdelay $0x3  }
0x94: {  	[tilespmem:v9+s25+$0x0] =	vst.idx.msk $0xffff, v4  }
0x95: {  	[tilespmem:v11+s25+$0x0] =	vst.idx.msk $0xffff, v10  }
0x96: {  	v9 =	vor.u32 $0x3, v5;
	v4 =	vld [tilespmem:s19+$0xFFFFFF60]  }
0x97: {  	v11 =	vor.u32 $0x3, v7;
	v10 =	vld [tilespmem:s19+$0xFFFFFF70];
	_ =	sdelay $0x3  }
0x98: {  	[tilespmem:v9+s25+$0x0] =	vst.idx.msk $0xffff, v4  }
0x99: {  	[tilespmem:v11+s25+$0x0] =	vst.idx.msk $0xffff, v10  }
0x9a: {  	v9 =	vor.u32 $0x4, v5;
	v4 =	vld [tilespmem:s19+$0xFFFFFF80]  }
0x9b: {  	v11 =	vor.u32 $0x4, v7;
	v10 =	vld [tilespmem:s19+$0xFFFFFF90];
	_ =	sdelay $0x3  }
0x9c: {  	[tilespmem:v9+s25+$0x0] =	vst.idx.msk $0xffff, v4  }
0x9d: {  	[tilespmem:v11+s25+$0x0] =	vst.idx.msk $0xffff, v10  }
0x9e: {  	v9 =	vor.u32 $0x5, v5;
	v4 =	vld [tilespmem:s19+$0xFFFFFFA0]  }
0x9f: {  	v11 =	vor.u32 $0x5, v7;
	v10 =	vld [tilespmem:s19+$0xFFFFFFB0];
	_ =	sdelay $0x3  }
0xa0: {  	[tilespmem:v9+s25+$0x0] =	vst.idx.msk $0xffff, v4  }
0xa1: {  	[tilespmem:v11+s25+$0x0] =	vst.idx.msk $0xffff, v10  }
0xa2: {  	v9 =	vor.u32 $0x6, v5;
	v4 =	vld [tilespmem:s19+$0xFFFFFFC0]  }
0xa3: {  	v11 =	vor.u32 $0x6, v7;
	v10 =	vld [tilespmem:s19+$0xFFFFFFD0];
	_ =	sdelay $0x3  }
0xa4: {  	[tilespmem:v9+s25+$0x0] =	vst.idx.msk $0xffff, v4  }
0xa5: {  	[tilespmem:v11+s25+$0x0] =	vst.idx.msk $0xffff, v10  }
0xa6: {  	v5 =	vor.u32 $0x7, v5;
	v4 =	vld [tilespmem:s19+$0xFFFFFFE0]  }
0xa7: {  	v7 =	vor.u32 $0x7, v7;
	v9 =	vld [tilespmem:s19+$0xFFFFFFF0];
	_ =	sdelay $0x3  }
0xa8: {  	v3 =	vbroadcast v3, $0x0;
	[tilespmem:v5+s25+$0x0] =	vst.idx.msk $0xffff, v4  }
0xa9: {  	[tilespmem:v7+s25+$0x0] =	vst.idx.msk $0xffff, v9  }
0xaa: {  	v5 =	vadd.s32 v8, v3;
	v4 =	vld [tilespmem:s19+$0x0]  }
0xab: {  	v3 =	vadd.s32 v6, v3;
	v7 =	vld [tilespmem:s19+$0x10];
	_ =	sdelay $0x3  }
0xac: {  	[tilespmem:v5+s25+$0x0] =	vst.idx.msk $0xffff, v4  }
0xad: {  	[tilespmem:v3+s25+$0x0] =	vst.idx.msk $0xffff, v7  }
0xae: {  	v6 =	vor.u32 $0x1, v5;
	v4 =	vld [tilespmem:s19+$0x20]  }
0xaf: {  	v8 =	vor.u32 $0x1, v3;
	v7 =	vld [tilespmem:s19+$0x30];
	_ =	sdelay $0x3  }
0xb0: {  	[tilespmem:v6+s25+$0x0] =	vst.idx.msk $0xffff, v4  }
0xb1: {  	[tilespmem:v8+s25+$0x0] =	vst.idx.msk $0xffff, v7  }
0xb2: {  	v6 =	vor.u32 $0x2, v5;
	v4 =	vld [tilespmem:s19+$0x40]  }
0xb3: {  	v8 =	vor.u32 $0x2, v3;
	v7 =	vld [tilespmem:s19+$0x50];
	_ =	sdelay $0x3  }
0xb4: {  	[tilespmem:v6+s25+$0x0] =	vst.idx.msk $0xffff, v4  }
0xb5: {  	[tilespmem:v8+s25+$0x0] =	vst.idx.msk $0xffff, v7  }
0xb6: {  	v6 =	vor.u32 $0x3, v5;
	v4 =	vld [tilespmem:s19+$0x60]  }
0xb7: {  	v8 =	vor.u32 $0x3, v3;
	v7 =	vld [tilespmem:s19+$0x70];
	_ =	sdelay $0x3  }
0xb8: {  	[tilespmem:v6+s25+$0x0] =	vst.idx.msk $0xffff, v4  }
0xb9: {  	[tilespmem:v8+s25+$0x0] =	vst.idx.msk $0xffff, v7  }
0xba: {  	v6 =	vor.u32 $0x4, v5;
	v4 =	vld [tilespmem:s19+$0x80]  }
0xbb: {  	v8 =	vor.u32 $0x4, v3;
	v7 =	vld [tilespmem:s19+$0x90];
	_ =	sdelay $0x3  }
0xbc: {  	[tilespmem:v6+s25+$0x0] =	vst.idx.msk $0xffff, v4  }
0xbd: {  	[tilespmem:v8+s25+$0x0] =	vst.idx.msk $0xffff, v7  }
0xbe: {  	v6 =	vor.u32 $0x5, v5;
	v4 =	vld [tilespmem:s19+$0xA0]  }
0xbf: {  	v8 =	vor.u32 $0x5, v3;
	v7 =	vld [tilespmem:s19+$0xB0];
	_ =	sdelay $0x3  }
0xc0: {  	[tilespmem:v6+s25+$0x0] =	vst.idx.msk $0xffff, v4  }
0xc1: {  	[tilespmem:v8+s25+$0x0] =	vst.idx.msk $0xffff, v7  }
0xc2: {  	v6 =	vor.u32 $0x6, v5;
	v4 =	vld [tilespmem:s19+$0xC0]  }
0xc3: {  	v8 =	vor.u32 $0x6, v3;
	v7 =	vld [tilespmem:s19+$0xD0];
	_ =	sdelay $0x3  }
0xc4: {  	[tilespmem:v6+s25+$0x0] =	vst.idx.msk $0xffff, v4  }
0xc5: {  	[tilespmem:v8+s25+$0x0] =	vst.idx.msk $0xffff, v7  }
0xc6: {  	s28 =	sadd.s32 $0x10, s28;
	s0 =	sshrl.u32 s0, $0x3;
	v9 =	vor.u32 $0x7, v5;
	v8 =	vld [tilespmem:s19+$0xE0]  }
.Ltmp2:
0xc7: {  	s2 =	sand.u32 $0x70, s28;
	v5 =	vor.u32 $0x7, v3;
	v6 =	vmov s0;
	v4 =	vld [tilespmem:s19+$0xF0];
	(pc) =	sbr.rel @p1 .LBB2_6-.Ltmp2, $4  }
0xc8: {  	v3 =	vmov s2;
	s0 =	sor.u32 $0x8, s2;
	v6 =	vmul.u32 $0x1100, v6  }
0xc9: {  	v3 =	vshrl.u32 v3, $0x3;
	v7 =	vmov s0  }
0xca: {  	v3 =	vshll.u32 v3, v1;
	v10 =	vshrl.u32 v7, $0x3;
	v6 =	vbroadcast v6, $0x0  }
0xcb: {  	v7 =	vbroadcast v3, $0x0;
	v3 =	vshll.u32 v10, v1;
	[tilespmem:v9+s25+$0x0] =	vst.idx.msk $0xffff, v8  }
0xcc: {  	_ =	sdelay $0x3  }
0xcd: {  	v8 =	vadd.s32 v0, v6;
	[tilespmem:v5+s25+$0x0] =	vst.idx.msk $0xffff, v4;
	s0 =	sadd.s32 $0x200, s19  }
0xce: {  	v6 =	vadd.s32 v2, v6;
	v4 =	vld [tilespmem:s0+$0xFFFFFF00];
	v5 =	vadd.s32 v8, v7  }
0xcf: {  	v9 =	vld [tilespmem:s0+$0xFFFFFF10];
	v7 =	vadd.s32 v6, v7;
	_ =	sdelay $0x3  }
0xd0: {  	[tilespmem:v5+s25+$0x0] =	vst.idx.msk $0xffff, v4  }
0xd1: {  	[tilespmem:v7+s25+$0x0] =	vst.idx.msk $0xffff, v9  }
0xd2: {  	v43 =	vor.u32 $0x1, v5;
	v4 =	vld [tilespmem:s0+$0xFFFFFF20]  }
0xd3: {  	v11 =	vor.u32 $0x1, v7;
	v10 =	vld [tilespmem:s0+$0xFFFFFF30];
	_ =	sdelay $0x3  }
0xd4: {  	[tilespmem:v43+s25+$0x0] =	vst.idx.msk $0xffff, v4  }
0xd5: {  	[tilespmem:v11+s25+$0x0] =	vst.idx.msk $0xffff, v10  }
0xd6: {  	v44 =	vor.u32 $0x2, v5;
	v4 =	vld [tilespmem:s0+$0xFFFFFF40]  }
0xd7: {  	v45 =	vor.u32 $0x2, v7;
	v10 =	vld [tilespmem:s0+$0xFFFFFF50];
	_ =	sdelay $0x3  }
0xd8: {  	[tilespmem:v44+s25+$0x0] =	vst.idx.msk $0xffff, v4  }
0xd9: {  	[tilespmem:v45+s25+$0x0] =	vst.idx.msk $0xffff, v10  }
0xda: {  	v46 =	vor.u32 $0x3, v5;
	v4 =	vld [tilespmem:s0+$0xFFFFFF60]  }
0xdb: {  	v47 =	vor.u32 $0x3, v7;
	v10 =	vld [tilespmem:s0+$0xFFFFFF70];
	_ =	sdelay $0x3  }
0xdc: {  	[tilespmem:v46+s25+$0x0] =	vst.idx.msk $0xffff, v4  }
0xdd: {  	[tilespmem:v47+s25+$0x0] =	vst.idx.msk $0xffff, v10  }
0xde: {  	v48 =	vor.u32 $0x4, v5;
	v4 =	vld [tilespmem:s0+$0xFFFFFF80]  }
0xdf: {  	v49 =	vor.u32 $0x4, v7;
	v10 =	vld [tilespmem:s0+$0xFFFFFF90];
	_ =	sdelay $0x3  }
0xe0: {  	[tilespmem:v48+s25+$0x0] =	vst.idx.msk $0xffff, v4  }
0xe1: {  	[tilespmem:v49+s25+$0x0] =	vst.idx.msk $0xffff, v10  }
0xe2: {  	v50 =	vor.u32 $0x5, v5;
	v4 =	vld [tilespmem:s0+$0xFFFFFFA0]  }
0xe3: {  	v51 =	vor.u32 $0x5, v7;
	v10 =	vld [tilespmem:s0+$0xFFFFFFB0];
	_ =	sdelay $0x3  }
0xe4: {  	[tilespmem:v50+s25+$0x0] =	vst.idx.msk $0xffff, v4  }
0xe5: {  	[tilespmem:v51+s25+$0x0] =	vst.idx.msk $0xffff, v10  }
0xe6: {  	v52 =	vor.u32 $0x6, v5;
	v4 =	vld [tilespmem:s0+$0xFFFFFFC0]  }
0xe7: {  	v53 =	vor.u32 $0x6, v7;
	v10 =	vld [tilespmem:s0+$0xFFFFFFD0];
	_ =	sdelay $0x3  }
0xe8: {  	[tilespmem:v52+s25+$0x0] =	vst.idx.msk $0xffff, v4  }
0xe9: {  	[tilespmem:v53+s25+$0x0] =	vst.idx.msk $0xffff, v10  }
0xea: {  	v5 =	vor.u32 $0x7, v5;
	v4 =	vld [tilespmem:s0+$0xFFFFFFE0]  }
0xeb: {  	v7 =	vor.u32 $0x7, v7;
	v9 =	vld [tilespmem:s0+$0xFFFFFFF0];
	_ =	sdelay $0x3  }
0xec: {  	v3 =	vbroadcast v3, $0x0;
	[tilespmem:v5+s25+$0x0] =	vst.idx.msk $0xffff, v4  }
0xed: {  	[tilespmem:v7+s25+$0x0] =	vst.idx.msk $0xffff, v9  }
0xee: {  	v5 =	vadd.s32 v8, v3;
	v4 =	vld [tilespmem:s0+$0x0]  }
0xef: {  	v3 =	vadd.s32 v6, v3;
	v7 =	vld [tilespmem:s0+$0x10];
	_ =	sdelay $0x3  }
0xf0: {  	[tilespmem:v5+s25+$0x0] =	vst.idx.msk $0xffff, v4  }
0xf1: {  	[tilespmem:v3+s25+$0x0] =	vst.idx.msk $0xffff, v7  }
0xf2: {  	v6 =	vor.u32 $0x1, v5;
	v4 =	vld [tilespmem:s0+$0x20]  }
0xf3: {  	v8 =	vor.u32 $0x1, v3;
	v7 =	vld [tilespmem:s0+$0x30];
	_ =	sdelay $0x3  }
0xf4: {  	[tilespmem:v6+s25+$0x0] =	vst.idx.msk $0xffff, v4  }
0xf5: {  	[tilespmem:v8+s25+$0x0] =	vst.idx.msk $0xffff, v7  }
0xf6: {  	v6 =	vor.u32 $0x2, v5;
	v4 =	vld [tilespmem:s0+$0x40]  }
0xf7: {  	v8 =	vor.u32 $0x2, v3;
	v7 =	vld [tilespmem:s0+$0x50];
	_ =	sdelay $0x3  }
0xf8: {  	[tilespmem:v6+s25+$0x0] =	vst.idx.msk $0xffff, v4  }
0xf9: {  	[tilespmem:v8+s25+$0x0] =	vst.idx.msk $0xffff, v7  }
0xfa: {  	v6 =	vor.u32 $0x3, v5;
	v4 =	vld [tilespmem:s0+$0x60]  }
0xfb: {  	v8 =	vor.u32 $0x3, v3;
	v7 =	vld [tilespmem:s0+$0x70];
	_ =	sdelay $0x3  }
0xfc: {  	[tilespmem:v6+s25+$0x0] =	vst.idx.msk $0xffff, v4  }
0xfd: {  	[tilespmem:v8+s25+$0x0] =	vst.idx.msk $0xffff, v7  }
0xfe: {  	v6 =	vor.u32 $0x4, v5;
	v4 =	vld [tilespmem:s0+$0x80]  }
0xff: {  	v8 =	vor.u32 $0x4, v3;
	v7 =	vld [tilespmem:s0+$0x90];
	_ =	sdelay $0x3  }
0x100: {  	[tilespmem:v6+s25+$0x0] =	vst.idx.msk $0xffff, v4  }
0x101: {  	[tilespmem:v8+s25+$0x0] =	vst.idx.msk $0xffff, v7  }
0x102: {  	v6 =	vor.u32 $0x5, v5;
	v4 =	vld [tilespmem:s0+$0xA0]  }
0x103: {  	v8 =	vor.u32 $0x5, v3;
	v7 =	vld [tilespmem:s0+$0xB0];
	_ =	sdelay $0x3  }
0x104: {  	[tilespmem:v6+s25+$0x0] =	vst.idx.msk $0xffff, v4  }
0x105: {  	[tilespmem:v8+s25+$0x0] =	vst.idx.msk $0xffff, v7  }
0x106: {  	v6 =	vor.u32 $0x6, v5;
	v4 =	vld [tilespmem:s0+$0xC0]  }
0x107: {  	v8 =	vor.u32 $0x6, v3;
	v7 =	vld [tilespmem:s0+$0xD0];
	_ =	sdelay $0x3  }
0x108: {  	[tilespmem:v6+s25+$0x0] =	vst.idx.msk $0xffff, v4  }
0x109: {  	[tilespmem:v8+s25+$0x0] =	vst.idx.msk $0xffff, v7  }
0x10a: {  	v5 =	vor.u32 $0x7, v5;
	v4 =	vld [tilespmem:s0+$0xE0]  }
0x10b: {  	v3 =	vor.u32 $0x7, v3;
	v6 =	vld [tilespmem:s0+$0xF0];
	_ =	sdelay $0x3  }
0x10c: {  	s19 =	sor.u32 s6, s30;
	s2 =	rddreg [dreg:$0x1];
	[tilespmem:v5+s25+$0x0] =	vst.idx.msk $0xffff, v4  }
0x10d: {  	s0 =	sadd.s32 s2, s19;
	[tilespmem:v3+s25+$0x0] =	vst.idx.msk $0xffff, v6  }
0x10e: {  	[hbm4b:s0+s3] =	stream.linear.scatter [tilespmem:s25], [sflag:$0x3], $0x80, $0x38;
	[tilespmem:$0x10C00] =	vst v63  }
0x10f: {  	s28 =	simm.s32 $0x8488;
	s2 =	sadd.s32 $0x10, s0  }
0x110: {  	[hbm4b:s2+s3] =	stream.linear.scatter [tilespmem:s28], [sflag:$0x3], $0x80, $0x38;
	[tilespmem:$0x10C00] =	vst v63  }
0x111: {  	s2 =	sadd.s32 $0x20, s0;
	s28 =	simm.s32 $0x8510  }
0x112: {  	[hbm4b:s2+s3] =	stream.linear.scatter [tilespmem:s28], [sflag:$0x3], $0x80, $0x38;
	[tilespmem:$0x10C00] =	vst v63  }
0x113: {  	s2 =	sadd.s32 $0x30, s0;
	s28 =	simm.s32 $0x8598  }
0x114: {  	[hbm4b:s2+s3] =	stream.linear.scatter [tilespmem:s28], [sflag:$0x3], $0x80, $0x38;
	[tilespmem:$0x10C00] =	vst v63  }
0x115: {  	s2 =	sadd.s32 $0x40, s0;
	s28 =	simm.s32 $0x8620  }
0x116: {  	[hbm4b:s2+s3] =	stream.linear.scatter [tilespmem:s28], [sflag:$0x3], $0x80, $0x38;
	[tilespmem:$0x10C00] =	vst v63  }
0x117: {  	s2 =	sadd.s32 $0x50, s0;
	s28 =	simm.s32 $0x86A8  }
0x118: {  	[hbm4b:s2+s3] =	stream.linear.scatter [tilespmem:s28], [sflag:$0x3], $0x80, $0x38;
	[tilespmem:$0x10C00] =	vst v63  }
0x119: {  	s2 =	sadd.s32 $0x60, s0;
	s28 =	simm.s32 $0x8730  }
0x11a: {  	[hbm4b:s2+s3] =	stream.linear.scatter [tilespmem:s28], [sflag:$0x3], $0x80, $0x38;
	[tilespmem:$0x10C00] =	vst v63  }
0x11b: {  	s2 =	sadd.s32 $0x70, s0;
	s28 =	simm.s32 $0x87B8  }
0x11c: {  	[hbm4b:s2+s3] =	stream.linear.scatter [tilespmem:s28], [sflag:$0x3], $0x80, $0x38;
	[tilespmem:$0x10C00] =	vst v63  }
0x11d: {  	s2 =	sadd.s32 $0x80, s0;
	s28 =	simm.s32 $0x9500  }
0x11e: {  	[hbm4b:s2+s3] =	stream.linear.scatter [tilespmem:s28], [sflag:$0x3], $0x80, $0x38;
	[tilespmem:$0x10C00] =	vst v63  }
0x11f: {  	s2 =	sadd.s32 $0x90, s0;
	s28 =	simm.s32 $0x9588  }
0x120: {  	[hbm4b:s2+s3] =	stream.linear.scatter [tilespmem:s28], [sflag:$0x3], $0x80, $0x38;
	[tilespmem:$0x10C00] =	vst v63  }
0x121: {  	s2 =	sadd.s32 $0xA0, s0;
	s28 =	simm.s32 $0x9610  }
0x122: {  	[hbm4b:s2+s3] =	stream.linear.scatter [tilespmem:s28], [sflag:$0x3], $0x80, $0x38;
	[tilespmem:$0x10C00] =	vst v63  }
0x123: {  	s2 =	sadd.s32 $0xB0, s0;
	s28 =	simm.s32 $0x9698  }
0x124: {  	[hbm4b:s2+s3] =	stream.linear.scatter [tilespmem:s28], [sflag:$0x3], $0x80, $0x38;
	[tilespmem:$0x10C00] =	vst v63  }
0x125: {  	s2 =	sadd.s32 $0xC0, s0;
	s28 =	simm.s32 $0x9720  }
0x126: {  	[hbm4b:s2+s3] =	stream.linear.scatter [tilespmem:s28], [sflag:$0x3], $0x80, $0x38;
	[tilespmem:$0x10C00] =	vst v63  }
0x127: {  	s2 =	sadd.s32 $0xD0, s0;
	s28 =	simm.s32 $0x97A8  }
0x128: {  	[hbm4b:s2+s3] =	stream.linear.scatter [tilespmem:s28], [sflag:$0x3], $0x80, $0x38;
	[tilespmem:$0x10C00] =	vst v63  }
0x129: {  	s2 =	sadd.s32 $0xE0, s0;
	s28 =	simm.s32 $0x9830  }
0x12a: {  	[hbm4b:s2+s3] =	stream.linear.scatter [tilespmem:s28], [sflag:$0x3], $0x80, $0x38;
	[tilespmem:$0x10C00] =	vst v63  }
0x12b: {  	s2 =	sadd.s32 $0xF0, s0;
	s28 =	simm.s32 $0x98B8  }
0x12c: {  	[hbm4b:s2+s3] =	stream.linear.scatter [tilespmem:s28], [sflag:$0x3], $0x80, $0x38;
	[tilespmem:$0x10C00] =	vst v63  }
0x12d: {  	s2 =	sadd.s32 $0x100, s0;
	s28 =	simm.s32 $0xA600  }
0x12e: {  	[hbm4b:s2+s3] =	stream.linear.scatter [tilespmem:s28], [sflag:$0x3], $0x80, $0x38;
	[tilespmem:$0x10C00] =	vst v63  }
0x12f: {  	s2 =	sadd.s32 $0x110, s0;
	s28 =	simm.s32 $0xA688  }
0x130: {  	[hbm4b:s2+s3] =	stream.linear.scatter [tilespmem:s28], [sflag:$0x3], $0x80, $0x38;
	[tilespmem:$0x10C00] =	vst v63  }
0x131: {  	s2 =	sadd.s32 $0x120, s0;
	s28 =	simm.s32 $0xA710  }
0x132: {  	[hbm4b:s2+s3] =	stream.linear.scatter [tilespmem:s28], [sflag:$0x3], $0x80, $0x38;
	[tilespmem:$0x10C00] =	vst v63  }
0x133: {  	s2 =	sadd.s32 $0x130, s0;
	s28 =	simm.s32 $0xA798  }
0x134: {  	[hbm4b:s2+s3] =	stream.linear.scatter [tilespmem:s28], [sflag:$0x3], $0x80, $0x38;
	[tilespmem:$0x10C00] =	vst v63  }
0x135: {  	s2 =	sadd.s32 $0x140, s0;
	s28 =	simm.s32 $0xA820  }
0x136: {  	[hbm4b:s2+s3] =	stream.linear.scatter [tilespmem:s28], [sflag:$0x3], $0x80, $0x38;
	[tilespmem:$0x10C00] =	vst v63  }
0x137: {  	s2 =	sadd.s32 $0x150, s0;
	s28 =	simm.s32 $0xA8A8  }
0x138: {  	[hbm4b:s2+s3] =	stream.linear.scatter [tilespmem:s28], [sflag:$0x3], $0x80, $0x38;
	[tilespmem:$0x10C00] =	vst v63  }
0x139: {  	s2 =	sadd.s32 $0x160, s0;
	s28 =	simm.s32 $0xA930  }
0x13a: {  	[hbm4b:s2+s3] =	stream.linear.scatter [tilespmem:s28], [sflag:$0x3], $0x80, $0x38;
	[tilespmem:$0x10C00] =	vst v63  }
0x13b: {  	s2 =	sadd.s32 $0x170, s0;
	s28 =	simm.s32 $0xA9B8  }
0x13c: {  	[hbm4b:s2+s3] =	stream.linear.scatter [tilespmem:s28], [sflag:$0x3], $0x80, $0x38;
	[tilespmem:$0x10C00] =	vst v63  }
0x13d: {  	s2 =	sadd.s32 $0x180, s0;
	s28 =	simm.s32 $0xB700  }
0x13e: {  	[hbm4b:s2+s3] =	stream.linear.scatter [tilespmem:s28], [sflag:$0x3], $0x80, $0x38;
	[tilespmem:$0x10C00] =	vst v63  }
0x13f: {  	s2 =	sadd.s32 $0x190, s0;
	s28 =	simm.s32 $0xB788  }
0x140: {  	[hbm4b:s2+s3] =	stream.linear.scatter [tilespmem:s28], [sflag:$0x3], $0x80, $0x38;
	[tilespmem:$0x10C00] =	vst v63  }
0x141: {  	s2 =	sadd.s32 $0x1A0, s0;
	s28 =	simm.s32 $0xB810  }
0x142: {  	[hbm4b:s2+s3] =	stream.linear.scatter [tilespmem:s28], [sflag:$0x3], $0x80, $0x38;
	[tilespmem:$0x10C00] =	vst v63  }
0x143: {  	s2 =	sadd.s32 $0x1B0, s0;
	s28 =	simm.s32 $0xB898  }
0x144: {  	[hbm4b:s2+s3] =	stream.linear.scatter [tilespmem:s28], [sflag:$0x3], $0x80, $0x38;
	[tilespmem:$0x10C00] =	vst v63  }
0x145: {  	s2 =	sadd.s32 $0x1C0, s0;
	s28 =	simm.s32 $0xB920  }
0x146: {  	[hbm4b:s2+s3] =	stream.linear.scatter [tilespmem:s28], [sflag:$0x3], $0x80, $0x38;
	[tilespmem:$0x10C00] =	vst v63  }
0x147: {  	s2 =	sadd.s32 $0x1D0, s0;
	s28 =	simm.s32 $0xB9A8  }
0x148: {  	[hbm4b:s2+s3] =	stream.linear.scatter [tilespmem:s28], [sflag:$0x3], $0x80, $0x38;
	[tilespmem:$0x10C00] =	vst v63  }
0x149: {  	s2 =	sadd.s32 $0x1E0, s0;
	s28 =	simm.s32 $0xBA30  }
0x14a: {  	[hbm4b:s2+s3] =	stream.linear.scatter [tilespmem:s28], [sflag:$0x3], $0x80, $0x38;
	[tilespmem:$0x10C00] =	vst v63  }
0x14b: {  	s0 =	sadd.s32 $0x1F0, s0;
	s2 =	simm.s32 $0xBAB8  }
0x14c: {  	[hbm4b:s0+s3] =	stream.linear.scatter [tilespmem:s2], [sflag:$0x3], $0x80, $0x38;
	[tilespmem:$0x10C00] =	vst v63  }
0x14d: {  	s0 =	sadd.s32 s19, s11;
	s2 =	simm.s32 $0x8840  }
0x14e: {  	[hbm4b:s0+s3] =	stream.linear.scatter [tilespmem:s2], [sflag:$0x3], $0x80, $0x38;
	[tilespmem:$0x10C00] =	vst v63  }
0x14f: {  	s28 =	simm.s32 $0x88C8;
	s2 =	sadd.s32 $0x10, s0  }
0x150: {  	[hbm4b:s2+s3] =	stream.linear.scatter [tilespmem:s28], [sflag:$0x3], $0x80, $0x38;
	[tilespmem:$0x10C00] =	vst v63  }
0x151: {  	s2 =	sadd.s32 $0x20, s0;
	s28 =	simm.s32 $0x8950  }
0x152: {  	[hbm4b:s2+s3] =	stream.linear.scatter [tilespmem:s28], [sflag:$0x3], $0x80, $0x38;
	[tilespmem:$0x10C00] =	vst v63  }
0x153: {  	s2 =	sadd.s32 $0x30, s0;
	s28 =	simm.s32 $0x89D8  }
0x154: {  	[hbm4b:s2+s3] =	stream.linear.scatter [tilespmem:s28], [sflag:$0x3], $0x80, $0x38;
	[tilespmem:$0x10C00] =	vst v63  }
0x155: {  	s2 =	sadd.s32 $0x40, s0;
	s28 =	simm.s32 $0x8A60  }
0x156: {  	[hbm4b:s2+s3] =	stream.linear.scatter [tilespmem:s28], [sflag:$0x3], $0x80, $0x38;
	[tilespmem:$0x10C00] =	vst v63  }
0x157: {  	s2 =	sadd.s32 $0x50, s0;
	s28 =	simm.s32 $0x8AE8  }
0x158: {  	[hbm4b:s2+s3] =	stream.linear.scatter [tilespmem:s28], [sflag:$0x3], $0x80, $0x38;
	[tilespmem:$0x10C00] =	vst v63  }
0x159: {  	s2 =	sadd.s32 $0x60, s0;
	s28 =	simm.s32 $0x8B70  }
0x15a: {  	[hbm4b:s2+s3] =	stream.linear.scatter [tilespmem:s28], [sflag:$0x3], $0x80, $0x38;
	[tilespmem:$0x10C00] =	vst v63  }
0x15b: {  	s2 =	sadd.s32 $0x70, s0;
	s28 =	simm.s32 $0x8BF8  }
0x15c: {  	[hbm4b:s2+s3] =	stream.linear.scatter [tilespmem:s28], [sflag:$0x3], $0x80, $0x38;
	[tilespmem:$0x10C00] =	vst v63  }
0x15d: {  	s2 =	sadd.s32 $0x80, s0;
	s28 =	simm.s32 $0x9940  }
0x15e: {  	[hbm4b:s2+s3] =	stream.linear.scatter [tilespmem:s28], [sflag:$0x3], $0x80, $0x38;
	[tilespmem:$0x10C00] =	vst v63  }
0x15f: {  	s2 =	sadd.s32 $0x90, s0;
	s28 =	simm.s32 $0x99C8  }
0x160: {  	[hbm4b:s2+s3] =	stream.linear.scatter [tilespmem:s28], [sflag:$0x3], $0x80, $0x38;
	[tilespmem:$0x10C00] =	vst v63  }
0x161: {  	s2 =	sadd.s32 $0xA0, s0;
	s28 =	simm.s32 $0x9A50  }
0x162: {  	[hbm4b:s2+s3] =	stream.linear.scatter [tilespmem:s28], [sflag:$0x3], $0x80, $0x38;
	[tilespmem:$0x10C00] =	vst v63  }
0x163: {  	s2 =	sadd.s32 $0xB0, s0;
	s28 =	simm.s32 $0x9AD8  }
0x164: {  	[hbm4b:s2+s3] =	stream.linear.scatter [tilespmem:s28], [sflag:$0x3], $0x80, $0x38;
	[tilespmem:$0x10C00] =	vst v63  }
0x165: {  	s2 =	sadd.s32 $0xC0, s0;
	s28 =	simm.s32 $0x9B60  }
0x166: {  	[hbm4b:s2+s3] =	stream.linear.scatter [tilespmem:s28], [sflag:$0x3], $0x80, $0x38;
	[tilespmem:$0x10C00] =	vst v63  }
0x167: {  	s2 =	sadd.s32 $0xD0, s0;
	s28 =	simm.s32 $0x9BE8  }
0x168: {  	[hbm4b:s2+s3] =	stream.linear.scatter [tilespmem:s28], [sflag:$0x3], $0x80, $0x38;
	[tilespmem:$0x10C00] =	vst v63  }
0x169: {  	s2 =	sadd.s32 $0xE0, s0;
	s28 =	simm.s32 $0x9C70  }
0x16a: {  	[hbm4b:s2+s3] =	stream.linear.scatter [tilespmem:s28], [sflag:$0x3], $0x80, $0x38;
	[tilespmem:$0x10C00] =	vst v63  }
0x16b: {  	s2 =	sadd.s32 $0xF0, s0;
	s28 =	simm.s32 $0x9CF8  }
0x16c: {  	[hbm4b:s2+s3] =	stream.linear.scatter [tilespmem:s28], [sflag:$0x3], $0x80, $0x38;
	[tilespmem:$0x10C00] =	vst v63  }
0x16d: {  	s2 =	sadd.s32 $0x100, s0;
	s28 =	simm.s32 $0xAA40  }
0x16e: {  	[hbm4b:s2+s3] =	stream.linear.scatter [tilespmem:s28], [sflag:$0x3], $0x80, $0x38;
	[tilespmem:$0x10C00] =	vst v63  }
0x16f: {  	s2 =	sadd.s32 $0x110, s0;
	s28 =	simm.s32 $0xAAC8  }
0x170: {  	[hbm4b:s2+s3] =	stream.linear.scatter [tilespmem:s28], [sflag:$0x3], $0x80, $0x38;
	[tilespmem:$0x10C00] =	vst v63  }
0x171: {  	s2 =	sadd.s32 $0x120, s0;
	s28 =	simm.s32 $0xAB50  }
0x172: {  	[hbm4b:s2+s3] =	stream.linear.scatter [tilespmem:s28], [sflag:$0x3], $0x80, $0x38;
	[tilespmem:$0x10C00] =	vst v63  }
0x173: {  	s2 =	sadd.s32 $0x130, s0;
	s28 =	simm.s32 $0xABD8  }
0x174: {  	[hbm4b:s2+s3] =	stream.linear.scatter [tilespmem:s28], [sflag:$0x3], $0x80, $0x38;
	[tilespmem:$0x10C00] =	vst v63  }
0x175: {  	s2 =	sadd.s32 $0x140, s0;
	s28 =	simm.s32 $0xAC60  }
0x176: {  	[hbm4b:s2+s3] =	stream.linear.scatter [tilespmem:s28], [sflag:$0x3], $0x80, $0x38;
	[tilespmem:$0x10C00] =	vst v63  }
0x177: {  	s2 =	sadd.s32 $0x150, s0;
	s28 =	simm.s32 $0xACE8  }
0x178: {  	[hbm4b:s2+s3] =	stream.linear.scatter [tilespmem:s28], [sflag:$0x3], $0x80, $0x38;
	[tilespmem:$0x10C00] =	vst v63  }
0x179: {  	s2 =	sadd.s32 $0x160, s0;
	s28 =	simm.s32 $0xAD70  }
0x17a: {  	[hbm4b:s2+s3] =	stream.linear.scatter [tilespmem:s28], [sflag:$0x3], $0x80, $0x38;
	[tilespmem:$0x10C00] =	vst v63  }
0x17b: {  	s2 =	sadd.s32 $0x170, s0;
	s28 =	simm.s32 $0xADF8  }
0x17c: {  	[hbm4b:s2+s3] =	stream.linear.scatter [tilespmem:s28], [sflag:$0x3], $0x80, $0x38;
	[tilespmem:$0x10C00] =	vst v63  }
0x17d: {  	s2 =	sadd.s32 $0x180, s0;
	s28 =	simm.s32 $0xBB40  }
0x17e: {  	[hbm4b:s2+s3] =	stream.linear.scatter [tilespmem:s28], [sflag:$0x3], $0x80, $0x38;
	[tilespmem:$0x10C00] =	vst v63  }
0x17f: {  	s2 =	sadd.s32 $0x190, s0;
	s28 =	simm.s32 $0xBBC8  }
0x180: {  	[hbm4b:s2+s3] =	stream.linear.scatter [tilespmem:s28], [sflag:$0x3], $0x80, $0x38;
	[tilespmem:$0x10C00] =	vst v63  }
0x181: {  	s2 =	sadd.s32 $0x1A0, s0;
	s28 =	simm.s32 $0xBC50  }
0x182: {  	[hbm4b:s2+s3] =	stream.linear.scatter [tilespmem:s28], [sflag:$0x3], $0x80, $0x38;
	[tilespmem:$0x10C00] =	vst v63  }
0x183: {  	s2 =	sadd.s32 $0x1B0, s0;
	s28 =	simm.s32 $0xBCD8  }
0x184: {  	[hbm4b:s2+s3] =	stream.linear.scatter [tilespmem:s28], [sflag:$0x3], $0x80, $0x38;
	[tilespmem:$0x10C00] =	vst v63  }
0x185: {  	s2 =	sadd.s32 $0x1C0, s0;
	s28 =	simm.s32 $0xBD60  }
0x186: {  	[hbm4b:s2+s3] =	stream.linear.scatter [tilespmem:s28], [sflag:$0x3], $0x80, $0x38;
	[tilespmem:$0x10C00] =	vst v63  }
0x187: {  	s2 =	sadd.s32 $0x1D0, s0;
	s28 =	simm.s32 $0xBDE8  }
0x188: {  	[hbm4b:s2+s3] =	stream.linear.scatter [tilespmem:s28], [sflag:$0x3], $0x80, $0x38;
	[tilespmem:$0x10C00] =	vst v63  }
0x189: {  	s2 =	sadd.s32 $0x1E0, s0;
	s28 =	simm.s32 $0xBE70  }
0x18a: {  	[hbm4b:s2+s3] =	stream.linear.scatter [tilespmem:s28], [sflag:$0x3], $0x80, $0x38;
	[tilespmem:$0x10C00] =	vst v63  }
0x18b: {  	s0 =	sadd.s32 $0x1F0, s0;
	s2 =	simm.s32 $0xBEF8  }
0x18c: {  	[hbm4b:s0+s3] =	stream.linear.scatter [tilespmem:s2], [sflag:$0x3], $0x80, $0x38;
	[tilespmem:$0x10C00] =	vst v63  }
0x18d: {  	s0 =	sadd.s32 s19, s12;
	s2 =	simm.s32 $0x8C80  }
0x18e: {  	[hbm4b:s0+s3] =	stream.linear.scatter [tilespmem:s2], [sflag:$0x3], $0x80, $0x38;
	[tilespmem:$0x10C00] =	vst v63  }
0x18f: {  	s28 =	simm.s32 $0x8D08;
	s2 =	sadd.s32 $0x10, s0  }
0x190: {  	[hbm4b:s2+s3] =	stream.linear.scatter [tilespmem:s28], [sflag:$0x3], $0x80, $0x38;
	[tilespmem:$0x10C00] =	vst v63  }
0x191: {  	s2 =	sadd.s32 $0x20, s0;
	s28 =	simm.s32 $0x8D90  }
0x192: {  	[hbm4b:s2+s3] =	stream.linear.scatter [tilespmem:s28], [sflag:$0x3], $0x80, $0x38;
	[tilespmem:$0x10C00] =	vst v63  }
0x193: {  	s2 =	sadd.s32 $0x30, s0;
	s28 =	simm.s32 $0x8E18  }
0x194: {  	[hbm4b:s2+s3] =	stream.linear.scatter [tilespmem:s28], [sflag:$0x3], $0x80, $0x38;
	[tilespmem:$0x10C00] =	vst v63  }
0x195: {  	s2 =	sadd.s32 $0x40, s0;
	s28 =	simm.s32 $0x8EA0  }
0x196: {  	[hbm4b:s2+s3] =	stream.linear.scatter [tilespmem:s28], [sflag:$0x3], $0x80, $0x38;
	[tilespmem:$0x10C00] =	vst v63  }
0x197: {  	s2 =	sadd.s32 $0x50, s0;
	s28 =	simm.s32 $0x8F28  }
0x198: {  	[hbm4b:s2+s3] =	stream.linear.scatter [tilespmem:s28], [sflag:$0x3], $0x80, $0x38;
	[tilespmem:$0x10C00] =	vst v63  }
0x199: {  	s2 =	sadd.s32 $0x60, s0;
	s28 =	simm.s32 $0x8FB0  }
0x19a: {  	[hbm4b:s2+s3] =	stream.linear.scatter [tilespmem:s28], [sflag:$0x3], $0x80, $0x38;
	[tilespmem:$0x10C00] =	vst v63  }
0x19b: {  	s2 =	sadd.s32 $0x70, s0;
	s28 =	simm.s32 $0x9038  }
0x19c: {  	[hbm4b:s2+s3] =	stream.linear.scatter [tilespmem:s28], [sflag:$0x3], $0x80, $0x38;
	[tilespmem:$0x10C00] =	vst v63  }
0x19d: {  	s2 =	sadd.s32 $0x80, s0;
	s28 =	simm.s32 $0x9D80  }
0x19e: {  	[hbm4b:s2+s3] =	stream.linear.scatter [tilespmem:s28], [sflag:$0x3], $0x80, $0x38;
	[tilespmem:$0x10C00] =	vst v63  }
0x19f: {  	s2 =	sadd.s32 $0x90, s0;
	s28 =	simm.s32 $0x9E08  }
0x1a0: {  	[hbm4b:s2+s3] =	stream.linear.scatter [tilespmem:s28], [sflag:$0x3], $0x80, $0x38;
	[tilespmem:$0x10C00] =	vst v63  }
0x1a1: {  	s2 =	sadd.s32 $0xA0, s0;
	s28 =	simm.s32 $0x9E90  }
0x1a2: {  	[hbm4b:s2+s3] =	stream.linear.scatter [tilespmem:s28], [sflag:$0x3], $0x80, $0x38;
	[tilespmem:$0x10C00] =	vst v63  }
0x1a3: {  	s2 =	sadd.s32 $0xB0, s0;
	s28 =	simm.s32 $0x9F18  }
0x1a4: {  	[hbm4b:s2+s3] =	stream.linear.scatter [tilespmem:s28], [sflag:$0x3], $0x80, $0x38;
	[tilespmem:$0x10C00] =	vst v63  }
0x1a5: {  	s2 =	sadd.s32 $0xC0, s0;
	s28 =	simm.s32 $0x9FA0  }
0x1a6: {  	[hbm4b:s2+s3] =	stream.linear.scatter [tilespmem:s28], [sflag:$0x3], $0x80, $0x38;
	[tilespmem:$0x10C00] =	vst v63  }
0x1a7: {  	s2 =	sadd.s32 $0xD0, s0;
	s28 =	simm.s32 $0xA028  }
0x1a8: {  	[hbm4b:s2+s3] =	stream.linear.scatter [tilespmem:s28], [sflag:$0x3], $0x80, $0x38;
	[tilespmem:$0x10C00] =	vst v63  }
0x1a9: {  	s2 =	sadd.s32 $0xE0, s0;
	s28 =	simm.s32 $0xA0B0  }
0x1aa: {  	[hbm4b:s2+s3] =	stream.linear.scatter [tilespmem:s28], [sflag:$0x3], $0x80, $0x38;
	[tilespmem:$0x10C00] =	vst v63  }
0x1ab: {  	s2 =	sadd.s32 $0xF0, s0;
	s28 =	simm.s32 $0xA138  }
0x1ac: {  	[hbm4b:s2+s3] =	stream.linear.scatter [tilespmem:s28], [sflag:$0x3], $0x80, $0x38;
	[tilespmem:$0x10C00] =	vst v63  }
0x1ad: {  	s2 =	sadd.s32 $0x100, s0;
	s28 =	simm.s32 $0xAE80  }
0x1ae: {  	[hbm4b:s2+s3] =	stream.linear.scatter [tilespmem:s28], [sflag:$0x3], $0x80, $0x38;
	[tilespmem:$0x10C00] =	vst v63  }
0x1af: {  	s2 =	sadd.s32 $0x110, s0;
	s28 =	simm.s32 $0xAF08  }
0x1b0: {  	[hbm4b:s2+s3] =	stream.linear.scatter [tilespmem:s28], [sflag:$0x3], $0x80, $0x38;
	[tilespmem:$0x10C00] =	vst v63  }
0x1b1: {  	s2 =	sadd.s32 $0x120, s0;
	s28 =	simm.s32 $0xAF90  }
0x1b2: {  	[hbm4b:s2+s3] =	stream.linear.scatter [tilespmem:s28], [sflag:$0x3], $0x80, $0x38;
	[tilespmem:$0x10C00] =	vst v63  }
0x1b3: {  	s2 =	sadd.s32 $0x130, s0;
	s28 =	simm.s32 $0xB018  }
0x1b4: {  	[hbm4b:s2+s3] =	stream.linear.scatter [tilespmem:s28], [sflag:$0x3], $0x80, $0x38;
	[tilespmem:$0x10C00] =	vst v63  }
0x1b5: {  	s2 =	sadd.s32 $0x140, s0;
	s28 =	simm.s32 $0xB0A0  }
0x1b6: {  	[hbm4b:s2+s3] =	stream.linear.scatter [tilespmem:s28], [sflag:$0x3], $0x80, $0x38;
	[tilespmem:$0x10C00] =	vst v63  }
0x1b7: {  	s2 =	sadd.s32 $0x150, s0;
	s28 =	simm.s32 $0xB128  }
0x1b8: {  	[hbm4b:s2+s3] =	stream.linear.scatter [tilespmem:s28], [sflag:$0x3], $0x80, $0x38;
	[tilespmem:$0x10C00] =	vst v63  }
0x1b9: {  	s2 =	sadd.s32 $0x160, s0;
	s28 =	simm.s32 $0xB1B0  }
0x1ba: {  	[hbm4b:s2+s3] =	stream.linear.scatter [tilespmem:s28], [sflag:$0x3], $0x80, $0x38;
	[tilespmem:$0x10C00] =	vst v63  }
0x1bb: {  	s2 =	sadd.s32 $0x170, s0;
	s28 =	simm.s32 $0xB238  }
0x1bc: {  	[hbm4b:s2+s3] =	stream.linear.scatter [tilespmem:s28], [sflag:$0x3], $0x80, $0x38;
	[tilespmem:$0x10C00] =	vst v63  }
0x1bd: {  	s2 =	sadd.s32 $0x180, s0;
	s28 =	simm.s32 $0xBF80  }
0x1be: {  	[hbm4b:s2+s3] =	stream.linear.scatter [tilespmem:s28], [sflag:$0x3], $0x80, $0x38;
	[tilespmem:$0x10C00] =	vst v63  }
0x1bf: {  	s2 =	sadd.s32 $0x190, s0;
	s28 =	simm.s32 $0xC008  }
0x1c0: {  	[hbm4b:s2+s3] =	stream.linear.scatter [tilespmem:s28], [sflag:$0x3], $0x80, $0x38;
	[tilespmem:$0x10C00] =	vst v63  }
0x1c1: {  	s2 =	sadd.s32 $0x1A0, s0;
	s28 =	simm.s32 $0xC090  }
0x1c2: {  	[hbm4b:s2+s3] =	stream.linear.scatter [tilespmem:s28], [sflag:$0x3], $0x80, $0x38;
	[tilespmem:$0x10C00] =	vst v63  }
0x1c3: {  	s2 =	sadd.s32 $0x1B0, s0;
	s28 =	simm.s32 $0xC118  }
0x1c4: {  	[hbm4b:s2+s3] =	stream.linear.scatter [tilespmem:s28], [sflag:$0x3], $0x80, $0x38;
	[tilespmem:$0x10C00] =	vst v63  }
0x1c5: {  	s2 =	sadd.s32 $0x1C0, s0;
	s28 =	simm.s32 $0xC1A0  }
0x1c6: {  	[hbm4b:s2+s3] =	stream.linear.scatter [tilespmem:s28], [sflag:$0x3], $0x80, $0x38;
	[tilespmem:$0x10C00] =	vst v63  }
0x1c7: {  	s2 =	sadd.s32 $0x1D0, s0;
	s28 =	simm.s32 $0xC228  }
0x1c8: {  	[hbm4b:s2+s3] =	stream.linear.scatter [tilespmem:s28], [sflag:$0x3], $0x80, $0x38;
	[tilespmem:$0x10C00] =	vst v63  }
0x1c9: {  	s2 =	sadd.s32 $0x1E0, s0;
	s28 =	simm.s32 $0xC2B0  }
0x1ca: {  	[hbm4b:s2+s3] =	stream.linear.scatter [tilespmem:s28], [sflag:$0x3], $0x80, $0x38;
	[tilespmem:$0x10C00] =	vst v63  }
0x1cb: {  	s0 =	sadd.s32 $0x1F0, s0;
	s2 =	simm.s32 $0xC338  }
0x1cc: {  	[hbm4b:s0+s3] =	stream.linear.scatter [tilespmem:s2], [sflag:$0x3], $0x80, $0x38;
	[tilespmem:$0x10C00] =	vst v63  }
0x1cd: {  	s0 =	sadd.s32 s19, s13;
	s2 =	simm.s32 $0x90C0  }
0x1ce: {  	[hbm4b:s0+s3] =	stream.linear.scatter [tilespmem:s2], [sflag:$0x3], $0x80, $0x38;
	[tilespmem:$0x10C00] =	vst v63  }
0x1cf: {  	s28 =	simm.s32 $0x9148;
	s2 =	sadd.s32 $0x10, s0  }
0x1d0: {  	[hbm4b:s2+s3] =	stream.linear.scatter [tilespmem:s28], [sflag:$0x3], $0x80, $0x38;
	[tilespmem:$0x10C00] =	vst v63  }
0x1d1: {  	s2 =	sadd.s32 $0x20, s0;
	s28 =	simm.s32 $0x91D0  }
0x1d2: {  	[hbm4b:s2+s3] =	stream.linear.scatter [tilespmem:s28], [sflag:$0x3], $0x80, $0x38;
	[tilespmem:$0x10C00] =	vst v63  }
0x1d3: {  	s2 =	sadd.s32 $0x30, s0;
	s28 =	simm.s32 $0x9258  }
0x1d4: {  	[hbm4b:s2+s3] =	stream.linear.scatter [tilespmem:s28], [sflag:$0x3], $0x80, $0x38;
	[tilespmem:$0x10C00] =	vst v63  }
0x1d5: {  	s2 =	sadd.s32 $0x40, s0;
	s28 =	simm.s32 $0x92E0  }
0x1d6: {  	[hbm4b:s2+s3] =	stream.linear.scatter [tilespmem:s28], [sflag:$0x3], $0x80, $0x38;
	[tilespmem:$0x10C00] =	vst v63  }
0x1d7: {  	s2 =	sadd.s32 $0x50, s0;
	s28 =	simm.s32 $0x9368  }
0x1d8: {  	[hbm4b:s2+s3] =	stream.linear.scatter [tilespmem:s28], [sflag:$0x3], $0x80, $0x38;
	[tilespmem:$0x10C00] =	vst v63  }
0x1d9: {  	s2 =	sadd.s32 $0x60, s0;
	s28 =	simm.s32 $0x93F0  }
0x1da: {  	[hbm4b:s2+s3] =	stream.linear.scatter [tilespmem:s28], [sflag:$0x3], $0x80, $0x38;
	[tilespmem:$0x10C00] =	vst v63  }
0x1db: {  	s2 =	sadd.s32 $0x70, s0;
	s28 =	simm.s32 $0x9478  }
0x1dc: {  	[hbm4b:s2+s3] =	stream.linear.scatter [tilespmem:s28], [sflag:$0x3], $0x80, $0x38;
	[tilespmem:$0x10C00] =	vst v63  }
0x1dd: {  	s2 =	sadd.s32 $0x80, s0;
	s28 =	simm.s32 $0xA1C0  }
0x1de: {  	[hbm4b:s2+s3] =	stream.linear.scatter [tilespmem:s28], [sflag:$0x3], $0x80, $0x38;
	[tilespmem:$0x10C00] =	vst v63  }
0x1df: {  	s2 =	sadd.s32 $0x90, s0;
	s28 =	simm.s32 $0xA248  }
0x1e0: {  	[hbm4b:s2+s3] =	stream.linear.scatter [tilespmem:s28], [sflag:$0x3], $0x80, $0x38;
	[tilespmem:$0x10C00] =	vst v63  }
0x1e1: {  	s2 =	sadd.s32 $0xA0, s0;
	s28 =	simm.s32 $0xA2D0  }
0x1e2: {  	[hbm4b:s2+s3] =	stream.linear.scatter [tilespmem:s28], [sflag:$0x3], $0x80, $0x38;
	[tilespmem:$0x10C00] =	vst v63  }
0x1e3: {  	s2 =	sadd.s32 $0xB0, s0;
	s28 =	simm.s32 $0xA358  }
0x1e4: {  	[hbm4b:s2+s3] =	stream.linear.scatter [tilespmem:s28], [sflag:$0x3], $0x80, $0x38;
	[tilespmem:$0x10C00] =	vst v63  }
0x1e5: {  	s2 =	sadd.s32 $0xC0, s0;
	s28 =	simm.s32 $0xA3E0  }
0x1e6: {  	[hbm4b:s2+s3] =	stream.linear.scatter [tilespmem:s28], [sflag:$0x3], $0x80, $0x38;
	[tilespmem:$0x10C00] =	vst v63  }
0x1e7: {  	s2 =	sadd.s32 $0xD0, s0;
	s28 =	simm.s32 $0xA468  }
0x1e8: {  	[hbm4b:s2+s3] =	stream.linear.scatter [tilespmem:s28], [sflag:$0x3], $0x80, $0x38;
	[tilespmem:$0x10C00] =	vst v63  }
0x1e9: {  	s2 =	sadd.s32 $0xE0, s0;
	s28 =	simm.s32 $0xA4F0  }
0x1ea: {  	[hbm4b:s2+s3] =	stream.linear.scatter [tilespmem:s28], [sflag:$0x3], $0x80, $0x38;
	[tilespmem:$0x10C00] =	vst v63  }
0x1eb: {  	s2 =	sadd.s32 $0xF0, s0;
	s28 =	simm.s32 $0xA578  }
0x1ec: {  	[hbm4b:s2+s3] =	stream.linear.scatter [tilespmem:s28], [sflag:$0x3], $0x80, $0x38;
	[tilespmem:$0x10C00] =	vst v63  }
0x1ed: {  	s2 =	sadd.s32 $0x100, s0;
	s28 =	simm.s32 $0xB2C0  }
0x1ee: {  	[hbm4b:s2+s3] =	stream.linear.scatter [tilespmem:s28], [sflag:$0x3], $0x80, $0x38;
	[tilespmem:$0x10C00] =	vst v63  }
0x1ef: {  	s2 =	sadd.s32 $0x110, s0;
	s28 =	simm.s32 $0xB348  }
0x1f0: {  	[hbm4b:s2+s3] =	stream.linear.scatter [tilespmem:s28], [sflag:$0x3], $0x80, $0x38;
	[tilespmem:$0x10C00] =	vst v63  }
0x1f1: {  	s2 =	sadd.s32 $0x120, s0;
	s28 =	simm.s32 $0xB3D0  }
0x1f2: {  	[hbm4b:s2+s3] =	stream.linear.scatter [tilespmem:s28], [sflag:$0x3], $0x80, $0x38;
	[tilespmem:$0x10C00] =	vst v63  }
0x1f3: {  	s2 =	sadd.s32 $0x130, s0;
	s28 =	simm.s32 $0xB458  }
0x1f4: {  	[hbm4b:s2+s3] =	stream.linear.scatter [tilespmem:s28], [sflag:$0x3], $0x80, $0x38;
	[tilespmem:$0x10C00] =	vst v63  }
0x1f5: {  	s2 =	sadd.s32 $0x140, s0;
	s28 =	simm.s32 $0xB4E0  }
0x1f6: {  	[hbm4b:s2+s3] =	stream.linear.scatter [tilespmem:s28], [sflag:$0x3], $0x80, $0x38;
	[tilespmem:$0x10C00] =	vst v63  }
0x1f7: {  	s2 =	sadd.s32 $0x150, s0;
	s28 =	simm.s32 $0xB568  }
0x1f8: {  	[hbm4b:s2+s3] =	stream.linear.scatter [tilespmem:s28], [sflag:$0x3], $0x80, $0x38;
	[tilespmem:$0x10C00] =	vst v63  }
0x1f9: {  	s2 =	sadd.s32 $0x160, s0;
	s28 =	simm.s32 $0xB5F0  }
0x1fa: {  	[hbm4b:s2+s3] =	stream.linear.scatter [tilespmem:s28], [sflag:$0x3], $0x80, $0x38;
	[tilespmem:$0x10C00] =	vst v63  }
0x1fb: {  	s2 =	sadd.s32 $0x170, s0;
	s28 =	simm.s32 $0xB678  }
0x1fc: {  	[hbm4b:s2+s3] =	stream.linear.scatter [tilespmem:s28], [sflag:$0x3], $0x80, $0x38;
	[tilespmem:$0x10C00] =	vst v63  }
0x1fd: {  	s2 =	sadd.s32 $0x180, s0;
	s28 =	simm.s32 $0xC3C0  }
0x1fe: {  	[hbm4b:s2+s3] =	stream.linear.scatter [tilespmem:s28], [sflag:$0x3], $0x80, $0x38;
	[tilespmem:$0x10C00] =	vst v63  }
0x1ff: {  	s2 =	sadd.s32 $0x190, s0;
	s28 =	simm.s32 $0xC448  }
0x200: {  	[hbm4b:s2+s3] =	stream.linear.scatter [tilespmem:s28], [sflag:$0x3], $0x80, $0x38;
	[tilespmem:$0x10C00] =	vst v63  }
0x201: {  	s2 =	sadd.s32 $0x1A0, s0;
	s28 =	simm.s32 $0xC4D0  }
0x202: {  	[hbm4b:s2+s3] =	stream.linear.scatter [tilespmem:s28], [sflag:$0x3], $0x80, $0x38;
	[tilespmem:$0x10C00] =	vst v63  }
0x203: {  	s2 =	sadd.s32 $0x1B0, s0;
	s28 =	simm.s32 $0xC558  }
0x204: {  	[hbm4b:s2+s3] =	stream.linear.scatter [tilespmem:s28], [sflag:$0x3], $0x80, $0x38;
	[tilespmem:$0x10C00] =	vst v63  }
0x205: {  	s2 =	sadd.s32 $0x1C0, s0;
	s28 =	simm.s32 $0xC5E0  }
0x206: {  	[hbm4b:s2+s3] =	stream.linear.scatter [tilespmem:s28], [sflag:$0x3], $0x80, $0x38;
	[tilespmem:$0x10C00] =	vst v63  }
0x207: {  	s2 =	sadd.s32 $0x1D0, s0;
	s28 =	simm.s32 $0xC668  }
0x208: {  	[hbm4b:s2+s3] =	stream.linear.scatter [tilespmem:s28], [sflag:$0x3], $0x80, $0x38;
	[tilespmem:$0x10C00] =	vst v63  }
0x209: {  	s2 =	sadd.s32 $0x1E0, s0;
	s28 =	simm.s32 $0xC6F0  }
0x20a: {  	[hbm4b:s2+s3] =	stream.linear.scatter [tilespmem:s28], [sflag:$0x3], $0x80, $0x38;
	[tilespmem:$0x10C00] =	vst v63  }
0x20b: {  	p1 =	sne.s32 s7, $0x63;
	s0 =	sadd.s32 $0x1F0, s0;
	s2 =	simm.s32 $0xC778  }
0x20c: {  	[hbm4b:s0+s3] =	stream.linear.scatter [tilespmem:s2], [sflag:$0x3], $0x80, $0x38;
	[tilespmem:$0x10C00] =	vst v63  }
0x20d: {  	s0 =	simm.s32 @p1 $0x5  }
0x20e: {  	_ =	swait.ge @p1 [sflag:s0], $0x200  }
0x20f: {  	s28 =	simm.s32 @p1 $0x400;
	[sflag:s0] =	ssyncset.done @p1 $0x0  }
0x210: {  	s2 =	simm.s32 @p1 $0x0;
	[sflag:s0] =	ssyncadd.s32 @p1 $0xFFFFFE00;
	s0 =	simm.s32 @p1 $0x80  }
0x211: {  	[tilespmem:s28], [sflag:$0x1] =	stream.indirect.gather @p1 [hbm4b:s5+s0], $0x20, s2, s0, $0xb8;
	[tilespmem:$0x10C00] =	vst v63  }
0x212: {  	s28 =	simm.s32 @p1 $0x1400  }
0x213: {  	[tilespmem:s28], [sflag:$0x1] =	stream.indirect.gather @p1 [hbm4b:s5+s0], $0x20, s0, s0, $0xb8;
	[tilespmem:$0x10C00] =	vst v63  }
0x214: {  	s30 =	simm.s32 @p1 $0x2400;
	s28 =	simm.s32 @p1 $0x100  }
0x215: {  	[tilespmem:s30], [sflag:$0x1] =	stream.indirect.gather @p1 [hbm4b:s5+s0], $0x20, s28, s0, $0xb8;
	[tilespmem:$0x10C00] =	vst v63  }
0x216: {  	s28 =	simm.s32 @p1 $0x180;
	s30 =	simm.s32 @p1 $0x3400  }
0x217: {  	[tilespmem:s30], [sflag:$0x1] =	stream.indirect.gather @p1 [hbm4b:s5+s0], $0x20, s28, s0, $0xb8;
	[tilespmem:$0x10C00] =	vst v63  }
0x218: {  	s0 =	simm.s32 @p1 $0x2;
	s28 =	sshll.u32 @p1 s7, $0xF  }
0x219: {  	_ =	swait.ge @p1 [sflag:s0], $0x4000;
	s28 =	sadd.s32 @p1 s10, s28  }
0x21a: {  	[sflag:s0] =	ssyncset.done @p1 $0x0;
	s28 =	sshrl.u32 @p1 s28, $0x3  }
0x21b: {  	[sflag:s0] =	ssyncadd.s32 @p1 $0xFFFFC000;
	s0 =	sadd.s32 @p1 s4, s28;
	s28 =	simm.s32 @p1 $0x200  }
0x21c: {  	[tilespmem:s28], [sflag:$0x6] =	stream.linear.gather @p1 [hbm4b:s0+s2], $0x200, $0x38;
	[tilespmem:$0x10C00] =	vst v63  }
0x21d: {  	s0 =	simm.s32 @!p1 $0x2  }
0x21e: {  	_ =	swait.ge @!p1 [sflag:s0], $0x4000  }
0x21f: {  	[sflag:s0] =	ssyncset.done @!p1 $0x0  }
0x220: {  	[sflag:s0] =	ssyncadd.s32 @!p1 $0xFFFFC000;
	s0 =	simm.s32 @!p0 $0x4  }
0x221: {  	_ =	swait.ge @!p0 [sflag:s0], $0x1000  }
0x222: {  	[sflag:s0] =	ssyncset.done @!p0 $0x0  }
0x223: {  	[sflag:s0] =	ssyncadd.s32 @!p0 $0xFFFFF000  }
0x224: {  	_ =	swait.ge @!p0 [sflag:s0], $0x1000  }
0x225: {  	[sflag:s0] =	ssyncset.done @!p0 $0x0  }
0x226: {  	s2 =	simm.s32 $0x0;
	s28 =	simm.s32 $0x0;
	[sflag:s0] =	ssyncadd.s32 @!p0 $0xFFFFF000  }
0x227: {  	s2 =	sand.u32 $0x70, s2;
	v3 =	vmov s28;
	_ =	swait.ge @!p0 [sflag:s0], $0x1000  }
0x228: {  	v4 =	vmov s2;
	v3 =	vmul.u32 $0x1100, v3;
	[sflag:s0] =	ssyncset.done @!p0 $0x0  }
0x229: {  	v4 =	vshrl.u32 v4, $0x3;
	[sflag:s0] =	ssyncadd.s32 @!p0 $0xFFFFF000  }
0x22a: {  	v3 =	vbroadcast v3, $0x0;
	v4 =	vshll.u32 v4, v1;
	_ =	swait.ge @!p0 [sflag:s0], $0x1000  }
0x22b: {  	v4 =	vbroadcast v4, $0x0;
	[sflag:s0] =	ssyncset.done @!p0 $0x0  }
0x22c: {  	s30 =	simm.s32 $0x4500;
	v5 =	vadd.s32 v0, v3;
	[sflag:s0] =	ssyncadd.s32 @!p0 $0xFFFFF000  }
0x22d: {  	v3 =	vadd.s32 v2, v3;
	v7 =	vadd.s32 v5, v4;
	v6 =	vld [tilespmem:s30+$0xFFFFFF00]  }
0x22e: {  	v4 =	vadd.s32 v3, v4;
	v8 =	vld [tilespmem:s30+$0xFFFFFF10];
	_ =	sdelay $0x3  }
0x22f: {  	[tilespmem:v7+s1+$0x0] =	vst.idx.msk $0xffff, v6  }
0x230: {  	[tilespmem:v4+s1+$0x0] =	vst.idx.msk $0xffff, v8  }
0x231: {  	v8 =	vor.u32 $0x1, v7;
	v6 =	vld [tilespmem:s30+$0xFFFFFF20]  }
0x232: {  	v55 =	vor.u32 $0x1, v4;
	v54 =	vld [tilespmem:s30+$0xFFFFFF30];
	_ =	sdelay $0x3  }
0x233: {  	[tilespmem:v8+s1+$0x0] =	vst.idx.msk $0xffff, v6  }
0x234: {  	[tilespmem:v55+s1+$0x0] =	vst.idx.msk $0xffff, v54  }
0x235: {  	v8 =	vor.u32 $0x2, v7;
	v6 =	vld [tilespmem:s30+$0xFFFFFF40]  }
0x236: {  	v56 =	vor.u32 $0x2, v4;
	v9 =	vld [tilespmem:s30+$0xFFFFFF50];
	_ =	sdelay $0x3  }
0x237: {  	[tilespmem:v8+s1+$0x0] =	vst.idx.msk $0xffff, v6  }
0x238: {  	[tilespmem:v56+s1+$0x0] =	vst.idx.msk $0xffff, v9  }
0x239: {  	v8 =	vor.u32 $0x3, v7;
	v6 =	vld [tilespmem:s30+$0xFFFFFF60]  }
0x23a: {  	v57 =	vor.u32 $0x3, v4;
	v9 =	vld [tilespmem:s30+$0xFFFFFF70];
	_ =	sdelay $0x3  }
0x23b: {  	[tilespmem:v8+s1+$0x0] =	vst.idx.msk $0xffff, v6  }
0x23c: {  	[tilespmem:v57+s1+$0x0] =	vst.idx.msk $0xffff, v9  }
0x23d: {  	v8 =	vor.u32 $0x4, v7;
	v6 =	vld [tilespmem:s30+$0xFFFFFF80]  }
0x23e: {  	v58 =	vor.u32 $0x4, v4;
	v9 =	vld [tilespmem:s30+$0xFFFFFF90];
	_ =	sdelay $0x3  }
0x23f: {  	[tilespmem:v8+s1+$0x0] =	vst.idx.msk $0xffff, v6  }
0x240: {  	[tilespmem:v58+s1+$0x0] =	vst.idx.msk $0xffff, v9  }
0x241: {  	v8 =	vor.u32 $0x5, v7;
	v6 =	vld [tilespmem:s30+$0xFFFFFFA0]  }
0x242: {  	v59 =	vor.u32 $0x5, v4;
	v9 =	vld [tilespmem:s30+$0xFFFFFFB0];
	_ =	sdelay $0x3  }
0x243: {  	[tilespmem:v8+s1+$0x0] =	vst.idx.msk $0xffff, v6  }
0x244: {  	[tilespmem:v59+s1+$0x0] =	vst.idx.msk $0xffff, v9  }
0x245: {  	v8 =	vor.u32 $0x6, v7;
	v6 =	vld [tilespmem:s30+$0xFFFFFFC0]  }
0x246: {  	v60 =	vor.u32 $0x6, v4;
	v9 =	vld [tilespmem:s30+$0xFFFFFFD0];
	_ =	sdelay $0x3  }
0x247: {  	[tilespmem:v8+s1+$0x0] =	vst.idx.msk $0xffff, v6  }
0x248: {  	[tilespmem:v60+s1+$0x0] =	vst.idx.msk $0xffff, v9  }
0x249: {  	v7 =	vor.u32 $0x7, v7;
	v6 =	vld [tilespmem:s30+$0xFFFFFFE0]  }
0x24a: {  	s2 =	sor.u32 $0x8, s2;
	v4 =	vor.u32 $0x7, v4;
	v8 =	vld [tilespmem:s30+$0xFFFFFFF0]  }
0x24b: {  	v61 =	vmov s2  }
0x24c: {  	v9 =	vshrl.u32 v61, $0x3  }
0x24d: {  	v9 =	vshll.u32 v9, v1  }
0x24e: {  	[tilespmem:v7+s1+$0x0] =	vst.idx.msk $0xffff, v6;
	v6 =	vbroadcast v9, $0x0  }
0x24f: {  	[tilespmem:v4+s1+$0x0] =	vst.idx.msk $0xffff, v8  }
0x250: {  	v4 =	vld [tilespmem:s30+$0x0];
	v5 =	vadd.s32 v5, v6  }
0x251: {  	v7 =	vld [tilespmem:s30+$0x10];
	v3 =	vadd.s32 v3, v6;
	_ =	sdelay $0x3  }
0x252: {  	[tilespmem:v5+s1+$0x0] =	vst.idx.msk $0xffff, v4  }
0x253: {  	[tilespmem:v3+s1+$0x0] =	vst.idx.msk $0xffff, v7  }
0x254: {  	v6 =	vor.u32 $0x1, v5;
	v4 =	vld [tilespmem:s30+$0x20]  }
0x255: {  	v8 =	vor.u32 $0x1, v3;
	v7 =	vld [tilespmem:s30+$0x30];
	_ =	sdelay $0x3  }
0x256: {  	[tilespmem:v6+s1+$0x0] =	vst.idx.msk $0xffff, v4  }
0x257: {  	[tilespmem:v8+s1+$0x0] =	vst.idx.msk $0xffff, v7  }
0x258: {  	v6 =	vor.u32 $0x2, v5;
	v4 =	vld [tilespmem:s30+$0x40]  }
0x259: {  	v8 =	vor.u32 $0x2, v3;
	v7 =	vld [tilespmem:s30+$0x50];
	_ =	sdelay $0x3  }
0x25a: {  	[tilespmem:v6+s1+$0x0] =	vst.idx.msk $0xffff, v4  }
0x25b: {  	[tilespmem:v8+s1+$0x0] =	vst.idx.msk $0xffff, v7  }
0x25c: {  	v6 =	vor.u32 $0x3, v5;
	v4 =	vld [tilespmem:s30+$0x60]  }
0x25d: {  	v8 =	vor.u32 $0x3, v3;
	v7 =	vld [tilespmem:s30+$0x70];
	_ =	sdelay $0x3  }
0x25e: {  	[tilespmem:v6+s1+$0x0] =	vst.idx.msk $0xffff, v4  }
0x25f: {  	[tilespmem:v8+s1+$0x0] =	vst.idx.msk $0xffff, v7  }
0x260: {  	v6 =	vor.u32 $0x4, v5;
	v4 =	vld [tilespmem:s30+$0x80]  }
0x261: {  	v8 =	vor.u32 $0x4, v3;
	v7 =	vld [tilespmem:s30+$0x90];
	_ =	sdelay $0x3  }
0x262: {  	[tilespmem:v6+s1+$0x0] =	vst.idx.msk $0xffff, v4  }
0x263: {  	[tilespmem:v8+s1+$0x0] =	vst.idx.msk $0xffff, v7  }
0x264: {  	v6 =	vor.u32 $0x5, v5;
	v4 =	vld [tilespmem:s30+$0xA0]  }
0x265: {  	v8 =	vor.u32 $0x5, v3;
	v7 =	vld [tilespmem:s30+$0xB0];
	_ =	sdelay $0x3  }
0x266: {  	[tilespmem:v6+s1+$0x0] =	vst.idx.msk $0xffff, v4  }
0x267: {  	[tilespmem:v8+s1+$0x0] =	vst.idx.msk $0xffff, v7  }
0x268: {  	v6 =	vor.u32 $0x6, v5;
	v4 =	vld [tilespmem:s30+$0xC0]  }
0x269: {  	v8 =	vor.u32 $0x6, v3;
	v7 =	vld [tilespmem:s30+$0xD0];
	_ =	sdelay $0x3  }
0x26a: {  	[tilespmem:v6+s1+$0x0] =	vst.idx.msk $0xffff, v4  }
0x26b: {  	s28 =	simm.s32 $0x10;
	[tilespmem:v8+s1+$0x0] =	vst.idx.msk $0xffff, v7  }
0x26c: {  	s2 =	sand.u32 $0x70, s28;
	s0 =	simm.s32 $0x0;
	v62 =	vor.u32 $0x7, v5;
	v8 =	vld [tilespmem:s30+$0xE0]  }
0x26d: {  	v5 =	vmov s2;
	v4 =	vmov s0  }
0x26e: {  	s2 =	sor.u32 $0x8, s2;
	v6 =	vmul.u32 $0x1100, v4;
	v7 =	vshrl.u32 v5, $0x3;
	v5 =	vor.u32 $0x7, v3;
	v4 =	vld [tilespmem:s30+$0xF0]  }
0x26f: {  	v63 =	vmov s2  }
0x270: {  	v10 =	vshrl.u32 v63, $0x3;
	v3 =	vshll.u32 v7, v1  }
0x271: {  	s31 =	simm.s32 $0x2;
	v6 =	vbroadcast v6, $0x0;
	v7 =	vbroadcast v3, $0x0;
	v3 =	vshll.u32 v10, v1;
	[tilespmem:v62+s1+$0x0] =	vst.idx.msk $0xffff, v8  }
.LBB2_8:
0x272: {  	p0 =	sne.s32 s31, $0x1F  }
0x273: {  	v8 =	vadd.s32 v0, v6;
	[tilespmem:v5+s1+$0x0] =	vst.idx.msk $0xffff, v4;
	s30 =	sadd.s32 $0x200, s30;
	s0 =	smov.u32 s31;
	s31 =	sadd.s32 $0x1, s31  }
0x274: {  	v6 =	vadd.s32 v2, v6;
	v4 =	vld [tilespmem:s30+$0xFFFFFF00];
	v5 =	vadd.s32 v8, v7  }
0x275: {  	v7 =	vadd.s32 v6, v7;
	v9 =	vld [tilespmem:s30+$0xFFFFFF10];
	_ =	sdelay $0x3  }
0x276: {  	[tilespmem:v5+s1+$0x0] =	vst.idx.msk $0xffff, v4  }
0x277: {  	[tilespmem:v7+s1+$0x0] =	vst.idx.msk $0xffff, v9  }
0x278: {  	v9 =	vor.u32 $0x1, v5;
	v4 =	vld [tilespmem:s30+$0xFFFFFF20]  }
0x279: {  	v11 =	vor.u32 $0x1, v7;
	v10 =	vld [tilespmem:s30+$0xFFFFFF30];
	_ =	sdelay $0x3  }
0x27a: {  	[tilespmem:v9+s1+$0x0] =	vst.idx.msk $0xffff, v4  }
0x27b: {  	[tilespmem:v11+s1+$0x0] =	vst.idx.msk $0xffff, v10  }
0x27c: {  	v9 =	vor.u32 $0x2, v5;
	v4 =	vld [tilespmem:s30+$0xFFFFFF40]  }
0x27d: {  	v11 =	vor.u32 $0x2, v7;
	v10 =	vld [tilespmem:s30+$0xFFFFFF50];
	_ =	sdelay $0x3  }
0x27e: {  	[tilespmem:v9+s1+$0x0] =	vst.idx.msk $0xffff, v4  }
0x27f: {  	[tilespmem:v11+s1+$0x0] =	vst.idx.msk $0xffff, v10  }
0x280: {  	v9 =	vor.u32 $0x3, v5;
	v4 =	vld [tilespmem:s30+$0xFFFFFF60]  }
0x281: {  	v11 =	vor.u32 $0x3, v7;
	v10 =	vld [tilespmem:s30+$0xFFFFFF70];
	_ =	sdelay $0x3  }
0x282: {  	[tilespmem:v9+s1+$0x0] =	vst.idx.msk $0xffff, v4  }
0x283: {  	[tilespmem:v11+s1+$0x0] =	vst.idx.msk $0xffff, v10  }
0x284: {  	v9 =	vor.u32 $0x4, v5;
	v4 =	vld [tilespmem:s30+$0xFFFFFF80]  }
0x285: {  	v11 =	vor.u32 $0x4, v7;
	v10 =	vld [tilespmem:s30+$0xFFFFFF90];
	_ =	sdelay $0x3  }
0x286: {  	[tilespmem:v9+s1+$0x0] =	vst.idx.msk $0xffff, v4  }
0x287: {  	[tilespmem:v11+s1+$0x0] =	vst.idx.msk $0xffff, v10  }
0x288: {  	v9 =	vor.u32 $0x5, v5;
	v4 =	vld [tilespmem:s30+$0xFFFFFFA0]  }
0x289: {  	v11 =	vor.u32 $0x5, v7;
	v10 =	vld [tilespmem:s30+$0xFFFFFFB0];
	_ =	sdelay $0x3  }
0x28a: {  	[tilespmem:v9+s1+$0x0] =	vst.idx.msk $0xffff, v4  }
0x28b: {  	[tilespmem:v11+s1+$0x0] =	vst.idx.msk $0xffff, v10  }
0x28c: {  	v9 =	vor.u32 $0x6, v5;
	v4 =	vld [tilespmem:s30+$0xFFFFFFC0]  }
0x28d: {  	v11 =	vor.u32 $0x6, v7;
	v10 =	vld [tilespmem:s30+$0xFFFFFFD0];
	_ =	sdelay $0x3  }
0x28e: {  	[tilespmem:v9+s1+$0x0] =	vst.idx.msk $0xffff, v4  }
0x28f: {  	[tilespmem:v11+s1+$0x0] =	vst.idx.msk $0xffff, v10  }
0x290: {  	v5 =	vor.u32 $0x7, v5;
	v4 =	vld [tilespmem:s30+$0xFFFFFFE0]  }
0x291: {  	v7 =	vor.u32 $0x7, v7;
	v9 =	vld [tilespmem:s30+$0xFFFFFFF0];
	_ =	sdelay $0x3  }
0x292: {  	v3 =	vbroadcast v3, $0x0;
	[tilespmem:v5+s1+$0x0] =	vst.idx.msk $0xffff, v4  }
0x293: {  	[tilespmem:v7+s1+$0x0] =	vst.idx.msk $0xffff, v9  }
0x294: {  	v5 =	vadd.s32 v8, v3;
	v4 =	vld [tilespmem:s30+$0x0]  }
0x295: {  	v3 =	vadd.s32 v6, v3;
	v7 =	vld [tilespmem:s30+$0x10];
	_ =	sdelay $0x3  }
0x296: {  	[tilespmem:v5+s1+$0x0] =	vst.idx.msk $0xffff, v4  }
0x297: {  	[tilespmem:v3+s1+$0x0] =	vst.idx.msk $0xffff, v7  }
0x298: {  	v6 =	vor.u32 $0x1, v5;
	v4 =	vld [tilespmem:s30+$0x20]  }
0x299: {  	v8 =	vor.u32 $0x1, v3;
	v7 =	vld [tilespmem:s30+$0x30];
	_ =	sdelay $0x3  }
0x29a: {  	[tilespmem:v6+s1+$0x0] =	vst.idx.msk $0xffff, v4  }
0x29b: {  	[tilespmem:v8+s1+$0x0] =	vst.idx.msk $0xffff, v7  }
0x29c: {  	v6 =	vor.u32 $0x2, v5;
	v4 =	vld [tilespmem:s30+$0x40]  }
0x29d: {  	v8 =	vor.u32 $0x2, v3;
	v7 =	vld [tilespmem:s30+$0x50];
	_ =	sdelay $0x3  }
0x29e: {  	[tilespmem:v6+s1+$0x0] =	vst.idx.msk $0xffff, v4  }
0x29f: {  	[tilespmem:v8+s1+$0x0] =	vst.idx.msk $0xffff, v7  }
0x2a0: {  	v6 =	vor.u32 $0x3, v5;
	v4 =	vld [tilespmem:s30+$0x60]  }
0x2a1: {  	v8 =	vor.u32 $0x3, v3;
	v7 =	vld [tilespmem:s30+$0x70];
	_ =	sdelay $0x3  }
0x2a2: {  	[tilespmem:v6+s1+$0x0] =	vst.idx.msk $0xffff, v4  }
0x2a3: {  	[tilespmem:v8+s1+$0x0] =	vst.idx.msk $0xffff, v7  }
0x2a4: {  	v6 =	vor.u32 $0x4, v5;
	v4 =	vld [tilespmem:s30+$0x80]  }
0x2a5: {  	v8 =	vor.u32 $0x4, v3;
	v7 =	vld [tilespmem:s30+$0x90];
	_ =	sdelay $0x3  }
0x2a6: {  	[tilespmem:v6+s1+$0x0] =	vst.idx.msk $0xffff, v4  }
0x2a7: {  	[tilespmem:v8+s1+$0x0] =	vst.idx.msk $0xffff, v7  }
0x2a8: {  	v6 =	vor.u32 $0x5, v5;
	v4 =	vld [tilespmem:s30+$0xA0]  }
0x2a9: {  	v8 =	vor.u32 $0x5, v3;
	v7 =	vld [tilespmem:s30+$0xB0];
	_ =	sdelay $0x3  }
0x2aa: {  	[tilespmem:v6+s1+$0x0] =	vst.idx.msk $0xffff, v4  }
0x2ab: {  	[tilespmem:v8+s1+$0x0] =	vst.idx.msk $0xffff, v7  }
0x2ac: {  	v6 =	vor.u32 $0x6, v5;
	v4 =	vld [tilespmem:s30+$0xC0]  }
0x2ad: {  	v8 =	vor.u32 $0x6, v3;
	v7 =	vld [tilespmem:s30+$0xD0];
	_ =	sdelay $0x3  }
0x2ae: {  	[tilespmem:v6+s1+$0x0] =	vst.idx.msk $0xffff, v4  }
0x2af: {  	[tilespmem:v8+s1+$0x0] =	vst.idx.msk $0xffff, v7  }
0x2b0: {  	s28 =	sadd.s32 $0x10, s28;
	s0 =	sshrl.u32 s0, $0x3;
	v9 =	vor.u32 $0x7, v5;
	v8 =	vld [tilespmem:s30+$0xE0]  }
.Ltmp3:
0x2b1: {  	s2 =	sand.u32 $0x70, s28;
	v5 =	vor.u32 $0x7, v3;
	v6 =	vmov s0;
	v4 =	vld [tilespmem:s30+$0xF0];
	(pc) =	sbr.rel @p0 .LBB2_8-.Ltmp3, $4  }
0x2b2: {  	v3 =	vmov s2;
	s0 =	sor.u32 $0x8, s2;
	v6 =	vmul.u32 $0x1100, v6  }
0x2b3: {  	v3 =	vshrl.u32 v3, $0x3;
	v7 =	vmov s0  }
0x2b4: {  	v3 =	vshll.u32 v3, v1;
	v10 =	vshrl.u32 v7, $0x3;
	v6 =	vbroadcast v6, $0x0  }
0x2b5: {  	v7 =	vbroadcast v3, $0x0;
	v3 =	vshll.u32 v10, v1;
	[tilespmem:v9+s1+$0x0] =	vst.idx.msk $0xffff, v8  }
0x2b6: {  	_ =	sdelay $0x3  }
0x2b7: {  	v8 =	vadd.s32 v0, v6;
	[tilespmem:v5+s1+$0x0] =	vst.idx.msk $0xffff, v4;
	s0 =	sadd.s32 $0x200, s30  }
0x2b8: {  	v38 =	vadd.s32 v2, v6;
	v4 =	vld [tilespmem:s0+$0xFFFFFF00];
	v37 =	vadd.s32 v8, v7  }
0x2b9: {  	v9 =	vld [tilespmem:s0+$0xFFFFFF10];
	v39 =	vadd.s32 v38, v7;
	_ =	sdelay $0x3  }
0x2ba: {  	[tilespmem:v37+s1+$0x0] =	vst.idx.msk $0xffff, v4  }
0x2bb: {  	[tilespmem:v39+s1+$0x0] =	vst.idx.msk $0xffff, v9  }
0x2bc: {  	v40 =	vor.u32 $0x1, v37;
	v4 =	vld [tilespmem:s0+$0xFFFFFF20]  }
0x2bd: {  	v11 =	vor.u32 $0x1, v39;
	v10 =	vld [tilespmem:s0+$0xFFFFFF30];
	_ =	sdelay $0x3  }
0x2be: {  	[tilespmem:v40+s1+$0x0] =	vst.idx.msk $0xffff, v4  }
0x2bf: {  	[tilespmem:v11+s1+$0x0] =	vst.idx.msk $0xffff, v10  }
0x2c0: {  	v41 =	vor.u32 $0x2, v37;
	v4 =	vld [tilespmem:s0+$0xFFFFFF40]  }
0x2c1: {  	v42 =	vor.u32 $0x2, v39;
	v10 =	vld [tilespmem:s0+$0xFFFFFF50];
	_ =	sdelay $0x3  }
0x2c2: {  	[tilespmem:v41+s1+$0x0] =	vst.idx.msk $0xffff, v4  }
0x2c3: {  	[tilespmem:v42+s1+$0x0] =	vst.idx.msk $0xffff, v10  }
0x2c4: {  	v43 =	vor.u32 $0x3, v37;
	v4 =	vld [tilespmem:s0+$0xFFFFFF60]  }
0x2c5: {  	v44 =	vor.u32 $0x3, v39;
	v10 =	vld [tilespmem:s0+$0xFFFFFF70];
	_ =	sdelay $0x3  }
0x2c6: {  	[tilespmem:v43+s1+$0x0] =	vst.idx.msk $0xffff, v4  }
0x2c7: {  	[tilespmem:v44+s1+$0x0] =	vst.idx.msk $0xffff, v10  }
0x2c8: {  	v45 =	vor.u32 $0x4, v37;
	v4 =	vld [tilespmem:s0+$0xFFFFFF80]  }
0x2c9: {  	v46 =	vor.u32 $0x4, v39;
	v10 =	vld [tilespmem:s0+$0xFFFFFF90];
	_ =	sdelay $0x3  }
0x2ca: {  	[tilespmem:v45+s1+$0x0] =	vst.idx.msk $0xffff, v4  }
0x2cb: {  	[tilespmem:v46+s1+$0x0] =	vst.idx.msk $0xffff, v10  }
0x2cc: {  	v47 =	vor.u32 $0x5, v37;
	v4 =	vld [tilespmem:s0+$0xFFFFFFA0]  }
0x2cd: {  	v48 =	vor.u32 $0x5, v39;
	v10 =	vld [tilespmem:s0+$0xFFFFFFB0];
	_ =	sdelay $0x3  }
0x2ce: {  	[tilespmem:v47+s1+$0x0] =	vst.idx.msk $0xffff, v4  }
0x2cf: {  	[tilespmem:v48+s1+$0x0] =	vst.idx.msk $0xffff, v10  }
0x2d0: {  	v49 =	vor.u32 $0x6, v37;
	v4 =	vld [tilespmem:s0+$0xFFFFFFC0]  }
0x2d1: {  	v50 =	vor.u32 $0x6, v39;
	v10 =	vld [tilespmem:s0+$0xFFFFFFD0];
	_ =	sdelay $0x3  }
0x2d2: {  	[tilespmem:v49+s1+$0x0] =	vst.idx.msk $0xffff, v4  }
0x2d3: {  	[tilespmem:v50+s1+$0x0] =	vst.idx.msk $0xffff, v10  }
0x2d4: {  	v5 =	vor.u32 $0x7, v37;
	v4 =	vld [tilespmem:s0+$0xFFFFFFE0]  }
0x2d5: {  	v7 =	vor.u32 $0x7, v39;
	v9 =	vld [tilespmem:s0+$0xFFFFFFF0];
	_ =	sdelay $0x3  }
0x2d6: {  	v3 =	vbroadcast v3, $0x0;
	[tilespmem:v5+s1+$0x0] =	vst.idx.msk $0xffff, v4  }
0x2d7: {  	[tilespmem:v7+s1+$0x0] =	vst.idx.msk $0xffff, v9  }
0x2d8: {  	v51 =	vadd.s32 v8, v3;
	v4 =	vld [tilespmem:s0+$0x0]  }
0x2d9: {  	v3 =	vadd.s32 v38, v3;
	v7 =	vld [tilespmem:s0+$0x10];
	_ =	sdelay $0x3  }
0x2da: {  	[tilespmem:v51+s1+$0x0] =	vst.idx.msk $0xffff, v4  }
0x2db: {  	[tilespmem:v3+s1+$0x0] =	vst.idx.msk $0xffff, v7  }
0x2dc: {  	v52 =	vor.u32 $0x1, v51;
	v4 =	vld [tilespmem:s0+$0x20]  }
0x2dd: {  	v53 =	vor.u32 $0x1, v3;
	v7 =	vld [tilespmem:s0+$0x30];
	_ =	sdelay $0x3  }
0x2de: {  	[tilespmem:v52+s1+$0x0] =	vst.idx.msk $0xffff, v4  }
0x2df: {  	[tilespmem:v53+s1+$0x0] =	vst.idx.msk $0xffff, v7  }
0x2e0: {  	v54 =	vor.u32 $0x2, v51;
	v4 =	vld [tilespmem:s0+$0x40]  }
0x2e1: {  	v55 =	vor.u32 $0x2, v3;
	v7 =	vld [tilespmem:s0+$0x50];
	_ =	sdelay $0x3  }
0x2e2: {  	[tilespmem:v54+s1+$0x0] =	vst.idx.msk $0xffff, v4  }
0x2e3: {  	[tilespmem:v55+s1+$0x0] =	vst.idx.msk $0xffff, v7  }
0x2e4: {  	v56 =	vor.u32 $0x3, v51;
	v4 =	vld [tilespmem:s0+$0x60]  }
0x2e5: {  	v57 =	vor.u32 $0x3, v3;
	v7 =	vld [tilespmem:s0+$0x70];
	_ =	sdelay $0x3  }
0x2e6: {  	[tilespmem:v56+s1+$0x0] =	vst.idx.msk $0xffff, v4  }
0x2e7: {  	[tilespmem:v57+s1+$0x0] =	vst.idx.msk $0xffff, v7  }
0x2e8: {  	v58 =	vor.u32 $0x4, v51;
	v4 =	vld [tilespmem:s0+$0x80]  }
0x2e9: {  	v59 =	vor.u32 $0x4, v3;
	v7 =	vld [tilespmem:s0+$0x90];
	_ =	sdelay $0x3  }
0x2ea: {  	[tilespmem:v58+s1+$0x0] =	vst.idx.msk $0xffff, v4  }
0x2eb: {  	[tilespmem:v59+s1+$0x0] =	vst.idx.msk $0xffff, v7  }
0x2ec: {  	v60 =	vor.u32 $0x5, v51;
	v4 =	vld [tilespmem:s0+$0xA0]  }
0x2ed: {  	v61 =	vor.u32 $0x5, v3;
	v7 =	vld [tilespmem:s0+$0xB0];
	_ =	sdelay $0x3  }
0x2ee: {  	[tilespmem:v60+s1+$0x0] =	vst.idx.msk $0xffff, v4  }
0x2ef: {  	[tilespmem:v61+s1+$0x0] =	vst.idx.msk $0xffff, v7  }
0x2f0: {  	v62 =	vor.u32 $0x6, v51;
	v4 =	vld [tilespmem:s0+$0xC0]  }
0x2f1: {  	v63 =	vor.u32 $0x6, v3;
	v7 =	vld [tilespmem:s0+$0xD0];
	_ =	sdelay $0x3  }
0x2f2: {  	[tilespmem:v62+s1+$0x0] =	vst.idx.msk $0xffff, v4  }
0x2f3: {  	[tilespmem:v63+s1+$0x0] =	vst.idx.msk $0xffff, v7  }
0x2f4: {  	v5 =	vor.u32 $0x7, v51;
	v4 =	vld [tilespmem:s0+$0xE0]  }
0x2f5: {  	v3 =	vor.u32 $0x7, v3;
	v6 =	vld [tilespmem:s0+$0xF0];
	_ =	sdelay $0x3  }
0x2f6: {  	[tilespmem:v5+s1+$0x0] =	vst.idx.msk $0xffff, v4  }
0x2f7: {  	s0 =	sadd.s32 s19, s14;
	[tilespmem:v3+s1+$0x0] =	vst.idx.msk $0xffff, v6  }
0x2f8: {  	[hbm4b:s0+s3] =	stream.linear.scatter [tilespmem:s1], [sflag:$0x4], $0x80, $0x38;
	[tilespmem:$0x10C00] =	vst v63  }
0x2f9: {  	s28 =	simm.s32 $0xC888;
	s2 =	sadd.s32 $0x10, s0  }
0x2fa: {  	[hbm4b:s2+s3] =	stream.linear.scatter [tilespmem:s28], [sflag:$0x4], $0x80, $0x38;
	[tilespmem:$0x10C00] =	vst v63  }
0x2fb: {  	s31 =	simm.s32 $0xC910;
	s30 =	sadd.s32 $0x20, s0  }
0x2fc: {  	[hbm4b:s30+s3] =	stream.linear.scatter [tilespmem:s31], [sflag:$0x4], $0x80, $0x38;
	[tilespmem:$0x10C00] =	vst v63  }
0x2fd: {  	s30 =	sadd.s32 $0x30, s0;
	s31 =	simm.s32 $0xC998  }
0x2fe: {  	[hbm4b:s30+s3] =	stream.linear.scatter [tilespmem:s31], [sflag:$0x4], $0x80, $0x38;
	[tilespmem:$0x10C00] =	vst v63  }
0x2ff: {  	s30 =	sadd.s32 $0x40, s0;
	s31 =	simm.s32 $0xCA20  }
0x300: {  	[hbm4b:s30+s3] =	stream.linear.scatter [tilespmem:s31], [sflag:$0x4], $0x80, $0x38;
	[tilespmem:$0x10C00] =	vst v63  }
0x301: {  	s30 =	sadd.s32 $0x50, s0;
	s31 =	simm.s32 $0xCAA8  }
0x302: {  	[hbm4b:s30+s3] =	stream.linear.scatter [tilespmem:s31], [sflag:$0x4], $0x80, $0x38;
	[tilespmem:$0x10C00] =	vst v63  }
0x303: {  	s30 =	sadd.s32 $0x60, s0;
	s31 =	simm.s32 $0xCB30  }
0x304: {  	[hbm4b:s30+s3] =	stream.linear.scatter [tilespmem:s31], [sflag:$0x4], $0x80, $0x38;
	[tilespmem:$0x10C00] =	vst v63  }
0x305: {  	s30 =	sadd.s32 $0x70, s0;
	s31 =	simm.s32 $0xCBB8  }
0x306: {  	[hbm4b:s30+s3] =	stream.linear.scatter [tilespmem:s31], [sflag:$0x4], $0x80, $0x38;
	[tilespmem:$0x10C00] =	vst v63  }
0x307: {  	s30 =	sadd.s32 $0x80, s0;
	s31 =	simm.s32 $0xD900  }
0x308: {  	[hbm4b:s30+s3] =	stream.linear.scatter [tilespmem:s31], [sflag:$0x4], $0x80, $0x38;
	[tilespmem:$0x10C00] =	vst v63  }
0x309: {  	s30 =	sadd.s32 $0x90, s0;
	s31 =	simm.s32 $0xD988  }
0x30a: {  	[hbm4b:s30+s3] =	stream.linear.scatter [tilespmem:s31], [sflag:$0x4], $0x80, $0x38;
	[tilespmem:$0x10C00] =	vst v63  }
0x30b: {  	s30 =	sadd.s32 $0xA0, s0;
	s31 =	simm.s32 $0xDA10  }
0x30c: {  	[hbm4b:s30+s3] =	stream.linear.scatter [tilespmem:s31], [sflag:$0x4], $0x80, $0x38;
	[tilespmem:$0x10C00] =	vst v63  }
0x30d: {  	s30 =	sadd.s32 $0xB0, s0;
	s31 =	simm.s32 $0xDA98  }
0x30e: {  	[hbm4b:s30+s3] =	stream.linear.scatter [tilespmem:s31], [sflag:$0x4], $0x80, $0x38;
	[tilespmem:$0x10C00] =	vst v63  }
0x30f: {  	s30 =	sadd.s32 $0xC0, s0;
	s31 =	simm.s32 $0xDB20  }
0x310: {  	[hbm4b:s30+s3] =	stream.linear.scatter [tilespmem:s31], [sflag:$0x4], $0x80, $0x38;
	[tilespmem:$0x10C00] =	vst v63  }
0x311: {  	s30 =	sadd.s32 $0xD0, s0;
	s31 =	simm.s32 $0xDBA8  }
0x312: {  	[hbm4b:s30+s3] =	stream.linear.scatter [tilespmem:s31], [sflag:$0x4], $0x80, $0x38;
	[tilespmem:$0x10C00] =	vst v63  }
0x313: {  	s30 =	sadd.s32 $0xE0, s0;
	s31 =	simm.s32 $0xDC30  }
0x314: {  	[hbm4b:s30+s3] =	stream.linear.scatter [tilespmem:s31], [sflag:$0x4], $0x80, $0x38;
	[tilespmem:$0x10C00] =	vst v63  }
0x315: {  	s30 =	sadd.s32 $0xF0, s0;
	s31 =	simm.s32 $0xDCB8  }
0x316: {  	[hbm4b:s30+s3] =	stream.linear.scatter [tilespmem:s31], [sflag:$0x4], $0x80, $0x38;
	[tilespmem:$0x10C00] =	vst v63  }
0x317: {  	s30 =	sadd.s32 $0x100, s0;
	s31 =	simm.s32 $0xEA00  }
0x318: {  	[hbm4b:s30+s3] =	stream.linear.scatter [tilespmem:s31], [sflag:$0x4], $0x80, $0x38;
	[tilespmem:$0x10C00] =	vst v63  }
0x319: {  	s30 =	sadd.s32 $0x110, s0;
	s31 =	simm.s32 $0xEA88  }
0x31a: {  	[hbm4b:s30+s3] =	stream.linear.scatter [tilespmem:s31], [sflag:$0x4], $0x80, $0x38;
	[tilespmem:$0x10C00] =	vst v63  }
0x31b: {  	s30 =	sadd.s32 $0x120, s0;
	s31 =	simm.s32 $0xEB10  }
0x31c: {  	[hbm4b:s30+s3] =	stream.linear.scatter [tilespmem:s31], [sflag:$0x4], $0x80, $0x38;
	[tilespmem:$0x10C00] =	vst v63  }
0x31d: {  	s30 =	sadd.s32 $0x130, s0;
	s31 =	simm.s32 $0xEB98  }
0x31e: {  	[hbm4b:s30+s3] =	stream.linear.scatter [tilespmem:s31], [sflag:$0x4], $0x80, $0x38;
	[tilespmem:$0x10C00] =	vst v63  }
0x31f: {  	s30 =	sadd.s32 $0x140, s0;
	s31 =	simm.s32 $0xEC20  }
0x320: {  	[hbm4b:s30+s3] =	stream.linear.scatter [tilespmem:s31], [sflag:$0x4], $0x80, $0x38;
	[tilespmem:$0x10C00] =	vst v63  }
0x321: {  	s30 =	sadd.s32 $0x150, s0;
	s31 =	simm.s32 $0xECA8  }
0x322: {  	[hbm4b:s30+s3] =	stream.linear.scatter [tilespmem:s31], [sflag:$0x4], $0x80, $0x38;
	[tilespmem:$0x10C00] =	vst v63  }
0x323: {  	s30 =	sadd.s32 $0x160, s0;
	s31 =	simm.s32 $0xED30  }
0x324: {  	[hbm4b:s30+s3] =	stream.linear.scatter [tilespmem:s31], [sflag:$0x4], $0x80, $0x38;
	[tilespmem:$0x10C00] =	vst v63  }
0x325: {  	s30 =	sadd.s32 $0x170, s0;
	s31 =	simm.s32 $0xEDB8  }
0x326: {  	[hbm4b:s30+s3] =	stream.linear.scatter [tilespmem:s31], [sflag:$0x4], $0x80, $0x38;
	[tilespmem:$0x10C00] =	vst v63  }
0x327: {  	s30 =	sadd.s32 $0x180, s0;
	s31 =	simm.s32 $0xFB00  }
0x328: {  	[hbm4b:s30+s3] =	stream.linear.scatter [tilespmem:s31], [sflag:$0x4], $0x80, $0x38;
	[tilespmem:$0x10C00] =	vst v63  }
0x329: {  	s30 =	sadd.s32 $0x190, s0;
	s31 =	simm.s32 $0xFB88  }
0x32a: {  	[hbm4b:s30+s3] =	stream.linear.scatter [tilespmem:s31], [sflag:$0x4], $0x80, $0x38;
	[tilespmem:$0x10C00] =	vst v63  }
0x32b: {  	s30 =	sadd.s32 $0x1A0, s0;
	s31 =	simm.s32 $0xFC10  }
0x32c: {  	[hbm4b:s30+s3] =	stream.linear.scatter [tilespmem:s31], [sflag:$0x4], $0x80, $0x38;
	[tilespmem:$0x10C00] =	vst v63  }
0x32d: {  	s30 =	sadd.s32 $0x1B0, s0;
	s31 =	simm.s32 $0xFC98  }
0x32e: {  	[hbm4b:s30+s3] =	stream.linear.scatter [tilespmem:s31], [sflag:$0x4], $0x80, $0x38;
	[tilespmem:$0x10C00] =	vst v63  }
0x32f: {  	s30 =	sadd.s32 $0x1C0, s0;
	s31 =	simm.s32 $0xFD20  }
0x330: {  	[hbm4b:s30+s3] =	stream.linear.scatter [tilespmem:s31], [sflag:$0x4], $0x80, $0x38;
	[tilespmem:$0x10C00] =	vst v63  }
0x331: {  	s30 =	sadd.s32 $0x1D0, s0;
	s31 =	simm.s32 $0xFDA8  }
0x332: {  	[hbm4b:s30+s3] =	stream.linear.scatter [tilespmem:s31], [sflag:$0x4], $0x80, $0x38;
	[tilespmem:$0x10C00] =	vst v63  }
0x333: {  	s30 =	sadd.s32 $0x1E0, s0;
	s31 =	simm.s32 $0xFE30  }
0x334: {  	[hbm4b:s30+s3] =	stream.linear.scatter [tilespmem:s31], [sflag:$0x4], $0x80, $0x38;
	[tilespmem:$0x10C00] =	vst v63  }
0x335: {  	s28 =	simm.s32 $0xFEB8;
	s0 =	sadd.s32 $0x1F0, s0  }
0x336: {  	[hbm4b:s0+s3] =	stream.linear.scatter [tilespmem:s28], [sflag:$0x4], $0x80, $0x38;
	[tilespmem:$0x10C00] =	vst v63  }
0x337: {  	s30 =	simm.s32 $0xCC40;
	s0 =	sadd.s32 s19, s15  }
0x338: {  	[hbm4b:s0+s3] =	stream.linear.scatter [tilespmem:s30], [sflag:$0x4], $0x80, $0x38;
	[tilespmem:$0x10C00] =	vst v63  }
0x339: {  	s31 =	sadd.s32 $0x10, s0;
	s30 =	simm.s32 $0xCCC8  }
0x33a: {  	[hbm4b:s31+s3] =	stream.linear.scatter [tilespmem:s30], [sflag:$0x4], $0x80, $0x38;
	[tilespmem:$0x10C00] =	vst v63  }
0x33b: {  	s31 =	sadd.s32 $0x20, s0;
	s30 =	simm.s32 $0xCD50  }
0x33c: {  	[hbm4b:s31+s3] =	stream.linear.scatter [tilespmem:s30], [sflag:$0x4], $0x80, $0x38;
	[tilespmem:$0x10C00] =	vst v63  }
0x33d: {  	s31 =	sadd.s32 $0x30, s0;
	s30 =	simm.s32 $0xCDD8  }
0x33e: {  	[hbm4b:s31+s3] =	stream.linear.scatter [tilespmem:s30], [sflag:$0x4], $0x80, $0x38;
	[tilespmem:$0x10C00] =	vst v63  }
0x33f: {  	s31 =	sadd.s32 $0x40, s0;
	s30 =	simm.s32 $0xCE60  }
0x340: {  	[hbm4b:s31+s3] =	stream.linear.scatter [tilespmem:s30], [sflag:$0x4], $0x80, $0x38;
	[tilespmem:$0x10C00] =	vst v63  }
0x341: {  	s31 =	sadd.s32 $0x50, s0;
	s30 =	simm.s32 $0xCEE8  }
0x342: {  	[hbm4b:s31+s3] =	stream.linear.scatter [tilespmem:s30], [sflag:$0x4], $0x80, $0x38;
	[tilespmem:$0x10C00] =	vst v63  }
0x343: {  	s31 =	sadd.s32 $0x60, s0;
	s30 =	simm.s32 $0xCF70  }
0x344: {  	[hbm4b:s31+s3] =	stream.linear.scatter [tilespmem:s30], [sflag:$0x4], $0x80, $0x38;
	[tilespmem:$0x10C00] =	vst v63  }
0x345: {  	s31 =	sadd.s32 $0x70, s0;
	s30 =	simm.s32 $0xCFF8  }
0x346: {  	[hbm4b:s31+s3] =	stream.linear.scatter [tilespmem:s30], [sflag:$0x4], $0x80, $0x38;
	[tilespmem:$0x10C00] =	vst v63  }
0x347: {  	s31 =	sadd.s32 $0x80, s0;
	s30 =	simm.s32 $0xDD40  }
0x348: {  	[hbm4b:s31+s3] =	stream.linear.scatter [tilespmem:s30], [sflag:$0x4], $0x80, $0x38;
	[tilespmem:$0x10C00] =	vst v63  }
0x349: {  	s31 =	sadd.s32 $0x90, s0;
	s30 =	simm.s32 $0xDDC8  }
0x34a: {  	[hbm4b:s31+s3] =	stream.linear.scatter [tilespmem:s30], [sflag:$0x4], $0x80, $0x38;
	[tilespmem:$0x10C00] =	vst v63  }
0x34b: {  	s31 =	sadd.s32 $0xA0, s0;
	s30 =	simm.s32 $0xDE50  }
0x34c: {  	[hbm4b:s31+s3] =	stream.linear.scatter [tilespmem:s30], [sflag:$0x4], $0x80, $0x38;
	[tilespmem:$0x10C00] =	vst v63  }
0x34d: {  	s31 =	sadd.s32 $0xB0, s0;
	s30 =	simm.s32 $0xDED8  }
0x34e: {  	[hbm4b:s31+s3] =	stream.linear.scatter [tilespmem:s30], [sflag:$0x4], $0x80, $0x38;
	[tilespmem:$0x10C00] =	vst v63  }
0x34f: {  	s31 =	sadd.s32 $0xC0, s0;
	s30 =	simm.s32 $0xDF60  }
0x350: {  	[hbm4b:s31+s3] =	stream.linear.scatter [tilespmem:s30], [sflag:$0x4], $0x80, $0x38;
	[tilespmem:$0x10C00] =	vst v63  }
0x351: {  	s31 =	sadd.s32 $0xD0, s0;
	s30 =	simm.s32 $0xDFE8  }
0x352: {  	[hbm4b:s31+s3] =	stream.linear.scatter [tilespmem:s30], [sflag:$0x4], $0x80, $0x38;
	[tilespmem:$0x10C00] =	vst v63  }
0x353: {  	s31 =	sadd.s32 $0xE0, s0;
	s30 =	simm.s32 $0xE070  }
0x354: {  	[hbm4b:s31+s3] =	stream.linear.scatter [tilespmem:s30], [sflag:$0x4], $0x80, $0x38;
	[tilespmem:$0x10C00] =	vst v63  }
0x355: {  	s31 =	sadd.s32 $0xF0, s0;
	s30 =	simm.s32 $0xE0F8  }
0x356: {  	[hbm4b:s31+s3] =	stream.linear.scatter [tilespmem:s30], [sflag:$0x4], $0x80, $0x38;
	[tilespmem:$0x10C00] =	vst v63  }
0x357: {  	s31 =	sadd.s32 $0x100, s0;
	s30 =	simm.s32 $0xEE40  }
0x358: {  	[hbm4b:s31+s3] =	stream.linear.scatter [tilespmem:s30], [sflag:$0x4], $0x80, $0x38;
	[tilespmem:$0x10C00] =	vst v63  }
0x359: {  	s31 =	sadd.s32 $0x110, s0;
	s30 =	simm.s32 $0xEEC8  }
0x35a: {  	[hbm4b:s31+s3] =	stream.linear.scatter [tilespmem:s30], [sflag:$0x4], $0x80, $0x38;
	[tilespmem:$0x10C00] =	vst v63  }
0x35b: {  	s31 =	sadd.s32 $0x120, s0;
	s30 =	simm.s32 $0xEF50  }
0x35c: {  	[hbm4b:s31+s3] =	stream.linear.scatter [tilespmem:s30], [sflag:$0x4], $0x80, $0x38;
	[tilespmem:$0x10C00] =	vst v63  }
0x35d: {  	s31 =	sadd.s32 $0x130, s0;
	s30 =	simm.s32 $0xEFD8  }
0x35e: {  	[hbm4b:s31+s3] =	stream.linear.scatter [tilespmem:s30], [sflag:$0x4], $0x80, $0x38;
	[tilespmem:$0x10C00] =	vst v63  }
0x35f: {  	s31 =	sadd.s32 $0x140, s0;
	s30 =	simm.s32 $0xF060  }
0x360: {  	[hbm4b:s31+s3] =	stream.linear.scatter [tilespmem:s30], [sflag:$0x4], $0x80, $0x38;
	[tilespmem:$0x10C00] =	vst v63  }
0x361: {  	s31 =	sadd.s32 $0x150, s0;
	s30 =	simm.s32 $0xF0E8  }
0x362: {  	[hbm4b:s31+s3] =	stream.linear.scatter [tilespmem:s30], [sflag:$0x4], $0x80, $0x38;
	[tilespmem:$0x10C00] =	vst v63  }
0x363: {  	s31 =	sadd.s32 $0x160, s0;
	s30 =	simm.s32 $0xF170  }
0x364: {  	[hbm4b:s31+s3] =	stream.linear.scatter [tilespmem:s30], [sflag:$0x4], $0x80, $0x38;
	[tilespmem:$0x10C00] =	vst v63  }
0x365: {  	s31 =	sadd.s32 $0x170, s0;
	s30 =	simm.s32 $0xF1F8  }
0x366: {  	[hbm4b:s31+s3] =	stream.linear.scatter [tilespmem:s30], [sflag:$0x4], $0x80, $0x38;
	[tilespmem:$0x10C00] =	vst v63  }
0x367: {  	s31 =	sadd.s32 $0x180, s0;
	s30 =	simm.s32 $0xFF40  }
0x368: {  	[hbm4b:s31+s3] =	stream.linear.scatter [tilespmem:s30], [sflag:$0x4], $0x80, $0x38;
	[tilespmem:$0x10C00] =	vst v63  }
0x369: {  	s31 =	sadd.s32 $0x190, s0;
	s30 =	simm.s32 $0xFFC8  }
0x36a: {  	[hbm4b:s31+s3] =	stream.linear.scatter [tilespmem:s30], [sflag:$0x4], $0x80, $0x38;
	[tilespmem:$0x10C00] =	vst v63  }
0x36b: {  	s31 =	sadd.s32 $0x1A0, s0;
	s30 =	simm.s32 $0x10050  }
0x36c: {  	[hbm4b:s31+s3] =	stream.linear.scatter [tilespmem:s30], [sflag:$0x4], $0x80, $0x38;
	[tilespmem:$0x10C00] =	vst v63  }
0x36d: {  	s31 =	sadd.s32 $0x1B0, s0;
	s30 =	simm.s32 $0x100D8  }
0x36e: {  	[hbm4b:s31+s3] =	stream.linear.scatter [tilespmem:s30], [sflag:$0x4], $0x80, $0x38;
	[tilespmem:$0x10C00] =	vst v63  }
0x36f: {  	s31 =	sadd.s32 $0x1C0, s0;
	s30 =	simm.s32 $0x10160  }
0x370: {  	[hbm4b:s31+s3] =	stream.linear.scatter [tilespmem:s30], [sflag:$0x4], $0x80, $0x38;
	[tilespmem:$0x10C00] =	vst v63  }
0x371: {  	s31 =	sadd.s32 $0x1D0, s0;
	s30 =	simm.s32 $0x101E8  }
0x372: {  	[hbm4b:s31+s3] =	stream.linear.scatter [tilespmem:s30], [sflag:$0x4], $0x80, $0x38;
	[tilespmem:$0x10C00] =	vst v63  }
0x373: {  	s31 =	sadd.s32 $0x1E0, s0;
	s30 =	simm.s32 $0x10270  }
0x374: {  	[hbm4b:s31+s3] =	stream.linear.scatter [tilespmem:s30], [sflag:$0x4], $0x80, $0x38;
	[tilespmem:$0x10C00] =	vst v63  }
0x375: {  	s0 =	sadd.s32 $0x1F0, s0;
	s31 =	simm.s32 $0x102F8  }
0x376: {  	[hbm4b:s0+s3] =	stream.linear.scatter [tilespmem:s31], [sflag:$0x4], $0x80, $0x38;
	[tilespmem:$0x10C00] =	vst v63  }
0x377: {  	s28 =	simm.s32 $0xD080;
	s0 =	sadd.s32 s19, s16  }
0x378: {  	[hbm4b:s0+s3] =	stream.linear.scatter [tilespmem:s28], [sflag:$0x4], $0x80, $0x38;
	[tilespmem:$0x10C00] =	vst v63  }
0x379: {  	s31 =	simm.s32 $0xD108;
	s30 =	sadd.s32 $0x10, s0  }
0x37a: {  	[hbm4b:s30+s3] =	stream.linear.scatter [tilespmem:s31], [sflag:$0x4], $0x80, $0x38;
	[tilespmem:$0x10C00] =	vst v63  }
0x37b: {  	s30 =	sadd.s32 $0x20, s0;
	s31 =	simm.s32 $0xD190  }
0x37c: {  	[hbm4b:s30+s3] =	stream.linear.scatter [tilespmem:s31], [sflag:$0x4], $0x80, $0x38;
	[tilespmem:$0x10C00] =	vst v63  }
0x37d: {  	s30 =	sadd.s32 $0x30, s0;
	s31 =	simm.s32 $0xD218  }
0x37e: {  	[hbm4b:s30+s3] =	stream.linear.scatter [tilespmem:s31], [sflag:$0x4], $0x80, $0x38;
	[tilespmem:$0x10C00] =	vst v63  }
0x37f: {  	s30 =	sadd.s32 $0x40, s0;
	s31 =	simm.s32 $0xD2A0  }
0x380: {  	[hbm4b:s30+s3] =	stream.linear.scatter [tilespmem:s31], [sflag:$0x4], $0x80, $0x38;
	[tilespmem:$0x10C00] =	vst v63  }
0x381: {  	s30 =	sadd.s32 $0x50, s0;
	s31 =	simm.s32 $0xD328  }
0x382: {  	[hbm4b:s30+s3] =	stream.linear.scatter [tilespmem:s31], [sflag:$0x4], $0x80, $0x38;
	[tilespmem:$0x10C00] =	vst v63  }
0x383: {  	s30 =	sadd.s32 $0x60, s0;
	s31 =	simm.s32 $0xD3B0  }
0x384: {  	[hbm4b:s30+s3] =	stream.linear.scatter [tilespmem:s31], [sflag:$0x4], $0x80, $0x38;
	[tilespmem:$0x10C00] =	vst v63  }
0x385: {  	s30 =	sadd.s32 $0x70, s0;
	s31 =	simm.s32 $0xD438  }
0x386: {  	[hbm4b:s30+s3] =	stream.linear.scatter [tilespmem:s31], [sflag:$0x4], $0x80, $0x38;
	[tilespmem:$0x10C00] =	vst v63  }
0x387: {  	s30 =	sadd.s32 $0x80, s0;
	s31 =	simm.s32 $0xE180  }
0x388: {  	[hbm4b:s30+s3] =	stream.linear.scatter [tilespmem:s31], [sflag:$0x4], $0x80, $0x38;
	[tilespmem:$0x10C00] =	vst v63  }
0x389: {  	s30 =	sadd.s32 $0x90, s0;
	s31 =	simm.s32 $0xE208  }
0x38a: {  	[hbm4b:s30+s3] =	stream.linear.scatter [tilespmem:s31], [sflag:$0x4], $0x80, $0x38;
	[tilespmem:$0x10C00] =	vst v63  }
0x38b: {  	s30 =	sadd.s32 $0xA0, s0;
	s31 =	simm.s32 $0xE290  }
0x38c: {  	[hbm4b:s30+s3] =	stream.linear.scatter [tilespmem:s31], [sflag:$0x4], $0x80, $0x38;
	[tilespmem:$0x10C00] =	vst v63  }
0x38d: {  	s30 =	sadd.s32 $0xB0, s0;
	s31 =	simm.s32 $0xE318  }
0x38e: {  	[hbm4b:s30+s3] =	stream.linear.scatter [tilespmem:s31], [sflag:$0x4], $0x80, $0x38;
	[tilespmem:$0x10C00] =	vst v63  }
0x38f: {  	s30 =	sadd.s32 $0xC0, s0;
	s31 =	simm.s32 $0xE3A0  }
0x390: {  	[hbm4b:s30+s3] =	stream.linear.scatter [tilespmem:s31], [sflag:$0x4], $0x80, $0x38;
	[tilespmem:$0x10C00] =	vst v63  }
0x391: {  	s30 =	sadd.s32 $0xD0, s0;
	s31 =	simm.s32 $0xE428  }
0x392: {  	[hbm4b:s30+s3] =	stream.linear.scatter [tilespmem:s31], [sflag:$0x4], $0x80, $0x38;
	[tilespmem:$0x10C00] =	vst v63  }
0x393: {  	s30 =	sadd.s32 $0xE0, s0;
	s31 =	simm.s32 $0xE4B0  }
0x394: {  	[hbm4b:s30+s3] =	stream.linear.scatter [tilespmem:s31], [sflag:$0x4], $0x80, $0x38;
	[tilespmem:$0x10C00] =	vst v63  }
0x395: {  	s30 =	sadd.s32 $0xF0, s0;
	s31 =	simm.s32 $0xE538  }
0x396: {  	[hbm4b:s30+s3] =	stream.linear.scatter [tilespmem:s31], [sflag:$0x4], $0x80, $0x38;
	[tilespmem:$0x10C00] =	vst v63  }
0x397: {  	s30 =	sadd.s32 $0x100, s0;
	s31 =	simm.s32 $0xF280  }
0x398: {  	[hbm4b:s30+s3] =	stream.linear.scatter [tilespmem:s31], [sflag:$0x4], $0x80, $0x38;
	[tilespmem:$0x10C00] =	vst v63  }
0x399: {  	s30 =	sadd.s32 $0x110, s0;
	s31 =	simm.s32 $0xF308  }
0x39a: {  	[hbm4b:s30+s3] =	stream.linear.scatter [tilespmem:s31], [sflag:$0x4], $0x80, $0x38;
	[tilespmem:$0x10C00] =	vst v63  }
0x39b: {  	s30 =	sadd.s32 $0x120, s0;
	s31 =	simm.s32 $0xF390  }
0x39c: {  	[hbm4b:s30+s3] =	stream.linear.scatter [tilespmem:s31], [sflag:$0x4], $0x80, $0x38;
	[tilespmem:$0x10C00] =	vst v63  }
0x39d: {  	s30 =	sadd.s32 $0x130, s0;
	s31 =	simm.s32 $0xF418  }
0x39e: {  	[hbm4b:s30+s3] =	stream.linear.scatter [tilespmem:s31], [sflag:$0x4], $0x80, $0x38;
	[tilespmem:$0x10C00] =	vst v63  }
0x39f: {  	s30 =	sadd.s32 $0x140, s0;
	s31 =	simm.s32 $0xF4A0  }
0x3a0: {  	[hbm4b:s30+s3] =	stream.linear.scatter [tilespmem:s31], [sflag:$0x4], $0x80, $0x38;
	[tilespmem:$0x10C00] =	vst v63  }
0x3a1: {  	s30 =	sadd.s32 $0x150, s0;
	s31 =	simm.s32 $0xF528  }
0x3a2: {  	[hbm4b:s30+s3] =	stream.linear.scatter [tilespmem:s31], [sflag:$0x4], $0x80, $0x38;
	[tilespmem:$0x10C00] =	vst v63  }
0x3a3: {  	s30 =	sadd.s32 $0x160, s0;
	s31 =	simm.s32 $0xF5B0  }
0x3a4: {  	[hbm4b:s30+s3] =	stream.linear.scatter [tilespmem:s31], [sflag:$0x4], $0x80, $0x38;
	[tilespmem:$0x10C00] =	vst v63  }
0x3a5: {  	s30 =	sadd.s32 $0x170, s0;
	s31 =	simm.s32 $0xF638  }
0x3a6: {  	[hbm4b:s30+s3] =	stream.linear.scatter [tilespmem:s31], [sflag:$0x4], $0x80, $0x38;
	[tilespmem:$0x10C00] =	vst v63  }
0x3a7: {  	s30 =	sadd.s32 $0x180, s0;
	s31 =	simm.s32 $0x10380  }
0x3a8: {  	[hbm4b:s30+s3] =	stream.linear.scatter [tilespmem:s31], [sflag:$0x4], $0x80, $0x38;
	[tilespmem:$0x10C00] =	vst v63  }
0x3a9: {  	s30 =	sadd.s32 $0x190, s0;
	s31 =	simm.s32 $0x10408  }
0x3aa: {  	[hbm4b:s30+s3] =	stream.linear.scatter [tilespmem:s31], [sflag:$0x4], $0x80, $0x38;
	[tilespmem:$0x10C00] =	vst v63  }
0x3ab: {  	s30 =	sadd.s32 $0x1A0, s0;
	s31 =	simm.s32 $0x10490  }
0x3ac: {  	[hbm4b:s30+s3] =	stream.linear.scatter [tilespmem:s31], [sflag:$0x4], $0x80, $0x38;
	[tilespmem:$0x10C00] =	vst v63  }
0x3ad: {  	s30 =	sadd.s32 $0x1B0, s0;
	s31 =	simm.s32 $0x10518  }
0x3ae: {  	[hbm4b:s30+s3] =	stream.linear.scatter [tilespmem:s31], [sflag:$0x4], $0x80, $0x38;
	[tilespmem:$0x10C00] =	vst v63  }
0x3af: {  	s30 =	sadd.s32 $0x1C0, s0;
	s31 =	simm.s32 $0x105A0  }
0x3b0: {  	[hbm4b:s30+s3] =	stream.linear.scatter [tilespmem:s31], [sflag:$0x4], $0x80, $0x38;
	[tilespmem:$0x10C00] =	vst v63  }
0x3b1: {  	s30 =	sadd.s32 $0x1D0, s0;
	s31 =	simm.s32 $0x10628  }
0x3b2: {  	[hbm4b:s30+s3] =	stream.linear.scatter [tilespmem:s31], [sflag:$0x4], $0x80, $0x38;
	[tilespmem:$0x10C00] =	vst v63  }
0x3b3: {  	s30 =	sadd.s32 $0x1E0, s0;
	s31 =	simm.s32 $0x106B0  }
0x3b4: {  	[hbm4b:s30+s3] =	stream.linear.scatter [tilespmem:s31], [sflag:$0x4], $0x80, $0x38;
	[tilespmem:$0x10C00] =	vst v63  }
0x3b5: {  	s0 =	sadd.s32 $0x1F0, s0;
	s30 =	simm.s32 $0x10738  }
0x3b6: {  	[hbm4b:s0+s3] =	stream.linear.scatter [tilespmem:s30], [sflag:$0x4], $0x80, $0x38;
	[tilespmem:$0x10C00] =	vst v63  }
0x3b7: {  	s31 =	simm.s32 $0xD4C0;
	s0 =	sadd.s32 s19, s17  }
0x3b8: {  	[hbm4b:s0+s3] =	stream.linear.scatter [tilespmem:s31], [sflag:$0x4], $0x80, $0x38;
	[tilespmem:$0x10C00] =	vst v63  }
0x3b9: {  	s28 =	simm.s32 $0xD548;
	s19 =	sadd.s32 $0x10, s0  }
0x3ba: {  	[hbm4b:s19+s3] =	stream.linear.scatter [tilespmem:s28], [sflag:$0x4], $0x80, $0x38;
	[tilespmem:$0x10C00] =	vst v63  }
0x3bb: {  	s30 =	sadd.s32 $0x20, s0;
	s31 =	simm.s32 $0xD5D0  }
0x3bc: {  	[hbm4b:s30+s3] =	stream.linear.scatter [tilespmem:s31], [sflag:$0x4], $0x80, $0x38;
	[tilespmem:$0x10C00] =	vst v63  }
0x3bd: {  	s19 =	sadd.s32 $0x30, s0;
	s28 =	simm.s32 $0xD658  }
0x3be: {  	[hbm4b:s19+s3] =	stream.linear.scatter [tilespmem:s28], [sflag:$0x4], $0x80, $0x38;
	[tilespmem:$0x10C00] =	vst v63  }
0x3bf: {  	s30 =	sadd.s32 $0x40, s0;
	s31 =	simm.s32 $0xD6E0  }
0x3c0: {  	[hbm4b:s30+s3] =	stream.linear.scatter [tilespmem:s31], [sflag:$0x4], $0x80, $0x38;
	[tilespmem:$0x10C00] =	vst v63  }
0x3c1: {  	s19 =	sadd.s32 $0x50, s0;
	s28 =	simm.s32 $0xD768  }
0x3c2: {  	[hbm4b:s19+s3] =	stream.linear.scatter [tilespmem:s28], [sflag:$0x4], $0x80, $0x38;
	[tilespmem:$0x10C00] =	vst v63  }
0x3c3: {  	s30 =	sadd.s32 $0x60, s0;
	s31 =	simm.s32 $0xD7F0  }
0x3c4: {  	[hbm4b:s30+s3] =	stream.linear.scatter [tilespmem:s31], [sflag:$0x4], $0x80, $0x38;
	[tilespmem:$0x10C00] =	vst v63  }
0x3c5: {  	s19 =	sadd.s32 $0x70, s0;
	s28 =	simm.s32 $0xD878  }
0x3c6: {  	[hbm4b:s19+s3] =	stream.linear.scatter [tilespmem:s28], [sflag:$0x4], $0x80, $0x38;
	[tilespmem:$0x10C00] =	vst v63  }
0x3c7: {  	s30 =	sadd.s32 $0x80, s0;
	s31 =	simm.s32 $0xE5C0  }
0x3c8: {  	[hbm4b:s30+s3] =	stream.linear.scatter [tilespmem:s31], [sflag:$0x4], $0x80, $0x38;
	[tilespmem:$0x10C00] =	vst v63  }
0x3c9: {  	s19 =	sadd.s32 $0x90, s0;
	s28 =	simm.s32 $0xE648  }
0x3ca: {  	[hbm4b:s19+s3] =	stream.linear.scatter [tilespmem:s28], [sflag:$0x4], $0x80, $0x38;
	[tilespmem:$0x10C00] =	vst v63  }
0x3cb: {  	s30 =	sadd.s32 $0xA0, s0;
	s31 =	simm.s32 $0xE6D0  }
0x3cc: {  	[hbm4b:s30+s3] =	stream.linear.scatter [tilespmem:s31], [sflag:$0x4], $0x80, $0x38;
	[tilespmem:$0x10C00] =	vst v63  }
0x3cd: {  	s19 =	sadd.s32 $0xB0, s0;
	s28 =	simm.s32 $0xE758  }
0x3ce: {  	[hbm4b:s19+s3] =	stream.linear.scatter [tilespmem:s28], [sflag:$0x4], $0x80, $0x38;
	[tilespmem:$0x10C00] =	vst v63  }
0x3cf: {  	s30 =	sadd.s32 $0xC0, s0;
	s31 =	simm.s32 $0xE7E0  }
0x3d0: {  	[hbm4b:s30+s3] =	stream.linear.scatter [tilespmem:s31], [sflag:$0x4], $0x80, $0x38;
	[tilespmem:$0x10C00] =	vst v63  }
0x3d1: {  	s19 =	sadd.s32 $0xD0, s0;
	s28 =	simm.s32 $0xE868  }
0x3d2: {  	[hbm4b:s19+s3] =	stream.linear.scatter [tilespmem:s28], [sflag:$0x4], $0x80, $0x38;
	[tilespmem:$0x10C00] =	vst v63  }
0x3d3: {  	s30 =	sadd.s32 $0xE0, s0;
	s31 =	simm.s32 $0xE8F0  }
0x3d4: {  	[hbm4b:s30+s3] =	stream.linear.scatter [tilespmem:s31], [sflag:$0x4], $0x80, $0x38;
	[tilespmem:$0x10C00] =	vst v63  }
0x3d5: {  	s19 =	sadd.s32 $0xF0, s0;
	s28 =	simm.s32 $0xE978  }
0x3d6: {  	[hbm4b:s19+s3] =	stream.linear.scatter [tilespmem:s28], [sflag:$0x4], $0x80, $0x38;
	[tilespmem:$0x10C00] =	vst v63  }
0x3d7: {  	s30 =	sadd.s32 $0x100, s0;
	s31 =	simm.s32 $0xF6C0  }
0x3d8: {  	[hbm4b:s30+s3] =	stream.linear.scatter [tilespmem:s31], [sflag:$0x4], $0x80, $0x38;
	[tilespmem:$0x10C00] =	vst v63  }
0x3d9: {  	s19 =	sadd.s32 $0x110, s0;
	s28 =	simm.s32 $0xF748  }
0x3da: {  	[hbm4b:s19+s3] =	stream.linear.scatter [tilespmem:s28], [sflag:$0x4], $0x80, $0x38;
	[tilespmem:$0x10C00] =	vst v63  }
0x3db: {  	s30 =	sadd.s32 $0x120, s0;
	s31 =	simm.s32 $0xF7D0  }
0x3dc: {  	[hbm4b:s30+s3] =	stream.linear.scatter [tilespmem:s31], [sflag:$0x4], $0x80, $0x38;
	[tilespmem:$0x10C00] =	vst v63  }
0x3dd: {  	s19 =	sadd.s32 $0x130, s0;
	s28 =	simm.s32 $0xF858  }
0x3de: {  	[hbm4b:s19+s3] =	stream.linear.scatter [tilespmem:s28], [sflag:$0x4], $0x80, $0x38;
	[tilespmem:$0x10C00] =	vst v63  }
0x3df: {  	s30 =	sadd.s32 $0x140, s0;
	s31 =	simm.s32 $0xF8E0  }
0x3e0: {  	[hbm4b:s30+s3] =	stream.linear.scatter [tilespmem:s31], [sflag:$0x4], $0x80, $0x38;
	[tilespmem:$0x10C00] =	vst v63  }
0x3e1: {  	s19 =	sadd.s32 $0x150, s0;
	s28 =	simm.s32 $0xF968  }
0x3e2: {  	[hbm4b:s19+s3] =	stream.linear.scatter [tilespmem:s28], [sflag:$0x4], $0x80, $0x38;
	[tilespmem:$0x10C00] =	vst v63  }
0x3e3: {  	s30 =	sadd.s32 $0x160, s0;
	s31 =	simm.s32 $0xF9F0  }
0x3e4: {  	[hbm4b:s30+s3] =	stream.linear.scatter [tilespmem:s31], [sflag:$0x4], $0x80, $0x38;
	[tilespmem:$0x10C00] =	vst v63  }
0x3e5: {  	s19 =	sadd.s32 $0x170, s0;
	s28 =	simm.s32 $0xFA78  }
0x3e6: {  	[hbm4b:s19+s3] =	stream.linear.scatter [tilespmem:s28], [sflag:$0x4], $0x80, $0x38;
	[tilespmem:$0x10C00] =	vst v63  }
0x3e7: {  	s30 =	sadd.s32 $0x180, s0;
	s31 =	simm.s32 $0x107C0  }
0x3e8: {  	[hbm4b:s30+s3] =	stream.linear.scatter [tilespmem:s31], [sflag:$0x4], $0x80, $0x38;
	[tilespmem:$0x10C00] =	vst v63  }
0x3e9: {  	s19 =	sadd.s32 $0x190, s0;
	s28 =	simm.s32 $0x10848  }
0x3ea: {  	[hbm4b:s19+s3] =	stream.linear.scatter [tilespmem:s28], [sflag:$0x4], $0x80, $0x38;
	[tilespmem:$0x10C00] =	vst v63  }
0x3eb: {  	s30 =	sadd.s32 $0x1A0, s0;
	s31 =	simm.s32 $0x108D0  }
0x3ec: {  	[hbm4b:s30+s3] =	stream.linear.scatter [tilespmem:s31], [sflag:$0x4], $0x80, $0x38;
	[tilespmem:$0x10C00] =	vst v63  }
0x3ed: {  	s19 =	sadd.s32 $0x1B0, s0  }
0x3ee: {  	[hbm4b:s19+s3] =	stream.linear.scatter [tilespmem:s21], [sflag:$0x4], $0x80, $0x38;
	[tilespmem:$0x10C00] =	vst v63  }
0x3ef: {  	s7 =	sadd.s32 $0x1, s7;
	s28 =	sadd.s32 $0x1C0, s0  }
0x3f0: {  	[hbm4b:s28+s3] =	stream.linear.scatter [tilespmem:s22], [sflag:$0x4], $0x80, $0x38;
	[tilespmem:$0x10C00] =	vst v63  }
0x3f1: {  	p0 =	sne.s32 s7, $0x64;
	s30 =	sadd.s32 $0x1D0, s0  }
0x3f2: {  	[hbm4b:s30+s3] =	stream.linear.scatter [tilespmem:s23], [sflag:$0x4], $0x80, $0x38;
	[tilespmem:$0x10C00] =	vst v63  }
.Ltmp4:
0x3f3: {  	_ = 	snop;
	(pc) =	sbr.rel @p0 .LBB2_2-.Ltmp4, $4  }
0x3f4: {  	s31 =	sadd.s32 $0x1E0, s0  }
0x3f5: {  	[hbm4b:s31+s3] =	stream.linear.scatter [tilespmem:s26], [sflag:$0x4], $0x80, $0x38;
	[tilespmem:$0x10C00] =	vst v63  }
0x3f6: {  	s0 =	sadd.s32 $0x1F0, s0  }
0x3f7: {  	[hbm4b:s0+s3] =	stream.linear.scatter [tilespmem:s8], [sflag:$0x4], $0x80, $0x38;
	[tilespmem:$0x10C00] =	vst v63  }
0x3f8: {  	_ =	swait.ge [sflag:s18], $0x1000  }
0x3f9: {  	[sflag:s18] =	ssyncset.done $0x0  }
0x3fa: {  	[sflag:s18] =	ssyncadd.s32 $0xFFFFF000  }
0x3fb: {  	_ =	swait.ge [sflag:s18], $0x1000  }
0x3fc: {  	[sflag:s18] =	ssyncset.done $0x0  }
0x3fd: {  	[sflag:s18] =	ssyncadd.s32 $0xFFFFF000  }
0x3fe: {  	_ =	swait.ge [sflag:s18], $0x1000  }
0x3ff: {  	[sflag:s18] =	ssyncset.done $0x0  }
0x400: {  	[sflag:s18] =	ssyncadd.s32 $0xFFFFF000  }
0x401: {  	_ =	swait.ge [sflag:s18], $0x1000  }
0x402: {  	[sflag:s18] =	ssyncset.done $0x0  }
0x403: {  	s2 =	simm.s32 $0x4;
	[sflag:s18] =	ssyncadd.s32 $0xFFFFF000  }
0x404: {  	_ =	swait.ge [sflag:s2], $0x1000  }
0x405: {  	[sflag:s2] =	ssyncset.done $0x0  }
0x406: {  	[sflag:s2] =	ssyncadd.s32 $0xFFFFF000  }
0x407: {  	_ =	swait.ge [sflag:s2], $0x1000  }
0x408: {  	[sflag:s2] =	ssyncset.done $0x0  }
0x409: {  	[sflag:s2] =	ssyncadd.s32 $0xFFFFF000  }
0x40a: {  	_ =	swait.ge [sflag:s2], $0x1000  }
0x40b: {  	[sflag:s2] =	ssyncset.done $0x0  }
0x40c: {  	[sflag:s2] =	ssyncadd.s32 $0xFFFFF000  }
0x40d: {  	_ =	swait.ge [sflag:s2], $0x1000  }
0x40e: {  	s7 =	rddreg [dreg:$0x6]  }
0x40f: {  	s0 =	rddreg [dreg:$0x5];
	s7 =	sadd.s32 $0x1, s7  }
0x410: {  	p0 =	sne.s32 s7, s0  }
.Ltmp5:
0x411: {  	_ = 	snop;
	(pc) =	sbr.rel @p0 .LBB2_1-.Ltmp5, $3  }
0x412: {  	_ =	sdelay $0x1  }
0x413: {  	[sflag:s2] =	ssyncset.done $0x0  }
0x414: {  	[sflag:s2] =	ssyncadd.s32 $0xFFFFF000  }
0x415: {  	_ =	sfence.sel $0x180000  }
0x416: {  	[bflag:$0x0] =	sbarrier.arrive $0xFFFF  }
0x417: {  	_ =	strace $0x90000047  }
0x418: {  	s0 =	stileid.u32;
	[bflag:$0x2] =	sbarrier.arrive $0xFFFF  }
0x419: {  	p0 =	sne.s32 s0, $0x0;
	s0 =	rddreg [dreg:$0x2]  }
0x41a: {  	s0 =	sadd.s32 @!p0 $0x100000, s0  }
0x41b: {  	[sflag:s0] =	ssyncadd.tile.s32 @!p0 $0x1;
	_ =	shalt  }
.Lfunc_end2:
_tile_overlayer_lowered:
.L_overlay_start_2:
0x41c: {  	(tag) =	ssettag $0x2  }
0x41d: {  	s0 =	rddreg [dreg:$0x0];
	s2 =	stileid.u32  }
0x41e: {  	s1 =	rddreg [dreg:$0x1];
	p0 =	sne.s32 s2, $0x0  }
0x41f: {  	s3 =	rddreg [dreg:$0x2];
	[bflag:$0x3] =	sbarrier.arrive $0xFFFF;
	s2 =	simm.s32 @!p0 $0x1C07  }
0x420: {  	[timem:s3], [sflag:s2] =	dma.local @!p0 [hbm:s0], s1  }
0x421: {  	s0 =	simm.s32 @!p0 $0x7  }
0x422: {  	_ =	swait.ge @!p0 [sflag:s0], s1  }
0x423: {  	s1 =	ssub.s32 @!p0 $0x0, s1;
	[sflag:s0] =	ssyncset.done @!p0 $0x0  }
0x424: {  	[sflag:s0] =	ssyncadd.s32 @!p0 s1  }
0x425: {  	[bflag:$0x3] =	sbarrier.arrive $0xFFFF  }
0x426: {  	_ =	shalt  }

</sc_bundles>
